<compile_context>
chip_gen: v7x
topology: tpu7x:2x2x1
jax: 0.10.2.dev20260603
libtpu: 0.0.44.dev20260713+nightly
codegen_flags: <defaults>
</compile_context>

<pallas_src>
import functools

import jax
import jax.numpy as jnp
from jax import lax
from jax.experimental import pallas as pl
from jax.experimental.pallas import tpu as pltpu
from jax.experimental.pallas import tpu_sc as plsc

IN_SIZE = 1000000
OUT_SIZE = 64
BATCH = 16384
HIST = 50
TOTAL = BATCH * HIST

_info = plsc.get_sparse_core_info()
_NC, _NS, _NL = _info.num_cores, _info.num_subcores, _info.num_lanes
NW = _NC * _NS
B_PER_W = TOTAL // NW
CHUNK = 256
NCHUNKS = B_PER_W // CHUNK
NPAIR = NCHUNKS // 2
NI = TOTAL // 128
NI_CHUNK = CHUNK // 128


@functools.partial(
    pl.kernel,
    mesh=plsc.VectorSubcoreMesh(core_axis_name="c", subcore_axis_name="s"),
    out_type=jax.ShapeDtypeStruct((8, NI, 8, 128), jnp.float32),
    scratch_types=[
        pltpu.VMEM((B_PER_W,), jnp.int32),
        pltpu.VMEM((CHUNK, OUT_SIZE), jnp.float32),
        pltpu.VMEM((CHUNK, OUT_SIZE), jnp.float32),
        pltpu.VMEM((8, NI_CHUNK, 8, 129), jnp.float32),
        pltpu.VMEM((8, NI_CHUNK, 8, 129), jnp.float32),
        pltpu.SemaphoreType.DMA,
        pltpu.SemaphoreType.DMA,
        pltpu.SemaphoreType.DMA,
        pltpu.SemaphoreType.DMA,
    ],
    compiler_params=pltpu.CompilerParams(
        use_tc_tiling_on_sc=False, needs_layout_passes=False
    ),
)
def _gather_kernel(
    table_hbm, idx_hbm, out_hbm, idx_v, rows_a, rows_b, t0, t1, ga, gb, wa, wb
):
    wid = lax.axis_index("s") * _NC + lax.axis_index("c")
    base = wid * B_PER_W
    rows = [rows_a, rows_b]
    gsem = [ga, gb]
    tbuf = [t0, t1]
    wsem = [wa, wb]

    pltpu.sync_copy(idx_hbm.at[pl.ds(base, B_PER_W)], idx_v)

    @plsc.parallel_loop(0, B_PER_W // _NL)
    def _dbl(i):
        sl = pl.ds(i * _NL, _NL)
        idx_v[sl] = idx_v[sl] * 2

    def g_copy(c, b):
        off = pl.multiple_of(c * CHUNK, 8)
        return pltpu.make_async_copy(
            table_hbm.at[idx_v.at[pl.ds(off, CHUNK)]], rows[b], gsem[b]
        )

    def w_copy(c, b):
        ig = pl.multiple_of((base + c * CHUNK) // 128, NI_CHUNK)
        return pltpu.make_async_copy(
            tbuf[b].at[:, :, :, pl.ds(0, 128)],
            out_hbm.at[:, pl.ds(ig, NI_CHUNK)],
            wsem[b],
        )

    lanes = jnp.arange(_NL, dtype=jnp.int32)
    lane_hi = lanes // 8
    lane_lo = lanes % 8

    def transpose(b):
        src = rows[b]
        dst = tbuf[b]

        @plsc.parallel_loop(0, CHUNK)
        def tbody(r):
            iblk_s = jnp.full((_NL,), r // 128, jnp.int32)
            i_s = jnp.full((_NL,), r % 128, jnp.int32)
            for k in range(OUT_SIZE // _NL):
                v = src[r, pl.ds(k * _NL, _NL)]
                plsc.store_scatter(
                    dst, [2 * k + lane_hi, iblk_s, lane_lo, i_s], v
                )

    g_copy(0, 0).start()
    g_copy(1, 1).start()
    g_copy(0, 0).wait()
    transpose(0)
    w_copy(0, 0).start()
    g_copy(2, 0).start()
    g_copy(1, 1).wait()
    transpose(1)
    w_copy(1, 1).start()
    g_copy(3, 1).start()

    def body(i, carry):
        c = 2 * i
        g_copy(c, 0).wait()
        w_copy(c - 2, 0).wait()
        transpose(0)
        w_copy(c, 0).start()
        g_copy(c + 2, 0).start()
        g_copy(c + 1, 1).wait()
        w_copy(c - 1, 1).wait()
        transpose(1)
        w_copy(c + 1, 1).start()
        g_copy(c + 3, 1).start()
        return carry

    lax.fori_loop(1, NPAIR - 1, body, 0)

    c = NCHUNKS - 2
    g_copy(c, 0).wait()
    w_copy(c - 2, 0).wait()
    transpose(0)
    w_copy(c, 0).start()
    g_copy(c + 1, 1).wait()
    w_copy(c - 1, 1).wait()
    transpose(1)
    w_copy(c + 1, 1).start()
    w_copy(c, 0).wait()
    w_copy(c + 1, 1).wait()


def kernel(x, mat):
    flat_idx = x.reshape(-1)
    mat_p = jnp.pad(mat, ((0, 0), (0, OUT_SIZE)))
    mat2 = mat_p.reshape(2 * IN_SIZE, OUT_SIZE)
    out4 = _gather_kernel(mat2, flat_idx)
    return out4.transpose(1, 3, 0, 2).reshape(TOTAL, OUT_SIZE)

# --- scband reference (transcript-rebuilt; emitter-appended) ---
"""Pipeline reference for scband-user-encoder-7687991460234 (READ-ONLY COPY).

The authoritative reference and input builder live on the scoring server;
editing this copy changes nothing except your own understanding.
"""

import jax, jax.numpy as jnp
import numpy as np

IN_SIZE = 1000000
OUT_SIZE = 64
BATCH = 16384
HIST = 50


def setup_inputs(seed: int = 0) -> dict:
    key = jax.random.key(seed)
    k1, k2 = jax.random.split(key)
    x = jax.random.randint(k1, (BATCH, HIST), 0, IN_SIZE, dtype=jnp.int32)
    k = 1.0 / np.sqrt(IN_SIZE)
    mat = jax.random.uniform(k2, (IN_SIZE, OUT_SIZE), minval=-k, maxval=k, dtype=jnp.float32)
    return {"x": x, "mat": mat}


def reference(x, mat):
    # UserEncoder.forward: return self.mat[x.flatten()]
    flat_idx = x.reshape(-1)
    return jnp.take(mat, flat_idx, axis=0)

if __name__ == "__main__":
    import jax
    _d = setup_inputs()
    print(jax.jit(kernel)(*tuple(_d.values())))

</pallas_src>

<mosaic_0001>
#map = affine_map<(d0, d1) -> (0, 0)>
#map1 = affine_map<(d0, d1) -> (0)>
#map2 = affine_map<(d0, d1) -> (0, 0, 0, 0)>
module attributes {stable_mosaic.version = 14 : i64} {
  func.func @_gather_kernel(%arg0: i32, %arg1: i32, %arg2: memref<2000000x64xf32, #tpu.memory_space<hbm>>, %arg3: memref<819200xi32, #tpu.memory_space<hbm>>, %arg4: memref<8x6400x8x128xf32, #tpu.memory_space<hbm>>, %arg5: memref<25600xi32, #tpu.memory_space<vmem>>, %arg6: memref<256x64xf32, #tpu.memory_space<vmem>>, %arg7: memref<256x64xf32, #tpu.memory_space<vmem>>, %arg8: memref<8x2x8x129xf32, #tpu.memory_space<vmem>>, %arg9: memref<8x2x8x129xf32, #tpu.memory_space<vmem>>, %arg10: memref<!tpu.dma_semaphore, #tpu.memory_space<semaphore_mem>>, %arg11: memref<!tpu.dma_semaphore, #tpu.memory_space<semaphore_mem>>, %arg12: memref<!tpu.dma_semaphore, #tpu.memory_space<semaphore_mem>>, %arg13: memref<!tpu.dma_semaphore, #tpu.memory_space<semaphore_mem>>) attributes {dimension_semantics = [#tpu.dimension_semantics<core_parallel>, #tpu.dimension_semantics<subcore_parallel>], iteration_bounds = array<i64: 2, 16>, scalar_prefetch = 0 : i64, scratch_operands = 9 : i64, tpu.core_type = #tpu.core_type<sc_vector_subcore>, window_params = [{transform_indices = #map}, {transform_indices = #map1}, {transform_indices = #map2}]} {
    %mul3A = arith.constant 2 : i32
    %mul3A_0 = arith.muli %arg1, %mul3A : i32
    %add3A = arith.addi %mul3A_0, %arg0 : i32
    %mul3A_1 = arith.constant 25600 : i32
    %mul3A_2 = arith.muli %add3A, %mul3A_1 : i32
    "tpu.region"() ({
      %run_scoped3A = tpu.sem_alloc : memref<!tpu.dma_semaphore, #tpu.memory_space<semaphore_mem>>
      %dma_start3A_470 = tpu.memref_slice %arg3[%mul3A_2] : memref<819200xi32, #tpu.memory_space<hbm>> -> memref<25600xi32, #tpu.memory_space<hbm>>
      %dma_start3A_471 = tpu.memref_slice %arg3[%mul3A_2] : memref<819200xi32, #tpu.memory_space<hbm>> -> memref<25600xi32, #tpu.memory_space<hbm>>
      tpu.enqueue_dma source(%dma_start3A_471 : memref<25600xi32, #tpu.memory_space<hbm>>) target(%arg5 : memref<25600xi32, #tpu.memory_space<vmem>>) target_semaphore(%run_scoped3A : memref<!tpu.dma_semaphore, #tpu.memory_space<semaphore_mem>>)
      %dma_wait3A_472 = tpu.memref_slice %arg3[%mul3A_2] : memref<819200xi32, #tpu.memory_space<hbm>> -> memref<25600xi32, #tpu.memory_space<hbm>>
      %dma_wait3A_473 = tpu.memref_slice %arg3[%mul3A_2] : memref<819200xi32, #tpu.memory_space<hbm>> -> memref<25600xi32, #tpu.memory_space<hbm>>
      tpu.wait_dma2 semaphore(%run_scoped3A : memref<!tpu.dma_semaphore, #tpu.memory_space<semaphore_mem>>) src(%dma_wait3A_473 : memref<25600xi32, #tpu.memory_space<hbm>>) dst(%arg5 : memref<25600xi32, #tpu.memory_space<vmem>>)
      tpu.yield
    }) : () -> ()
    %parallel_loop3A = arith.constant 0 : i32
    %parallel_loop3A_3 = arith.constant 1600 : i32
    %parallel_loop3A_4 = arith.constant 1 : i32
    scf.for %parallel_loop3A_470 = %parallel_loop3A to %parallel_loop3A_3 step %parallel_loop3A_4  : i32 {
      %parallel_loop3A_471 = arith.constant 16 : i32
      %parallel_loop3A_472 = arith.muli %parallel_loop3A_470, %parallel_loop3A_471 : i32
      %parallel_loop3A_473 = arith.index_cast %parallel_loop3A_472 : i32 to index
      %parallel_loop3A_474 = tpu.vector_load %arg5[%parallel_loop3A_473] {strides = array<i32>} : memref<25600xi32, #tpu.memory_space<vmem>>, vector<16xi32>,
      %parallel_loop3A_475 = arith.constant 2 : i32
      %parallel_loop3A_476 = vector.broadcast %parallel_loop3A_475 : i32 to vector<16xi32>
      %parallel_loop3A_477 = arith.muli %parallel_loop3A_474, %parallel_loop3A_476 : vector<16xi32>
      %parallel_loop3A_478 = arith.index_cast %parallel_loop3A_472 : i32 to index
      %parallel_loop3A_479 = tpu.vector_load %arg5[%parallel_loop3A_478] {strides = array<i32>} : memref<25600xi32, #tpu.memory_space<vmem>>, vector<16xi32>,
      tpu.vector_store %arg5[%parallel_loop3A_478], %parallel_loop3A_477 {strides = array<i32>} : memref<25600xi32, #tpu.memory_space<vmem>>, vector<16xi32>,
    } {sc.loop_unroll_factor = 1 : i64, sc.parallel_access}
    %iota3A = tpu.iota {dimensions = array<i32: 0>} : vector<16xi32>
    %jit3A = arith.constant 8 : i32
    %div3A = vector.broadcast %jit3A : i32 to vector<16xi32>
    %div3A_5 = arith.divsi %iota3A, %div3A : vector<16xi32>
    %sign3A = arith.constant 0 : i32
    %sign3A_6 = vector.broadcast %sign3A : i32 to vector<16xi32>
    %sign3A_7 = arith.cmpi sgt, %iota3A, %sign3A_6 : vector<16xi32>
    %sign3A_8 = arith.extui %sign3A_7 : vector<16xi1> to vector<16xi32>
    %sign3A_9 = arith.constant 0 : i32
    %sign3A_10 = vector.broadcast %sign3A_9 : i32 to vector<16xi32>
    %sign3A_11 = arith.cmpi slt, %iota3A, %sign3A_10 : vector<16xi32>
    %sign3A_12 = arith.extui %sign3A_11 : vector<16xi1> to vector<16xi32>
    %sign3A_13 = arith.subi %sign3A_8, %sign3A_12 : vector<16xi32>
    %sign3A_14 = arith.constant 0 : i32
    %sign3A_15 = arith.cmpi sgt, %jit3A, %sign3A_14 : i32
    %sign3A_16 = arith.extui %sign3A_15 : i1 to i32
    %sign3A_17 = arith.constant 0 : i32
    %sign3A_18 = arith.cmpi slt, %jit3A, %sign3A_17 : i32
    %sign3A_19 = arith.extui %sign3A_18 : i1 to i32
    %sign3A_20 = arith.subi %sign3A_16, %sign3A_19 : i32
    %ne3A = vector.broadcast %sign3A_20 : i32 to vector<16xi32>
    %ne3A_21 = arith.cmpi ne, %sign3A_13, %ne3A : vector<16xi32>
    %rem3A = vector.broadcast %jit3A : i32 to vector<16xi32>
    %rem3A_22 = arith.remsi %iota3A, %rem3A : vector<16xi32>
    %ne3A_23 = arith.constant 0 : i32
    %ne3A_24 = vector.broadcast %ne3A_23 : i32 to vector<16xi32>
    %ne3A_25 = arith.cmpi ne, %rem3A_22, %ne3A_24 : vector<16xi32>
    %and3A = arith.andi %ne3A_21, %ne3A_25 : vector<16xi1>
    %sub3A = arith.constant 1 : i32
    %sub3A_26 = vector.broadcast %sub3A : i32 to vector<16xi32>
    %sub3A_27 = arith.subi %div3A_5, %sub3A_26 : vector<16xi32>
    %select_n3A = arith.select %and3A, %sub3A_27, %div3A_5 : vector<16xi1>, vector<16xi32>
    %jit3A_28 = arith.constant 8 : i32
    %eq3A = arith.constant 0 : i32
    %eq3A_29 = arith.cmpi eq, %jit3A_28, %eq3A : i32
    %jit3A_30 = arith.constant 1 : i32
    %select_n3A_31 = arith.select %eq3A_29, %jit3A_30, %jit3A_28 : i32
    %rem3A_32 = vector.broadcast %select_n3A_31 : i32 to vector<16xi32>
    %rem3A_33 = arith.remsi %iota3A, %rem3A_32 : vector<16xi32>
    %ne3A_34 = arith.constant 0 : i32
    %ne3A_35 = vector.broadcast %ne3A_34 : i32 to vector<16xi32>
    %ne3A_36 = arith.cmpi ne, %rem3A_33, %ne3A_35 : vector<16xi32>
    %lt3A = arith.constant 0 : i32
    %lt3A_37 = vector.broadcast %lt3A : i32 to vector<16xi32>
    %lt3A_38 = arith.cmpi slt, %rem3A_33, %lt3A_37 : vector<16xi32>
    %lt3A_39 = arith.constant 0 : i32
    %lt3A_40 = arith.cmpi slt, %select_n3A_31, %lt3A_39 : i32
    %ne3A_41 = vector.broadcast %lt3A_40 : i1 to vector<16xi1>
    %ne3A_42 = vector.broadcast %ne3A_41 : vector<16xi1> to vector<16xi1>
    %ne3A_43 = arith.xori %lt3A_38, %ne3A_42 : vector<16xi1>
    %and3A_44 = arith.andi %ne3A_43, %ne3A_36 : vector<16xi1>
    %add3A_45 = vector.broadcast %select_n3A_31 : i32 to vector<16xi32>
    %add3A_46 = arith.addi %rem3A_33, %add3A_45 : vector<16xi32>
    %select_n3A_47 = arith.select %and3A_44, %add3A_46, %rem3A_33 : vector<16xi1>, vector<16xi32>
    %multiple_of3A = arith.constant 0 : i32
    %multiple_of3A_48 = tpu.assume_multiple %multiple_of3A, 8 : i32
    %dma_start3A = tpu.memref_slice %arg5[%multiple_of3A_48] : memref<25600xi32, #tpu.memory_space<vmem>> -> memref<256xi32, #tpu.memory_space<vmem>>
    %dma_start3A_49 = arith.constant 0 : i32
    %dma_start3A_50 = arith.constant 0 : i32
    %dma_start3A_51 = tpu.memref_slice %arg2[%dma_start3A_49, %dma_start3A_50] : memref<2000000x64xf32, #tpu.memory_space<hbm>> -> memref<2000000x64xf32, #tpu.memory_space<hbm>>
    tpu.enqueue_indirect_dma source(%dma_start3A_51 : memref<2000000x64xf32, #tpu.memory_space<hbm>>) target(%arg6 : memref<256x64xf32, #tpu.memory_space<vmem>>) offsets(%dma_start3A : memref<256xi32, #tpu.memory_space<vmem>>) semaphore(%arg10 : memref<!tpu.dma_semaphore, #tpu.memory_space<semaphore_mem>>)
    %multiple_of3A_52 = arith.constant 256 : i32
    %multiple_of3A_53 = tpu.assume_multiple %multiple_of3A_52, 8 : i32
    %dma_start3A_54 = tpu.memref_slice %arg5[%multiple_of3A_53] : memref<25600xi32, #tpu.memory_space<vmem>> -> memref<256xi32, #tpu.memory_space<vmem>>
    %dma_start3A_55 = arith.constant 0 : i32
    %dma_start3A_56 = arith.constant 0 : i32
    %dma_start3A_57 = tpu.memref_slice %arg2[%dma_start3A_55, %dma_start3A_56] : memref<2000000x64xf32, #tpu.memory_space<hbm>> -> memref<2000000x64xf32, #tpu.memory_space<hbm>>
    tpu.enqueue_indirect_dma source(%dma_start3A_57 : memref<2000000x64xf32, #tpu.memory_space<hbm>>) target(%arg7 : memref<256x64xf32, #tpu.memory_space<vmem>>) offsets(%dma_start3A_54 : memref<256xi32, #tpu.memory_space<vmem>>) semaphore(%arg11 : memref<!tpu.dma_semaphore, #tpu.memory_space<semaphore_mem>>)
    %multiple_of3A_58 = arith.constant 0 : i32
    %multiple_of3A_59 = tpu.assume_multiple %multiple_of3A_58, 8 : i32
    %dma_wait3A = tpu.memref_slice %arg5[%multiple_of3A_59] : memref<25600xi32, #tpu.memory_space<vmem>> -> memref<256xi32, #tpu.memory_space<vmem>>
    %dma_wait3A_60 = arith.constant 0 : i32
    %dma_wait3A_61 = arith.constant 0 : i32
    %dma_wait3A_62 = tpu.memref_slice %arg2[%dma_wait3A_60, %dma_wait3A_61] : memref<2000000x64xf32, #tpu.memory_space<hbm>> -> memref<2000000x64xf32, #tpu.memory_space<hbm>>
    tpu.wait_indirect_dma semaphore(%arg10 : memref<!tpu.dma_semaphore, #tpu.memory_space<semaphore_mem>>) src(%dma_wait3A_62 : memref<2000000x64xf32, #tpu.memory_space<hbm>>) dst(%arg6 : memref<256x64xf32, #tpu.memory_space<vmem>>)
    %parallel_loop3A_63 = arith.constant 0 : i32
    %parallel_loop3A_64 = arith.constant 256 : i32
    %parallel_loop3A_65 = arith.constant 1 : i32
    scf.for %parallel_loop3A_470 = %parallel_loop3A_63 to %parallel_loop3A_64 step %parallel_loop3A_65  : i32 {
      %parallel_loop3A_471 = arith.constant 128 : i32
      %parallel_loop3A_472 = arith.divsi %parallel_loop3A_470, %parallel_loop3A_471 : i32
      %parallel_loop3A_473 = arith.constant 0 : i32
      %parallel_loop3A_474 = arith.cmpi sgt, %parallel_loop3A_470, %parallel_loop3A_473 : i32
      %parallel_loop3A_475 = arith.extui %parallel_loop3A_474 : i1 to i32
      %parallel_loop3A_476 = arith.constant 0 : i32
      %parallel_loop3A_477 = arith.cmpi slt, %parallel_loop3A_470, %parallel_loop3A_476 : i32
      %parallel_loop3A_478 = arith.extui %parallel_loop3A_477 : i1 to i32
      %parallel_loop3A_479 = arith.subi %parallel_loop3A_475, %parallel_loop3A_478 : i32
      %parallel_loop3A_480 = arith.constant 0 : i32
      %parallel_loop3A_481 = arith.cmpi sgt, %parallel_loop3A_471, %parallel_loop3A_480 : i32
      %parallel_loop3A_482 = arith.extui %parallel_loop3A_481 : i1 to i32
      %parallel_loop3A_483 = arith.constant 0 : i32
      %parallel_loop3A_484 = arith.cmpi slt, %parallel_loop3A_471, %parallel_loop3A_483 : i32
      %parallel_loop3A_485 = arith.extui %parallel_loop3A_484 : i1 to i32
      %parallel_loop3A_486 = arith.subi %parallel_loop3A_482, %parallel_loop3A_485 : i32
      %parallel_loop3A_487 = arith.cmpi ne, %parallel_loop3A_479, %parallel_loop3A_486 : i32
      %parallel_loop3A_488 = arith.remsi %parallel_loop3A_470, %parallel_loop3A_471 : i32
      %parallel_loop3A_489 = arith.constant 0 : i32
      %parallel_loop3A_490 = arith.cmpi ne, %parallel_loop3A_488, %parallel_loop3A_489 : i32
      %parallel_loop3A_491 = arith.andi %parallel_loop3A_487, %parallel_loop3A_490 : i1
      %parallel_loop3A_492 = arith.constant 1 : i32
      %parallel_loop3A_493 = arith.subi %parallel_loop3A_472, %parallel_loop3A_492 : i32
      %parallel_loop3A_494 = arith.select %parallel_loop3A_491, %parallel_loop3A_493, %parallel_loop3A_472 : i32
      %parallel_loop3A_495 = vector.broadcast %parallel_loop3A_494 : i32 to vector<16xi32>
      %parallel_loop3A_496 = arith.constant 128 : i32
      %parallel_loop3A_497 = arith.constant 0 : i32
      %parallel_loop3A_498 = arith.cmpi eq, %parallel_loop3A_496, %parallel_loop3A_497 : i32
      %parallel_loop3A_499 = arith.constant 1 : i32
      %parallel_loop3A_500 = arith.select %parallel_loop3A_498, %parallel_loop3A_499, %parallel_loop3A_496 : i32
      %parallel_loop3A_501 = arith.remsi %parallel_loop3A_470, %parallel_loop3A_500 : i32
      %parallel_loop3A_502 = arith.constant 0 : i32
      %parallel_loop3A_503 = arith.cmpi ne, %parallel_loop3A_501, %parallel_loop3A_502 : i32
      %parallel_loop3A_504 = arith.constant 0 : i32
      %parallel_loop3A_505 = arith.cmpi slt, %parallel_loop3A_501, %parallel_loop3A_504 : i32
      %parallel_loop3A_506 = arith.constant 0 : i32
      %parallel_loop3A_507 = arith.cmpi slt, %parallel_loop3A_500, %parallel_loop3A_506 : i32
      %parallel_loop3A_508 = arith.xori %parallel_loop3A_505, %parallel_loop3A_507 : i1
      %parallel_loop3A_509 = arith.andi %parallel_loop3A_508, %parallel_loop3A_503 : i1
      %parallel_loop3A_510 = arith.addi %parallel_loop3A_501, %parallel_loop3A_500 : i32
      %parallel_loop3A_511 = arith.select %parallel_loop3A_509, %parallel_loop3A_510, %parallel_loop3A_501 : i32
      %parallel_loop3A_512 = vector.broadcast %parallel_loop3A_511 : i32 to vector<16xi32>
      %parallel_loop3A_513 = arith.index_cast %parallel_loop3A_470 : i32 to index
      %parallel_loop3A_514 = arith.constant 0 : index
      %parallel_loop3A_515 = tpu.vector_load %arg6[%parallel_loop3A_513, %parallel_loop3A_514] {strides = array<i32>} : memref<256x64xf32, #tpu.memory_space<vmem>>, vector<16xf32>,
      %parallel_loop3A_516 = arith.constant 0 : i32
      %parallel_loop3A_517 = vector.broadcast %parallel_loop3A_516 : i32 to vector<16xi32>
      %parallel_loop3A_518 = arith.addi %parallel_loop3A_517, %select_n3A : vector<16xi32>
      tpu.vector_store_idx %arg8[%parallel_loop3A_518, %parallel_loop3A_495, %select_n3A_47, %parallel_loop3A_512], %parallel_loop3A_515 : memref<8x2x8x129xf32, #tpu.memory_space<vmem>>[vector<16xi32>, vector<16xi32>, vector<16xi32>, vector<16xi32>], vector<16xf32>,
      %parallel_loop3A_519 = arith.index_cast %parallel_loop3A_470 : i32 to index
      %parallel_loop3A_520 = arith.constant 16 : index
      %parallel_loop3A_521 = tpu.vector_load %arg6[%parallel_loop3A_519, %parallel_loop3A_520] {strides = array<i32>} : memref<256x64xf32, #tpu.memory_space<vmem>>, vector<16xf32>,
      %parallel_loop3A_522 = arith.constant 2 : i32
      %parallel_loop3A_523 = vector.broadcast %parallel_loop3A_522 : i32 to vector<16xi32>
      %parallel_loop3A_524 = arith.addi %parallel_loop3A_523, %select_n3A : vector<16xi32>
      tpu.vector_store_idx %arg8[%parallel_loop3A_524, %parallel_loop3A_495, %select_n3A_47, %parallel_loop3A_512], %parallel_loop3A_521 : memref<8x2x8x129xf32, #tpu.memory_space<vmem>>[vector<16xi32>, vector<16xi32>, vector<16xi32>, vector<16xi32>], vector<16xf32>,
      %parallel_loop3A_525 = arith.index_cast %parallel_loop3A_470 : i32 to index
      %parallel_loop3A_526 = arith.constant 32 : index
      %parallel_loop3A_527 = tpu.vector_load %arg6[%parallel_loop3A_525, %parallel_loop3A_526] {strides = array<i32>} : memref<256x64xf32, #tpu.memory_space<vmem>>, vector<16xf32>,
      %parallel_loop3A_528 = arith.constant 4 : i32
      %parallel_loop3A_529 = vector.broadcast %parallel_loop3A_528 : i32 to vector<16xi32>
      %parallel_loop3A_530 = arith.addi %parallel_loop3A_529, %select_n3A : vector<16xi32>
      tpu.vector_store_idx %arg8[%parallel_loop3A_530, %parallel_loop3A_495, %select_n3A_47, %parallel_loop3A_512], %parallel_loop3A_527 : memref<8x2x8x129xf32, #tpu.memory_space<vmem>>[vector<16xi32>, vector<16xi32>, vector<16xi32>, vector<16xi32>], vector<16xf32>,
      %parallel_loop3A_531 = arith.index_cast %parallel_loop3A_470 : i32 to index
      %parallel_loop3A_532 = arith.constant 48 : index
      %parallel_loop3A_533 = tpu.vector_load %arg6[%parallel_loop3A_531, %parallel_loop3A_532] {strides = array<i32>} : memref<256x64xf32, #tpu.memory_space<vmem>>, vector<16xf32>,
      %parallel_loop3A_534 = arith.constant 6 : i32
      %parallel_loop3A_535 = vector.broadcast %parallel_loop3A_534 : i32 to vector<16xi32>
      %parallel_loop3A_536 = arith.addi %parallel_loop3A_535, %select_n3A : vector<16xi32>
      tpu.vector_store_idx %arg8[%parallel_loop3A_536, %parallel_loop3A_495, %select_n3A_47, %parallel_loop3A_512], %parallel_loop3A_533 : memref<8x2x8x129xf32, #tpu.memory_space<vmem>>[vector<16xi32>, vector<16xi32>, vector<16xi32>, vector<16xi32>], vector<16xf32>,
    } {sc.loop_unroll_factor = 1 : i64, sc.parallel_access}
    %add3A_66 = arith.constant 0 : i32
    %add3A_67 = arith.addi %mul3A_2, %add3A_66 : i32
    %jit3A_68 = arith.constant 128 : i32
    %div3A_69 = arith.divsi %add3A_67, %jit3A_68 : i32
    %sign3A_70 = arith.constant 0 : i32
    %sign3A_71 = arith.cmpi sgt, %add3A_67, %sign3A_70 : i32
    %sign3A_72 = arith.extui %sign3A_71 : i1 to i32
    %sign3A_73 = arith.constant 0 : i32
    %sign3A_74 = arith.cmpi slt, %add3A_67, %sign3A_73 : i32
    %sign3A_75 = arith.extui %sign3A_74 : i1 to i32
    %sign3A_76 = arith.subi %sign3A_72, %sign3A_75 : i32
    %sign3A_77 = arith.constant 0 : i32
    %sign3A_78 = arith.cmpi sgt, %jit3A_68, %sign3A_77 : i32
    %sign3A_79 = arith.extui %sign3A_78 : i1 to i32
    %sign3A_80 = arith.constant 0 : i32
    %sign3A_81 = arith.cmpi slt, %jit3A_68, %sign3A_80 : i32
    %sign3A_82 = arith.extui %sign3A_81 : i1 to i32
    %sign3A_83 = arith.subi %sign3A_79, %sign3A_82 : i32
    %ne3A_84 = arith.cmpi ne, %sign3A_76, %sign3A_83 : i32
    %rem3A_85 = arith.remsi %add3A_67, %jit3A_68 : i32
    %ne3A_86 = arith.constant 0 : i32
    %ne3A_87 = arith.cmpi ne, %rem3A_85, %ne3A_86 : i32
    %and3A_88 = arith.andi %ne3A_84, %ne3A_87 : i1
    %sub3A_89 = arith.constant 1 : i32
    %sub3A_90 = arith.subi %div3A_69, %sub3A_89 : i32
    %select_n3A_91 = arith.select %and3A_88, %sub3A_90, %div3A_69 : i32
    %multiple_of3A_92 = tpu.assume_multiple %select_n3A_91, 2 : i32
    %dma_start3A_93 = arith.constant 0 : i32
    %dma_start3A_94 = arith.constant 0 : i32
    %dma_start3A_95 = arith.constant 0 : i32
    %dma_start3A_96 = arith.constant 0 : i32
    %dma_start3A_97 = tpu.memref_slice %arg8[%dma_start3A_93, %dma_start3A_94, %dma_start3A_95, %dma_start3A_96] : memref<8x2x8x129xf32, #tpu.memory_space<vmem>> -> memref<8x2x8x128xf32, #tpu.memory_space<vmem>>
    %dma_start3A_98 = arith.constant 0 : i32
    %dma_start3A_99 = arith.constant 0 : i32
    %dma_start3A_100 = arith.constant 0 : i32
    %dma_start3A_101 = tpu.memref_slice %arg4[%dma_start3A_98, %multiple_of3A_92, %dma_start3A_99, %dma_start3A_100] : memref<8x6400x8x128xf32, #tpu.memory_space<hbm>> -> memref<8x2x8x128xf32, #tpu.memory_space<hbm>>
    %dma_start3A_102 = arith.constant 0 : i32
    %dma_start3A_103 = arith.constant 0 : i32
    %dma_start3A_104 = arith.constant 0 : i32
    %dma_start3A_105 = tpu.memref_slice %arg4[%dma_start3A_102, %multiple_of3A_92, %dma_start3A_103, %dma_start3A_104] : memref<8x6400x8x128xf32, #tpu.memory_space<hbm>> -> memref<8x2x8x128xf32, #tpu.memory_space<hbm>>
    %dma_start3A_106 = arith.constant 0 : i32
    %dma_start3A_107 = arith.constant 0 : i32
    %dma_start3A_108 = arith.constant 0 : i32
    %dma_start3A_109 = arith.constant 0 : i32
    %dma_start3A_110 = tpu.memref_slice %arg8[%dma_start3A_106, %dma_start3A_107, %dma_start3A_108, %dma_start3A_109] : memref<8x2x8x129xf32, #tpu.memory_space<vmem>> -> memref<8x2x8x128xf32, #tpu.memory_space<vmem>>
    tpu.enqueue_dma source(%dma_start3A_110 : memref<8x2x8x128xf32, #tpu.memory_space<vmem>>) target(%dma_start3A_105 : memref<8x2x8x128xf32, #tpu.memory_space<hbm>>) target_semaphore(%arg12 : memref<!tpu.dma_semaphore, #tpu.memory_space<semaphore_mem>>)
    %multiple_of3A_111 = arith.constant 512 : i32
    %multiple_of3A_112 = tpu.assume_multiple %multiple_of3A_111, 8 : i32
    %dma_start3A_113 = tpu.memref_slice %arg5[%multiple_of3A_112] : memref<25600xi32, #tpu.memory_space<vmem>> -> memref<256xi32, #tpu.memory_space<vmem>>
    %dma_start3A_114 = arith.constant 0 : i32
    %dma_start3A_115 = arith.constant 0 : i32
    %dma_start3A_116 = tpu.memref_slice %arg2[%dma_start3A_114, %dma_start3A_115] : memref<2000000x64xf32, #tpu.memory_space<hbm>> -> memref<2000000x64xf32, #tpu.memory_space<hbm>>
    tpu.enqueue_indirect_dma source(%dma_start3A_116 : memref<2000000x64xf32, #tpu.memory_space<hbm>>) target(%arg6 : memref<256x64xf32, #tpu.memory_space<vmem>>) offsets(%dma_start3A_113 : memref<256xi32, #tpu.memory_space<vmem>>) semaphore(%arg10 : memref<!tpu.dma_semaphore, #tpu.memory_space<semaphore_mem>>)
    %multiple_of3A_117 = arith.constant 256 : i32
    %multiple_of3A_118 = tpu.assume_multiple %multiple_of3A_117, 8 : i32
    %dma_wait3A_119 = tpu.memref_slice %arg5[%multiple_of3A_118] : memref<25600xi32, #tpu.memory_space<vmem>> -> memref<256xi32, #tpu.memory_space<vmem>>
    %dma_wait3A_120 = arith.constant 0 : i32
    %dma_wait3A_121 = arith.constant 0 : i32
    %dma_wait3A_122 = tpu.memref_slice %arg2[%dma_wait3A_120, %dma_wait3A_121] : memref<2000000x64xf32, #tpu.memory_space<hbm>> -> memref<2000000x64xf32, #tpu.memory_space<hbm>>
    tpu.wait_indirect_dma semaphore(%arg11 : memref<!tpu.dma_semaphore, #tpu.memory_space<semaphore_mem>>) src(%dma_wait3A_122 : memref<2000000x64xf32, #tpu.memory_space<hbm>>) dst(%arg7 : memref<256x64xf32, #tpu.memory_space<vmem>>)
    %parallel_loop3A_123 = arith.constant 0 : i32
    %parallel_loop3A_124 = arith.constant 256 : i32
    %parallel_loop3A_125 = arith.constant 1 : i32
    scf.for %parallel_loop3A_470 = %parallel_loop3A_123 to %parallel_loop3A_124 step %parallel_loop3A_125  : i32 {
      %parallel_loop3A_471 = arith.constant 128 : i32
      %parallel_loop3A_472 = arith.divsi %parallel_loop3A_470, %parallel_loop3A_471 : i32
      %parallel_loop3A_473 = arith.constant 0 : i32
      %parallel_loop3A_474 = arith.cmpi sgt, %parallel_loop3A_470, %parallel_loop3A_473 : i32
      %parallel_loop3A_475 = arith.extui %parallel_loop3A_474 : i1 to i32
      %parallel_loop3A_476 = arith.constant 0 : i32
      %parallel_loop3A_477 = arith.cmpi slt, %parallel_loop3A_470, %parallel_loop3A_476 : i32
      %parallel_loop3A_478 = arith.extui %parallel_loop3A_477 : i1 to i32
      %parallel_loop3A_479 = arith.subi %parallel_loop3A_475, %parallel_loop3A_478 : i32
      %parallel_loop3A_480 = arith.constant 0 : i32
      %parallel_loop3A_481 = arith.cmpi sgt, %parallel_loop3A_471, %parallel_loop3A_480 : i32
      %parallel_loop3A_482 = arith.extui %parallel_loop3A_481 : i1 to i32
      %parallel_loop3A_483 = arith.constant 0 : i32
      %parallel_loop3A_484 = arith.cmpi slt, %parallel_loop3A_471, %parallel_loop3A_483 : i32
      %parallel_loop3A_485 = arith.extui %parallel_loop3A_484 : i1 to i32
      %parallel_loop3A_486 = arith.subi %parallel_loop3A_482, %parallel_loop3A_485 : i32
      %parallel_loop3A_487 = arith.cmpi ne, %parallel_loop3A_479, %parallel_loop3A_486 : i32
      %parallel_loop3A_488 = arith.remsi %parallel_loop3A_470, %parallel_loop3A_471 : i32
      %parallel_loop3A_489 = arith.constant 0 : i32
      %parallel_loop3A_490 = arith.cmpi ne, %parallel_loop3A_488, %parallel_loop3A_489 : i32
      %parallel_loop3A_491 = arith.andi %parallel_loop3A_487, %parallel_loop3A_490 : i1
      %parallel_loop3A_492 = arith.constant 1 : i32
      %parallel_loop3A_493 = arith.subi %parallel_loop3A_472, %parallel_loop3A_492 : i32
      %parallel_loop3A_494 = arith.select %parallel_loop3A_491, %parallel_loop3A_493, %parallel_loop3A_472 : i32
      %parallel_loop3A_495 = vector.broadcast %parallel_loop3A_494 : i32 to vector<16xi32>
      %parallel_loop3A_496 = arith.constant 128 : i32
      %parallel_loop3A_497 = arith.constant 0 : i32
      %parallel_loop3A_498 = arith.cmpi eq, %parallel_loop3A_496, %parallel_loop3A_497 : i32
      %parallel_loop3A_499 = arith.constant 1 : i32
      %parallel_loop3A_500 = arith.select %parallel_loop3A_498, %parallel_loop3A_499, %parallel_loop3A_496 : i32
      %parallel_loop3A_501 = arith.remsi %parallel_loop3A_470, %parallel_loop3A_500 : i32
      %parallel_loop3A_502 = arith.constant 0 : i32
      %parallel_loop3A_503 = arith.cmpi ne, %parallel_loop3A_501, %parallel_loop3A_502 : i32
      %parallel_loop3A_504 = arith.constant 0 : i32
      %parallel_loop3A_505 = arith.cmpi slt, %parallel_loop3A_501, %parallel_loop3A_504 : i32
      %parallel_loop3A_506 = arith.constant 0 : i32
      %parallel_loop3A_507 = arith.cmpi slt, %parallel_loop3A_500, %parallel_loop3A_506 : i32
      %parallel_loop3A_508 = arith.xori %parallel_loop3A_505, %parallel_loop3A_507 : i1
      %parallel_loop3A_509 = arith.andi %parallel_loop3A_508, %parallel_loop3A_503 : i1
      %parallel_loop3A_510 = arith.addi %parallel_loop3A_501, %parallel_loop3A_500 : i32
      %parallel_loop3A_511 = arith.select %parallel_loop3A_509, %parallel_loop3A_510, %parallel_loop3A_501 : i32
      %parallel_loop3A_512 = vector.broadcast %parallel_loop3A_511 : i32 to vector<16xi32>
      %parallel_loop3A_513 = arith.index_cast %parallel_loop3A_470 : i32 to index
      %parallel_loop3A_514 = arith.constant 0 : index
      %parallel_loop3A_515 = tpu.vector_load %arg7[%parallel_loop3A_513, %parallel_loop3A_514] {strides = array<i32>} : memref<256x64xf32, #tpu.memory_space<vmem>>, vector<16xf32>,
      %parallel_loop3A_516 = arith.constant 0 : i32
      %parallel_loop3A_517 = vector.broadcast %parallel_loop3A_516 : i32 to vector<16xi32>
      %parallel_loop3A_518 = arith.addi %parallel_loop3A_517, %select_n3A : vector<16xi32>
      tpu.vector_store_idx %arg9[%parallel_loop3A_518, %parallel_loop3A_495, %select_n3A_47, %parallel_loop3A_512], %parallel_loop3A_515 : memref<8x2x8x129xf32, #tpu.memory_space<vmem>>[vector<16xi32>, vector<16xi32>, vector<16xi32>, vector<16xi32>], vector<16xf32>,
      %parallel_loop3A_519 = arith.index_cast %parallel_loop3A_470 : i32 to index
      %parallel_loop3A_520 = arith.constant 16 : index
      %parallel_loop3A_521 = tpu.vector_load %arg7[%parallel_loop3A_519, %parallel_loop3A_520] {strides = array<i32>} : memref<256x64xf32, #tpu.memory_space<vmem>>, vector<16xf32>,
      %parallel_loop3A_522 = arith.constant 2 : i32
      %parallel_loop3A_523 = vector.broadcast %parallel_loop3A_522 : i32 to vector<16xi32>
      %parallel_loop3A_524 = arith.addi %parallel_loop3A_523, %select_n3A : vector<16xi32>
      tpu.vector_store_idx %arg9[%parallel_loop3A_524, %parallel_loop3A_495, %select_n3A_47, %parallel_loop3A_512], %parallel_loop3A_521 : memref<8x2x8x129xf32, #tpu.memory_space<vmem>>[vector<16xi32>, vector<16xi32>, vector<16xi32>, vector<16xi32>], vector<16xf32>,
      %parallel_loop3A_525 = arith.index_cast %parallel_loop3A_470 : i32 to index
      %parallel_loop3A_526 = arith.constant 32 : index
      %parallel_loop3A_527 = tpu.vector_load %arg7[%parallel_loop3A_525, %parallel_loop3A_526] {strides = array<i32>} : memref<256x64xf32, #tpu.memory_space<vmem>>, vector<16xf32>,
      %parallel_loop3A_528 = arith.constant 4 : i32
      %parallel_loop3A_529 = vector.broadcast %parallel_loop3A_528 : i32 to vector<16xi32>
      %parallel_loop3A_530 = arith.addi %parallel_loop3A_529, %select_n3A : vector<16xi32>
      tpu.vector_store_idx %arg9[%parallel_loop3A_530, %parallel_loop3A_495, %select_n3A_47, %parallel_loop3A_512], %parallel_loop3A_527 : memref<8x2x8x129xf32, #tpu.memory_space<vmem>>[vector<16xi32>, vector<16xi32>, vector<16xi32>, vector<16xi32>], vector<16xf32>,
      %parallel_loop3A_531 = arith.index_cast %parallel_loop3A_470 : i32 to index
      %parallel_loop3A_532 = arith.constant 48 : index
      %parallel_loop3A_533 = tpu.vector_load %arg7[%parallel_loop3A_531, %parallel_loop3A_532] {strides = array<i32>} : memref<256x64xf32, #tpu.memory_space<vmem>>, vector<16xf32>,
      %parallel_loop3A_534 = arith.constant 6 : i32
      %parallel_loop3A_535 = vector.broadcast %parallel_loop3A_534 : i32 to vector<16xi32>
      %parallel_loop3A_536 = arith.addi %parallel_loop3A_535, %select_n3A : vector<16xi32>
      tpu.vector_store_idx %arg9[%parallel_loop3A_536, %parallel_loop3A_495, %select_n3A_47, %parallel_loop3A_512], %parallel_loop3A_533 : memref<8x2x8x129xf32, #tpu.memory_space<vmem>>[vector<16xi32>, vector<16xi32>, vector<16xi32>, vector<16xi32>], vector<16xf32>,
    } {sc.loop_unroll_factor = 1 : i64, sc.parallel_access}
    %add3A_126 = arith.constant 256 : i32
    %add3A_127 = arith.addi %mul3A_2, %add3A_126 : i32
    %jit3A_128 = arith.constant 128 : i32
    %div3A_129 = arith.divsi %add3A_127, %jit3A_128 : i32
    %sign3A_130 = arith.constant 0 : i32
    %sign3A_131 = arith.cmpi sgt, %add3A_127, %sign3A_130 : i32
    %sign3A_132 = arith.extui %sign3A_131 : i1 to i32
    %sign3A_133 = arith.constant 0 : i32
    %sign3A_134 = arith.cmpi slt, %add3A_127, %sign3A_133 : i32
    %sign3A_135 = arith.extui %sign3A_134 : i1 to i32
    %sign3A_136 = arith.subi %sign3A_132, %sign3A_135 : i32
    %sign3A_137 = arith.constant 0 : i32
    %sign3A_138 = arith.cmpi sgt, %jit3A_128, %sign3A_137 : i32
    %sign3A_139 = arith.extui %sign3A_138 : i1 to i32
    %sign3A_140 = arith.constant 0 : i32
    %sign3A_141 = arith.cmpi slt, %jit3A_128, %sign3A_140 : i32
    %sign3A_142 = arith.extui %sign3A_141 : i1 to i32
    %sign3A_143 = arith.subi %sign3A_139, %sign3A_142 : i32
    %ne3A_144 = arith.cmpi ne, %sign3A_136, %sign3A_143 : i32
    %rem3A_145 = arith.remsi %add3A_127, %jit3A_128 : i32
    %ne3A_146 = arith.constant 0 : i32
    %ne3A_147 = arith.cmpi ne, %rem3A_145, %ne3A_146 : i32
    %and3A_148 = arith.andi %ne3A_144, %ne3A_147 : i1
    %sub3A_149 = arith.constant 1 : i32
    %sub3A_150 = arith.subi %div3A_129, %sub3A_149 : i32
    %select_n3A_151 = arith.select %and3A_148, %sub3A_150, %div3A_129 : i32
    %multiple_of3A_152 = tpu.assume_multiple %select_n3A_151, 2 : i32
    %dma_start3A_153 = arith.constant 0 : i32
    %dma_start3A_154 = arith.constant 0 : i32
    %dma_start3A_155 = arith.constant 0 : i32
    %dma_start3A_156 = arith.constant 0 : i32
    %dma_start3A_157 = tpu.memref_slice %arg9[%dma_start3A_153, %dma_start3A_154, %dma_start3A_155, %dma_start3A_156] : memref<8x2x8x129xf32, #tpu.memory_space<vmem>> -> memref<8x2x8x128xf32, #tpu.memory_space<vmem>>
    %dma_start3A_158 = arith.constant 0 : i32
    %dma_start3A_159 = arith.constant 0 : i32
    %dma_start3A_160 = arith.constant 0 : i32
    %dma_start3A_161 = tpu.memref_slice %arg4[%dma_start3A_158, %multiple_of3A_152, %dma_start3A_159, %dma_start3A_160] : memref<8x6400x8x128xf32, #tpu.memory_space<hbm>> -> memref<8x2x8x128xf32, #tpu.memory_space<hbm>>
    %dma_start3A_162 = arith.constant 0 : i32
    %dma_start3A_163 = arith.constant 0 : i32
    %dma_start3A_164 = arith.constant 0 : i32
    %dma_start3A_165 = tpu.memref_slice %arg4[%dma_start3A_162, %multiple_of3A_152, %dma_start3A_163, %dma_start3A_164] : memref<8x6400x8x128xf32, #tpu.memory_space<hbm>> -> memref<8x2x8x128xf32, #tpu.memory_space<hbm>>
    %dma_start3A_166 = arith.constant 0 : i32
    %dma_start3A_167 = arith.constant 0 : i32
    %dma_start3A_168 = arith.constant 0 : i32
    %dma_start3A_169 = arith.constant 0 : i32
    %dma_start3A_170 = tpu.memref_slice %arg9[%dma_start3A_166, %dma_start3A_167, %dma_start3A_168, %dma_start3A_169] : memref<8x2x8x129xf32, #tpu.memory_space<vmem>> -> memref<8x2x8x128xf32, #tpu.memory_space<vmem>>
    tpu.enqueue_dma source(%dma_start3A_170 : memref<8x2x8x128xf32, #tpu.memory_space<vmem>>) target(%dma_start3A_165 : memref<8x2x8x128xf32, #tpu.memory_space<hbm>>) target_semaphore(%arg13 : memref<!tpu.dma_semaphore, #tpu.memory_space<semaphore_mem>>)
    %multiple_of3A_171 = arith.constant 768 : i32
    %multiple_of3A_172 = tpu.assume_multiple %multiple_of3A_171, 8 : i32
    %dma_start3A_173 = tpu.memref_slice %arg5[%multiple_of3A_172] : memref<25600xi32, #tpu.memory_space<vmem>> -> memref<256xi32, #tpu.memory_space<vmem>>
    %dma_start3A_174 = arith.constant 0 : i32
    %dma_start3A_175 = arith.constant 0 : i32
    %dma_start3A_176 = tpu.memref_slice %arg2[%dma_start3A_174, %dma_start3A_175] : memref<2000000x64xf32, #tpu.memory_space<hbm>> -> memref<2000000x64xf32, #tpu.memory_space<hbm>>
    tpu.enqueue_indirect_dma source(%dma_start3A_176 : memref<2000000x64xf32, #tpu.memory_space<hbm>>) target(%arg7 : memref<256x64xf32, #tpu.memory_space<vmem>>) offsets(%dma_start3A_173 : memref<256xi32, #tpu.memory_space<vmem>>) semaphore(%arg11 : memref<!tpu.dma_semaphore, #tpu.memory_space<semaphore_mem>>)
    %scan3A = arith.constant 0 : i32
    %scan3A_177 = arith.constant 1 : i32
    %scan3A_178 = arith.constant 48 : i32
    %scan3A_179 = arith.addi %scan3A_177, %scan3A_178 : i32
    %scan3A_180 = arith.constant 1 : i32
    scf.for %scan3A_470 = %scan3A_177 to %scan3A_179 step %scan3A_180  : i32 {
      %mul3A_471 = arith.constant 2 : i32
      %mul3A_472 = arith.muli %mul3A_471, %scan3A_470 : i32
      %mul3A_473 = arith.constant 256 : i32
      %mul3A_474 = arith.muli %mul3A_472, %mul3A_473 : i32
      %multiple_of3A_475 = tpu.assume_multiple %mul3A_474, 8 : i32
      %dma_wait3A_476 = tpu.memref_slice %arg5[%multiple_of3A_475] : memref<25600xi32, #tpu.memory_space<vmem>> -> memref<256xi32, #tpu.memory_space<vmem>>
      %dma_wait3A_477 = arith.constant 0 : i32
      %dma_wait3A_478 = arith.constant 0 : i32
      %dma_wait3A_479 = tpu.memref_slice %arg2[%dma_wait3A_477, %dma_wait3A_478] : memref<2000000x64xf32, #tpu.memory_space<hbm>> -> memref<2000000x64xf32, #tpu.memory_space<hbm>>
      tpu.wait_indirect_dma semaphore(%arg10 : memref<!tpu.dma_semaphore, #tpu.memory_space<semaphore_mem>>) src(%dma_wait3A_479 : memref<2000000x64xf32, #tpu.memory_space<hbm>>) dst(%arg6 : memref<256x64xf32, #tpu.memory_space<vmem>>)
      %sub3A_480 = arith.constant 2 : i32
      %sub3A_481 = arith.subi %mul3A_472, %sub3A_480 : i32
      %mul3A_482 = arith.constant 256 : i32
      %mul3A_483 = arith.muli %sub3A_481, %mul3A_482 : i32
      %add3A_484 = arith.addi %mul3A_2, %mul3A_483 : i32
      %jit3A_485 = arith.constant 128 : i32
      %div3A_486 = arith.divsi %add3A_484, %jit3A_485 : i32
      %sign3A_487 = arith.constant 0 : i32
      %sign3A_488 = arith.cmpi sgt, %add3A_484, %sign3A_487 : i32
      %sign3A_489 = arith.extui %sign3A_488 : i1 to i32
      %sign3A_490 = arith.constant 0 : i32
      %sign3A_491 = arith.cmpi slt, %add3A_484, %sign3A_490 : i32
      %sign3A_492 = arith.extui %sign3A_491 : i1 to i32
      %sign3A_493 = arith.subi %sign3A_489, %sign3A_492 : i32
      %sign3A_494 = arith.constant 0 : i32
      %sign3A_495 = arith.cmpi sgt, %jit3A_485, %sign3A_494 : i32
      %sign3A_496 = arith.extui %sign3A_495 : i1 to i32
      %sign3A_497 = arith.constant 0 : i32
      %sign3A_498 = arith.cmpi slt, %jit3A_485, %sign3A_497 : i32
      %sign3A_499 = arith.extui %sign3A_498 : i1 to i32
      %sign3A_500 = arith.subi %sign3A_496, %sign3A_499 : i32
      %ne3A_501 = arith.cmpi ne, %sign3A_493, %sign3A_500 : i32
      %rem3A_502 = arith.remsi %add3A_484, %jit3A_485 : i32
      %ne3A_503 = arith.constant 0 : i32
      %ne3A_504 = arith.cmpi ne, %rem3A_502, %ne3A_503 : i32
      %and3A_505 = arith.andi %ne3A_501, %ne3A_504 : i1
      %sub3A_506 = arith.constant 1 : i32
      %sub3A_507 = arith.subi %div3A_486, %sub3A_506 : i32
      %select_n3A_508 = arith.select %and3A_505, %sub3A_507, %div3A_486 : i32
      %multiple_of3A_509 = tpu.assume_multiple %select_n3A_508, 2 : i32
      %dma_wait3A_510 = arith.constant 0 : i32
      %dma_wait3A_511 = arith.constant 0 : i32
      %dma_wait3A_512 = arith.constant 0 : i32
      %dma_wait3A_513 = arith.constant 0 : i32
      %dma_wait3A_514 = tpu.memref_slice %arg8[%dma_wait3A_510, %dma_wait3A_511, %dma_wait3A_512, %dma_wait3A_513] : memref<8x2x8x129xf32, #tpu.memory_space<vmem>> -> memref<8x2x8x128xf32, #tpu.memory_space<vmem>>
      %dma_wait3A_515 = arith.constant 0 : i32
      %dma_wait3A_516 = arith.constant 0 : i32
      %dma_wait3A_517 = arith.constant 0 : i32
      %dma_wait3A_518 = tpu.memref_slice %arg4[%dma_wait3A_515, %multiple_of3A_509, %dma_wait3A_516, %dma_wait3A_517] : memref<8x6400x8x128xf32, #tpu.memory_space<hbm>> -> memref<8x2x8x128xf32, #tpu.memory_space<hbm>>
      %dma_wait3A_519 = arith.constant 0 : i32
      %dma_wait3A_520 = arith.constant 0 : i32
      %dma_wait3A_521 = arith.constant 0 : i32
      %dma_wait3A_522 = tpu.memref_slice %arg4[%dma_wait3A_519, %multiple_of3A_509, %dma_wait3A_520, %dma_wait3A_521] : memref<8x6400x8x128xf32, #tpu.memory_space<hbm>> -> memref<8x2x8x128xf32, #tpu.memory_space<hbm>>
      %dma_wait3A_523 = arith.constant 0 : i32
      %dma_wait3A_524 = arith.constant 0 : i32
      %dma_wait3A_525 = arith.constant 0 : i32
      %dma_wait3A_526 = arith.constant 0 : i32
      %dma_wait3A_527 = tpu.memref_slice %arg8[%dma_wait3A_523, %dma_wait3A_524, %dma_wait3A_525, %dma_wait3A_526] : memref<8x2x8x129xf32, #tpu.memory_space<vmem>> -> memref<8x2x8x128xf32, #tpu.memory_space<vmem>>
      tpu.wait_dma2 semaphore(%arg12 : memref<!tpu.dma_semaphore, #tpu.memory_space<semaphore_mem>>) src(%dma_wait3A_527 : memref<8x2x8x128xf32, #tpu.memory_space<vmem>>) dst(%dma_wait3A_522 : memref<8x2x8x128xf32, #tpu.memory_space<hbm>>)
      %parallel_loop3A_528 = arith.constant 0 : i32
      %parallel_loop3A_529 = arith.constant 256 : i32
      %parallel_loop3A_530 = arith.constant 1 : i32
      scf.for %parallel_loop3A_703 = %parallel_loop3A_528 to %parallel_loop3A_529 step %parallel_loop3A_530  : i32 {
        %parallel_loop3A_704 = arith.constant 128 : i32
        %parallel_loop3A_705 = arith.divsi %parallel_loop3A_703, %parallel_loop3A_704 : i32
        %parallel_loop3A_706 = arith.constant 0 : i32
        %parallel_loop3A_707 = arith.cmpi sgt, %parallel_loop3A_703, %parallel_loop3A_706 : i32
        %parallel_loop3A_708 = arith.extui %parallel_loop3A_707 : i1 to i32
        %parallel_loop3A_709 = arith.constant 0 : i32
        %parallel_loop3A_710 = arith.cmpi slt, %parallel_loop3A_703, %parallel_loop3A_709 : i32
        %parallel_loop3A_711 = arith.extui %parallel_loop3A_710 : i1 to i32
        %parallel_loop3A_712 = arith.subi %parallel_loop3A_708, %parallel_loop3A_711 : i32
        %parallel_loop3A_713 = arith.constant 0 : i32
        %parallel_loop3A_714 = arith.cmpi sgt, %parallel_loop3A_704, %parallel_loop3A_713 : i32
        %parallel_loop3A_715 = arith.extui %parallel_loop3A_714 : i1 to i32
        %parallel_loop3A_716 = arith.constant 0 : i32
        %parallel_loop3A_717 = arith.cmpi slt, %parallel_loop3A_704, %parallel_loop3A_716 : i32
        %parallel_loop3A_718 = arith.extui %parallel_loop3A_717 : i1 to i32
        %parallel_loop3A_719 = arith.subi %parallel_loop3A_715, %parallel_loop3A_718 : i32
        %parallel_loop3A_720 = arith.cmpi ne, %parallel_loop3A_712, %parallel_loop3A_719 : i32
        %parallel_loop3A_721 = arith.remsi %parallel_loop3A_703, %parallel_loop3A_704 : i32
        %parallel_loop3A_722 = arith.constant 0 : i32
        %parallel_loop3A_723 = arith.cmpi ne, %parallel_loop3A_721, %parallel_loop3A_722 : i32
        %parallel_loop3A_724 = arith.andi %parallel_loop3A_720, %parallel_loop3A_723 : i1
        %parallel_loop3A_725 = arith.constant 1 : i32
        %parallel_loop3A_726 = arith.subi %parallel_loop3A_705, %parallel_loop3A_725 : i32
        %parallel_loop3A_727 = arith.select %parallel_loop3A_724, %parallel_loop3A_726, %parallel_loop3A_705 : i32
        %parallel_loop3A_728 = vector.broadcast %parallel_loop3A_727 : i32 to vector<16xi32>
        %parallel_loop3A_729 = arith.constant 128 : i32
        %parallel_loop3A_730 = arith.constant 0 : i32
        %parallel_loop3A_731 = arith.cmpi eq, %parallel_loop3A_729, %parallel_loop3A_730 : i32
        %parallel_loop3A_732 = arith.constant 1 : i32
        %parallel_loop3A_733 = arith.select %parallel_loop3A_731, %parallel_loop3A_732, %parallel_loop3A_729 : i32
        %parallel_loop3A_734 = arith.remsi %parallel_loop3A_703, %parallel_loop3A_733 : i32
        %parallel_loop3A_735 = arith.constant 0 : i32
        %parallel_loop3A_736 = arith.cmpi ne, %parallel_loop3A_734, %parallel_loop3A_735 : i32
        %parallel_loop3A_737 = arith.constant 0 : i32
        %parallel_loop3A_738 = arith.cmpi slt, %parallel_loop3A_734, %parallel_loop3A_737 : i32
        %parallel_loop3A_739 = arith.constant 0 : i32
        %parallel_loop3A_740 = arith.cmpi slt, %parallel_loop3A_733, %parallel_loop3A_739 : i32
        %parallel_loop3A_741 = arith.xori %parallel_loop3A_738, %parallel_loop3A_740 : i1
        %parallel_loop3A_742 = arith.andi %parallel_loop3A_741, %parallel_loop3A_736 : i1
        %parallel_loop3A_743 = arith.addi %parallel_loop3A_734, %parallel_loop3A_733 : i32
        %parallel_loop3A_744 = arith.select %parallel_loop3A_742, %parallel_loop3A_743, %parallel_loop3A_734 : i32
        %parallel_loop3A_745 = vector.broadcast %parallel_loop3A_744 : i32 to vector<16xi32>
        %parallel_loop3A_746 = arith.index_cast %parallel_loop3A_703 : i32 to index
        %parallel_loop3A_747 = arith.constant 0 : index
        %parallel_loop3A_748 = tpu.vector_load %arg6[%parallel_loop3A_746, %parallel_loop3A_747] {strides = array<i32>} : memref<256x64xf32, #tpu.memory_space<vmem>>, vector<16xf32>,
        %parallel_loop3A_749 = arith.constant 0 : i32
        %parallel_loop3A_750 = vector.broadcast %parallel_loop3A_749 : i32 to vector<16xi32>
        %parallel_loop3A_751 = arith.addi %parallel_loop3A_750, %select_n3A : vector<16xi32>
        tpu.vector_store_idx %arg8[%parallel_loop3A_751, %parallel_loop3A_728, %select_n3A_47, %parallel_loop3A_745], %parallel_loop3A_748 : memref<8x2x8x129xf32, #tpu.memory_space<vmem>>[vector<16xi32>, vector<16xi32>, vector<16xi32>, vector<16xi32>], vector<16xf32>,
        %parallel_loop3A_752 = arith.index_cast %parallel_loop3A_703 : i32 to index
        %parallel_loop3A_753 = arith.constant 16 : index
        %parallel_loop3A_754 = tpu.vector_load %arg6[%parallel_loop3A_752, %parallel_loop3A_753] {strides = array<i32>} : memref<256x64xf32, #tpu.memory_space<vmem>>, vector<16xf32>,
        %parallel_loop3A_755 = arith.constant 2 : i32
        %parallel_loop3A_756 = vector.broadcast %parallel_loop3A_755 : i32 to vector<16xi32>
        %parallel_loop3A_757 = arith.addi %parallel_loop3A_756, %select_n3A : vector<16xi32>
        tpu.vector_store_idx %arg8[%parallel_loop3A_757, %parallel_loop3A_728, %select_n3A_47, %parallel_loop3A_745], %parallel_loop3A_754 : memref<8x2x8x129xf32, #tpu.memory_space<vmem>>[vector<16xi32>, vector<16xi32>, vector<16xi32>, vector<16xi32>], vector<16xf32>,
        %parallel_loop3A_758 = arith.index_cast %parallel_loop3A_703 : i32 to index
        %parallel_loop3A_759 = arith.constant 32 : index
        %parallel_loop3A_760 = tpu.vector_load %arg6[%parallel_loop3A_758, %parallel_loop3A_759] {strides = array<i32>} : memref<256x64xf32, #tpu.memory_space<vmem>>, vector<16xf32>,
        %parallel_loop3A_761 = arith.constant 4 : i32
        %parallel_loop3A_762 = vector.broadcast %parallel_loop3A_761 : i32 to vector<16xi32>
        %parallel_loop3A_763 = arith.addi %parallel_loop3A_762, %select_n3A : vector<16xi32>
        tpu.vector_store_idx %arg8[%parallel_loop3A_763, %parallel_loop3A_728, %select_n3A_47, %parallel_loop3A_745], %parallel_loop3A_760 : memref<8x2x8x129xf32, #tpu.memory_space<vmem>>[vector<16xi32>, vector<16xi32>, vector<16xi32>, vector<16xi32>], vector<16xf32>,
        %parallel_loop3A_764 = arith.index_cast %parallel_loop3A_703 : i32 to index
        %parallel_loop3A_765 = arith.constant 48 : index
        %parallel_loop3A_766 = tpu.vector_load %arg6[%parallel_loop3A_764, %parallel_loop3A_765] {strides = array<i32>} : memref<256x64xf32, #tpu.memory_space<vmem>>, vector<16xf32>,
        %parallel_loop3A_767 = arith.constant 6 : i32
        %parallel_loop3A_768 = vector.broadcast %parallel_loop3A_767 : i32 to vector<16xi32>
        %parallel_loop3A_769 = arith.addi %parallel_loop3A_768, %select_n3A : vector<16xi32>
        tpu.vector_store_idx %arg8[%parallel_loop3A_769, %parallel_loop3A_728, %select_n3A_47, %parallel_loop3A_745], %parallel_loop3A_766 : memref<8x2x8x129xf32, #tpu.memory_space<vmem>>[vector<16xi32>, vector<16xi32>, vector<16xi32>, vector<16xi32>], vector<16xf32>,
      } {sc.loop_unroll_factor = 1 : i64, sc.parallel_access}
      %mul3A_531 = arith.constant 256 : i32
      %mul3A_532 = arith.muli %mul3A_472, %mul3A_531 : i32
      %add3A_533 = arith.addi %mul3A_2, %mul3A_532 : i32
      %jit3A_534 = arith.constant 128 : i32
      %div3A_535 = arith.divsi %add3A_533, %jit3A_534 : i32
      %sign3A_536 = arith.constant 0 : i32
      %sign3A_537 = arith.cmpi sgt, %add3A_533, %sign3A_536 : i32
      %sign3A_538 = arith.extui %sign3A_537 : i1 to i32
      %sign3A_539 = arith.constant 0 : i32
      %sign3A_540 = arith.cmpi slt, %add3A_533, %sign3A_539 : i32
      %sign3A_541 = arith.extui %sign3A_540 : i1 to i32
      %sign3A_542 = arith.subi %sign3A_538, %sign3A_541 : i32
      %sign3A_543 = arith.constant 0 : i32
      %sign3A_544 = arith.cmpi sgt, %jit3A_534, %sign3A_543 : i32
      %sign3A_545 = arith.extui %sign3A_544 : i1 to i32
      %sign3A_546 = arith.constant 0 : i32
      %sign3A_547 = arith.cmpi slt, %jit3A_534, %sign3A_546 : i32
      %sign3A_548 = arith.extui %sign3A_547 : i1 to i32
      %sign3A_549 = arith.subi %sign3A_545, %sign3A_548 : i32
      %ne3A_550 = arith.cmpi ne, %sign3A_542, %sign3A_549 : i32
      %rem3A_551 = arith.remsi %add3A_533, %jit3A_534 : i32
      %ne3A_552 = arith.constant 0 : i32
      %ne3A_553 = arith.cmpi ne, %rem3A_551, %ne3A_552 : i32
      %and3A_554 = arith.andi %ne3A_550, %ne3A_553 : i1
      %sub3A_555 = arith.constant 1 : i32
      %sub3A_556 = arith.subi %div3A_535, %sub3A_555 : i32
      %select_n3A_557 = arith.select %and3A_554, %sub3A_556, %div3A_535 : i32
      %multiple_of3A_558 = tpu.assume_multiple %select_n3A_557, 2 : i32
      %dma_start3A_559 = arith.constant 0 : i32
      %dma_start3A_560 = arith.constant 0 : i32
      %dma_start3A_561 = arith.constant 0 : i32
      %dma_start3A_562 = arith.constant 0 : i32
      %dma_start3A_563 = tpu.memref_slice %arg8[%dma_start3A_559, %dma_start3A_560, %dma_start3A_561, %dma_start3A_562] : memref<8x2x8x129xf32, #tpu.memory_space<vmem>> -> memref<8x2x8x128xf32, #tpu.memory_space<vmem>>
      %dma_start3A_564 = arith.constant 0 : i32
      %dma_start3A_565 = arith.constant 0 : i32
      %dma_start3A_566 = arith.constant 0 : i32
      %dma_start3A_567 = tpu.memref_slice %arg4[%dma_start3A_564, %multiple_of3A_558, %dma_start3A_565, %dma_start3A_566] : memref<8x6400x8x128xf32, #tpu.memory_space<hbm>> -> memref<8x2x8x128xf32, #tpu.memory_space<hbm>>
      %dma_start3A_568 = arith.constant 0 : i32
      %dma_start3A_569 = arith.constant 0 : i32
      %dma_start3A_570 = arith.constant 0 : i32
      %dma_start3A_571 = tpu.memref_slice %arg4[%dma_start3A_568, %multiple_of3A_558, %dma_start3A_569, %dma_start3A_570] : memref<8x6400x8x128xf32, #tpu.memory_space<hbm>> -> memref<8x2x8x128xf32, #tpu.memory_space<hbm>>
      %dma_start3A_572 = arith.constant 0 : i32
      %dma_start3A_573 = arith.constant 0 : i32
      %dma_start3A_574 = arith.constant 0 : i32
      %dma_start3A_575 = arith.constant 0 : i32
      %dma_start3A_576 = tpu.memref_slice %arg8[%dma_start3A_572, %dma_start3A_573, %dma_start3A_574, %dma_start3A_575] : memref<8x2x8x129xf32, #tpu.memory_space<vmem>> -> memref<8x2x8x128xf32, #tpu.memory_space<vmem>>
      tpu.enqueue_dma source(%dma_start3A_576 : memref<8x2x8x128xf32, #tpu.memory_space<vmem>>) target(%dma_start3A_571 : memref<8x2x8x128xf32, #tpu.memory_space<hbm>>) target_semaphore(%arg12 : memref<!tpu.dma_semaphore, #tpu.memory_space<semaphore_mem>>)
      %add3A_577 = arith.constant 2 : i32
      %add3A_578 = arith.addi %mul3A_472, %add3A_577 : i32
      %mul3A_579 = arith.constant 256 : i32
      %mul3A_580 = arith.muli %add3A_578, %mul3A_579 : i32
      %multiple_of3A_581 = tpu.assume_multiple %mul3A_580, 8 : i32
      %dma_start3A_582 = tpu.memref_slice %arg5[%multiple_of3A_581] : memref<25600xi32, #tpu.memory_space<vmem>> -> memref<256xi32, #tpu.memory_space<vmem>>
      %dma_start3A_583 = arith.constant 0 : i32
      %dma_start3A_584 = arith.constant 0 : i32
      %dma_start3A_585 = tpu.memref_slice %arg2[%dma_start3A_583, %dma_start3A_584] : memref<2000000x64xf32, #tpu.memory_space<hbm>> -> memref<2000000x64xf32, #tpu.memory_space<hbm>>
      tpu.enqueue_indirect_dma source(%dma_start3A_585 : memref<2000000x64xf32, #tpu.memory_space<hbm>>) target(%arg6 : memref<256x64xf32, #tpu.memory_space<vmem>>) offsets(%dma_start3A_582 : memref<256xi32, #tpu.memory_space<vmem>>) semaphore(%arg10 : memref<!tpu.dma_semaphore, #tpu.memory_space<semaphore_mem>>)
      %add3A_586 = arith.constant 1 : i32
      %add3A_587 = arith.addi %mul3A_472, %add3A_586 : i32
      %mul3A_588 = arith.constant 256 : i32
      %mul3A_589 = arith.muli %add3A_587, %mul3A_588 : i32
      %multiple_of3A_590 = tpu.assume_multiple %mul3A_589, 8 : i32
      %dma_wait3A_591 = tpu.memref_slice %arg5[%multiple_of3A_590] : memref<25600xi32, #tpu.memory_space<vmem>> -> memref<256xi32, #tpu.memory_space<vmem>>
      %dma_wait3A_592 = arith.constant 0 : i32
      %dma_wait3A_593 = arith.constant 0 : i32
      %dma_wait3A_594 = tpu.memref_slice %arg2[%dma_wait3A_592, %dma_wait3A_593] : memref<2000000x64xf32, #tpu.memory_space<hbm>> -> memref<2000000x64xf32, #tpu.memory_space<hbm>>
      tpu.wait_indirect_dma semaphore(%arg11 : memref<!tpu.dma_semaphore, #tpu.memory_space<semaphore_mem>>) src(%dma_wait3A_594 : memref<2000000x64xf32, #tpu.memory_space<hbm>>) dst(%arg7 : memref<256x64xf32, #tpu.memory_space<vmem>>)
      %sub3A_595 = arith.constant 1 : i32
      %sub3A_596 = arith.subi %mul3A_472, %sub3A_595 : i32
      %mul3A_597 = arith.constant 256 : i32
      %mul3A_598 = arith.muli %sub3A_596, %mul3A_597 : i32
      %add3A_599 = arith.addi %mul3A_2, %mul3A_598 : i32
      %jit3A_600 = arith.constant 128 : i32
      %div3A_601 = arith.divsi %add3A_599, %jit3A_600 : i32
      %sign3A_602 = arith.constant 0 : i32
      %sign3A_603 = arith.cmpi sgt, %add3A_599, %sign3A_602 : i32
      %sign3A_604 = arith.extui %sign3A_603 : i1 to i32
      %sign3A_605 = arith.constant 0 : i32
      %sign3A_606 = arith.cmpi slt, %add3A_599, %sign3A_605 : i32
      %sign3A_607 = arith.extui %sign3A_606 : i1 to i32
      %sign3A_608 = arith.subi %sign3A_604, %sign3A_607 : i32
      %sign3A_609 = arith.constant 0 : i32
      %sign3A_610 = arith.cmpi sgt, %jit3A_600, %sign3A_609 : i32
      %sign3A_611 = arith.extui %sign3A_610 : i1 to i32
      %sign3A_612 = arith.constant 0 : i32
      %sign3A_613 = arith.cmpi slt, %jit3A_600, %sign3A_612 : i32
      %sign3A_614 = arith.extui %sign3A_613 : i1 to i32
      %sign3A_615 = arith.subi %sign3A_611, %sign3A_614 : i32
      %ne3A_616 = arith.cmpi ne, %sign3A_608, %sign3A_615 : i32
      %rem3A_617 = arith.remsi %add3A_599, %jit3A_600 : i32
      %ne3A_618 = arith.constant 0 : i32
      %ne3A_619 = arith.cmpi ne, %rem3A_617, %ne3A_618 : i32
      %and3A_620 = arith.andi %ne3A_616, %ne3A_619 : i1
      %sub3A_621 = arith.constant 1 : i32
      %sub3A_622 = arith.subi %div3A_601, %sub3A_621 : i32
      %select_n3A_623 = arith.select %and3A_620, %sub3A_622, %div3A_601 : i32
      %multiple_of3A_624 = tpu.assume_multiple %select_n3A_623, 2 : i32
      %dma_wait3A_625 = arith.constant 0 : i32
      %dma_wait3A_626 = arith.constant 0 : i32
      %dma_wait3A_627 = arith.constant 0 : i32
      %dma_wait3A_628 = arith.constant 0 : i32
      %dma_wait3A_629 = tpu.memref_slice %arg9[%dma_wait3A_625, %dma_wait3A_626, %dma_wait3A_627, %dma_wait3A_628] : memref<8x2x8x129xf32, #tpu.memory_space<vmem>> -> memref<8x2x8x128xf32, #tpu.memory_space<vmem>>
      %dma_wait3A_630 = arith.constant 0 : i32
      %dma_wait3A_631 = arith.constant 0 : i32
      %dma_wait3A_632 = arith.constant 0 : i32
      %dma_wait3A_633 = tpu.memref_slice %arg4[%dma_wait3A_630, %multiple_of3A_624, %dma_wait3A_631, %dma_wait3A_632] : memref<8x6400x8x128xf32, #tpu.memory_space<hbm>> -> memref<8x2x8x128xf32, #tpu.memory_space<hbm>>
      %dma_wait3A_634 = arith.constant 0 : i32
      %dma_wait3A_635 = arith.constant 0 : i32
      %dma_wait3A_636 = arith.constant 0 : i32
      %dma_wait3A_637 = tpu.memref_slice %arg4[%dma_wait3A_634, %multiple_of3A_624, %dma_wait3A_635, %dma_wait3A_636] : memref<8x6400x8x128xf32, #tpu.memory_space<hbm>> -> memref<8x2x8x128xf32, #tpu.memory_space<hbm>>
      %dma_wait3A_638 = arith.constant 0 : i32
      %dma_wait3A_639 = arith.constant 0 : i32
      %dma_wait3A_640 = arith.constant 0 : i32
      %dma_wait3A_641 = arith.constant 0 : i32
      %dma_wait3A_642 = tpu.memref_slice %arg9[%dma_wait3A_638, %dma_wait3A_639, %dma_wait3A_640, %dma_wait3A_641] : memref<8x2x8x129xf32, #tpu.memory_space<vmem>> -> memref<8x2x8x128xf32, #tpu.memory_space<vmem>>
      tpu.wait_dma2 semaphore(%arg13 : memref<!tpu.dma_semaphore, #tpu.memory_space<semaphore_mem>>) src(%dma_wait3A_642 : memref<8x2x8x128xf32, #tpu.memory_space<vmem>>) dst(%dma_wait3A_637 : memref<8x2x8x128xf32, #tpu.memory_space<hbm>>)
      %parallel_loop3A_643 = arith.constant 0 : i32
      %parallel_loop3A_644 = arith.constant 256 : i32
      %parallel_loop3A_645 = arith.constant 1 : i32
      scf.for %parallel_loop3A_703 = %parallel_loop3A_643 to %parallel_loop3A_644 step %parallel_loop3A_645  : i32 {
        %parallel_loop3A_704 = arith.constant 128 : i32
        %parallel_loop3A_705 = arith.divsi %parallel_loop3A_703, %parallel_loop3A_704 : i32
        %parallel_loop3A_706 = arith.constant 0 : i32
        %parallel_loop3A_707 = arith.cmpi sgt, %parallel_loop3A_703, %parallel_loop3A_706 : i32
        %parallel_loop3A_708 = arith.extui %parallel_loop3A_707 : i1 to i32
        %parallel_loop3A_709 = arith.constant 0 : i32
        %parallel_loop3A_710 = arith.cmpi slt, %parallel_loop3A_703, %parallel_loop3A_709 : i32
        %parallel_loop3A_711 = arith.extui %parallel_loop3A_710 : i1 to i32
        %parallel_loop3A_712 = arith.subi %parallel_loop3A_708, %parallel_loop3A_711 : i32
        %parallel_loop3A_713 = arith.constant 0 : i32
        %parallel_loop3A_714 = arith.cmpi sgt, %parallel_loop3A_704, %parallel_loop3A_713 : i32
        %parallel_loop3A_715 = arith.extui %parallel_loop3A_714 : i1 to i32
        %parallel_loop3A_716 = arith.constant 0 : i32
        %parallel_loop3A_717 = arith.cmpi slt, %parallel_loop3A_704, %parallel_loop3A_716 : i32
        %parallel_loop3A_718 = arith.extui %parallel_loop3A_717 : i1 to i32
        %parallel_loop3A_719 = arith.subi %parallel_loop3A_715, %parallel_loop3A_718 : i32
        %parallel_loop3A_720 = arith.cmpi ne, %parallel_loop3A_712, %parallel_loop3A_719 : i32
        %parallel_loop3A_721 = arith.remsi %parallel_loop3A_703, %parallel_loop3A_704 : i32
        %parallel_loop3A_722 = arith.constant 0 : i32
        %parallel_loop3A_723 = arith.cmpi ne, %parallel_loop3A_721, %parallel_loop3A_722 : i32
        %parallel_loop3A_724 = arith.andi %parallel_loop3A_720, %parallel_loop3A_723 : i1
        %parallel_loop3A_725 = arith.constant 1 : i32
        %parallel_loop3A_726 = arith.subi %parallel_loop3A_705, %parallel_loop3A_725 : i32
        %parallel_loop3A_727 = arith.select %parallel_loop3A_724, %parallel_loop3A_726, %parallel_loop3A_705 : i32
        %parallel_loop3A_728 = vector.broadcast %parallel_loop3A_727 : i32 to vector<16xi32>
        %parallel_loop3A_729 = arith.constant 128 : i32
        %parallel_loop3A_730 = arith.constant 0 : i32
        %parallel_loop3A_731 = arith.cmpi eq, %parallel_loop3A_729, %parallel_loop3A_730 : i32
        %parallel_loop3A_732 = arith.constant 1 : i32
        %parallel_loop3A_733 = arith.select %parallel_loop3A_731, %parallel_loop3A_732, %parallel_loop3A_729 : i32
        %parallel_loop3A_734 = arith.remsi %parallel_loop3A_703, %parallel_loop3A_733 : i32
        %parallel_loop3A_735 = arith.constant 0 : i32
        %parallel_loop3A_736 = arith.cmpi ne, %parallel_loop3A_734, %parallel_loop3A_735 : i32
        %parallel_loop3A_737 = arith.constant 0 : i32
        %parallel_loop3A_738 = arith.cmpi slt, %parallel_loop3A_734, %parallel_loop3A_737 : i32
        %parallel_loop3A_739 = arith.constant 0 : i32
        %parallel_loop3A_740 = arith.cmpi slt, %parallel_loop3A_733, %parallel_loop3A_739 : i32
        %parallel_loop3A_741 = arith.xori %parallel_loop3A_738, %parallel_loop3A_740 : i1
        %parallel_loop3A_742 = arith.andi %parallel_loop3A_741, %parallel_loop3A_736 : i1
        %parallel_loop3A_743 = arith.addi %parallel_loop3A_734, %parallel_loop3A_733 : i32
        %parallel_loop3A_744 = arith.select %parallel_loop3A_742, %parallel_loop3A_743, %parallel_loop3A_734 : i32
        %parallel_loop3A_745 = vector.broadcast %parallel_loop3A_744 : i32 to vector<16xi32>
        %parallel_loop3A_746 = arith.index_cast %parallel_loop3A_703 : i32 to index
        %parallel_loop3A_747 = arith.constant 0 : index
        %parallel_loop3A_748 = tpu.vector_load %arg7[%parallel_loop3A_746, %parallel_loop3A_747] {strides = array<i32>} : memref<256x64xf32, #tpu.memory_space<vmem>>, vector<16xf32>,
        %parallel_loop3A_749 = arith.constant 0 : i32
        %parallel_loop3A_750 = vector.broadcast %parallel_loop3A_749 : i32 to vector<16xi32>
        %parallel_loop3A_751 = arith.addi %parallel_loop3A_750, %select_n3A : vector<16xi32>
        tpu.vector_store_idx %arg9[%parallel_loop3A_751, %parallel_loop3A_728, %select_n3A_47, %parallel_loop3A_745], %parallel_loop3A_748 : memref<8x2x8x129xf32, #tpu.memory_space<vmem>>[vector<16xi32>, vector<16xi32>, vector<16xi32>, vector<16xi32>], vector<16xf32>,
        %parallel_loop3A_752 = arith.index_cast %parallel_loop3A_703 : i32 to index
        %parallel_loop3A_753 = arith.constant 16 : index
        %parallel_loop3A_754 = tpu.vector_load %arg7[%parallel_loop3A_752, %parallel_loop3A_753] {strides = array<i32>} : memref<256x64xf32, #tpu.memory_space<vmem>>, vector<16xf32>,
        %parallel_loop3A_755 = arith.constant 2 : i32
        %parallel_loop3A_756 = vector.broadcast %parallel_loop3A_755 : i32 to vector<16xi32>
        %parallel_loop3A_757 = arith.addi %parallel_loop3A_756, %select_n3A : vector<16xi32>
        tpu.vector_store_idx %arg9[%parallel_loop3A_757, %parallel_loop3A_728, %select_n3A_47, %parallel_loop3A_745], %parallel_loop3A_754 : memref<8x2x8x129xf32, #tpu.memory_space<vmem>>[vector<16xi32>, vector<16xi32>, vector<16xi32>, vector<16xi32>], vector<16xf32>,
        %parallel_loop3A_758 = arith.index_cast %parallel_loop3A_703 : i32 to index
        %parallel_loop3A_759 = arith.constant 32 : index
        %parallel_loop3A_760 = tpu.vector_load %arg7[%parallel_loop3A_758, %parallel_loop3A_759] {strides = array<i32>} : memref<256x64xf32, #tpu.memory_space<vmem>>, vector<16xf32>,
        %parallel_loop3A_761 = arith.constant 4 : i32
        %parallel_loop3A_762 = vector.broadcast %parallel_loop3A_761 : i32 to vector<16xi32>
        %parallel_loop3A_763 = arith.addi %parallel_loop3A_762, %select_n3A : vector<16xi32>
        tpu.vector_store_idx %arg9[%parallel_loop3A_763, %parallel_loop3A_728, %select_n3A_47, %parallel_loop3A_745], %parallel_loop3A_760 : memref<8x2x8x129xf32, #tpu.memory_space<vmem>>[vector<16xi32>, vector<16xi32>, vector<16xi32>, vector<16xi32>], vector<16xf32>,
        %parallel_loop3A_764 = arith.index_cast %parallel_loop3A_703 : i32 to index
        %parallel_loop3A_765 = arith.constant 48 : index
        %parallel_loop3A_766 = tpu.vector_load %arg7[%parallel_loop3A_764, %parallel_loop3A_765] {strides = array<i32>} : memref<256x64xf32, #tpu.memory_space<vmem>>, vector<16xf32>,
        %parallel_loop3A_767 = arith.constant 6 : i32
        %parallel_loop3A_768 = vector.broadcast %parallel_loop3A_767 : i32 to vector<16xi32>
        %parallel_loop3A_769 = arith.addi %parallel_loop3A_768, %select_n3A : vector<16xi32>
        tpu.vector_store_idx %arg9[%parallel_loop3A_769, %parallel_loop3A_728, %select_n3A_47, %parallel_loop3A_745], %parallel_loop3A_766 : memref<8x2x8x129xf32, #tpu.memory_space<vmem>>[vector<16xi32>, vector<16xi32>, vector<16xi32>, vector<16xi32>], vector<16xf32>,
      } {sc.loop_unroll_factor = 1 : i64, sc.parallel_access}
      %add3A_646 = arith.constant 1 : i32
      %add3A_647 = arith.addi %mul3A_472, %add3A_646 : i32
      %mul3A_648 = arith.constant 256 : i32
      %mul3A_649 = arith.muli %add3A_647, %mul3A_648 : i32
      %add3A_650 = arith.addi %mul3A_2, %mul3A_649 : i32
      %jit3A_651 = arith.constant 128 : i32
      %div3A_652 = arith.divsi %add3A_650, %jit3A_651 : i32
      %sign3A_653 = arith.constant 0 : i32
      %sign3A_654 = arith.cmpi sgt, %add3A_650, %sign3A_653 : i32
      %sign3A_655 = arith.extui %sign3A_654 : i1 to i32
      %sign3A_656 = arith.constant 0 : i32
      %sign3A_657 = arith.cmpi slt, %add3A_650, %sign3A_656 : i32
      %sign3A_658 = arith.extui %sign3A_657 : i1 to i32
      %sign3A_659 = arith.subi %sign3A_655, %sign3A_658 : i32
      %sign3A_660 = arith.constant 0 : i32
      %sign3A_661 = arith.cmpi sgt, %jit3A_651, %sign3A_660 : i32
      %sign3A_662 = arith.extui %sign3A_661 : i1 to i32
      %sign3A_663 = arith.constant 0 : i32
      %sign3A_664 = arith.cmpi slt, %jit3A_651, %sign3A_663 : i32
      %sign3A_665 = arith.extui %sign3A_664 : i1 to i32
      %sign3A_666 = arith.subi %sign3A_662, %sign3A_665 : i32
      %ne3A_667 = arith.cmpi ne, %sign3A_659, %sign3A_666 : i32
      %rem3A_668 = arith.remsi %add3A_650, %jit3A_651 : i32
      %ne3A_669 = arith.constant 0 : i32
      %ne3A_670 = arith.cmpi ne, %rem3A_668, %ne3A_669 : i32
      %and3A_671 = arith.andi %ne3A_667, %ne3A_670 : i1
      %sub3A_672 = arith.constant 1 : i32
      %sub3A_673 = arith.subi %div3A_652, %sub3A_672 : i32
      %select_n3A_674 = arith.select %and3A_671, %sub3A_673, %div3A_652 : i32
      %multiple_of3A_675 = tpu.assume_multiple %select_n3A_674, 2 : i32
      %dma_start3A_676 = arith.constant 0 : i32
      %dma_start3A_677 = arith.constant 0 : i32
      %dma_start3A_678 = arith.constant 0 : i32
      %dma_start3A_679 = arith.constant 0 : i32
      %dma_start3A_680 = tpu.memref_slice %arg9[%dma_start3A_676, %dma_start3A_677, %dma_start3A_678, %dma_start3A_679] : memref<8x2x8x129xf32, #tpu.memory_space<vmem>> -> memref<8x2x8x128xf32, #tpu.memory_space<vmem>>
      %dma_start3A_681 = arith.constant 0 : i32
      %dma_start3A_682 = arith.constant 0 : i32
      %dma_start3A_683 = arith.constant 0 : i32
      %dma_start3A_684 = tpu.memref_slice %arg4[%dma_start3A_681, %multiple_of3A_675, %dma_start3A_682, %dma_start3A_683] : memref<8x6400x8x128xf32, #tpu.memory_space<hbm>> -> memref<8x2x8x128xf32, #tpu.memory_space<hbm>>
      %dma_start3A_685 = arith.constant 0 : i32
      %dma_start3A_686 = arith.constant 0 : i32
      %dma_start3A_687 = arith.constant 0 : i32
      %dma_start3A_688 = tpu.memref_slice %arg4[%dma_start3A_685, %multiple_of3A_675, %dma_start3A_686, %dma_start3A_687] : memref<8x6400x8x128xf32, #tpu.memory_space<hbm>> -> memref<8x2x8x128xf32, #tpu.memory_space<hbm>>
      %dma_start3A_689 = arith.constant 0 : i32
      %dma_start3A_690 = arith.constant 0 : i32
      %dma_start3A_691 = arith.constant 0 : i32
      %dma_start3A_692 = arith.constant 0 : i32
      %dma_start3A_693 = tpu.memref_slice %arg9[%dma_start3A_689, %dma_start3A_690, %dma_start3A_691, %dma_start3A_692] : memref<8x2x8x129xf32, #tpu.memory_space<vmem>> -> memref<8x2x8x128xf32, #tpu.memory_space<vmem>>
      tpu.enqueue_dma source(%dma_start3A_693 : memref<8x2x8x128xf32, #tpu.memory_space<vmem>>) target(%dma_start3A_688 : memref<8x2x8x128xf32, #tpu.memory_space<hbm>>) target_semaphore(%arg13 : memref<!tpu.dma_semaphore, #tpu.memory_space<semaphore_mem>>)
      %add3A_694 = arith.constant 3 : i32
      %add3A_695 = arith.addi %mul3A_472, %add3A_694 : i32
      %mul3A_696 = arith.constant 256 : i32
      %mul3A_697 = arith.muli %add3A_695, %mul3A_696 : i32
      %multiple_of3A_698 = tpu.assume_multiple %mul3A_697, 8 : i32
      %dma_start3A_699 = tpu.memref_slice %arg5[%multiple_of3A_698] : memref<25600xi32, #tpu.memory_space<vmem>> -> memref<256xi32, #tpu.memory_space<vmem>>
      %dma_start3A_700 = arith.constant 0 : i32
      %dma_start3A_701 = arith.constant 0 : i32
      %dma_start3A_702 = tpu.memref_slice %arg2[%dma_start3A_700, %dma_start3A_701] : memref<2000000x64xf32, #tpu.memory_space<hbm>> -> memref<2000000x64xf32, #tpu.memory_space<hbm>>
      tpu.enqueue_indirect_dma source(%dma_start3A_702 : memref<2000000x64xf32, #tpu.memory_space<hbm>>) target(%arg7 : memref<256x64xf32, #tpu.memory_space<vmem>>) offsets(%dma_start3A_699 : memref<256xi32, #tpu.memory_space<vmem>>) semaphore(%arg11 : memref<!tpu.dma_semaphore, #tpu.memory_space<semaphore_mem>>)
    }
    %scan3A_181 = arith.constant 48 : i32
    %multiple_of3A_182 = arith.constant 25088 : i32
    %multiple_of3A_183 = tpu.assume_multiple %multiple_of3A_182, 8 : i32
    %dma_wait3A_184 = tpu.memref_slice %arg5[%multiple_of3A_183] : memref<25600xi32, #tpu.memory_space<vmem>> -> memref<256xi32, #tpu.memory_space<vmem>>
    %dma_wait3A_185 = arith.constant 0 : i32
    %dma_wait3A_186 = arith.constant 0 : i32
    %dma_wait3A_187 = tpu.memref_slice %arg2[%dma_wait3A_185, %dma_wait3A_186] : memref<2000000x64xf32, #tpu.memory_space<hbm>> -> memref<2000000x64xf32, #tpu.memory_space<hbm>>
    tpu.wait_indirect_dma semaphore(%arg10 : memref<!tpu.dma_semaphore, #tpu.memory_space<semaphore_mem>>) src(%dma_wait3A_187 : memref<2000000x64xf32, #tpu.memory_space<hbm>>) dst(%arg6 : memref<256x64xf32, #tpu.memory_space<vmem>>)
    %add3A_188 = arith.constant 24576 : i32
    %add3A_189 = arith.addi %mul3A_2, %add3A_188 : i32
    %jit3A_190 = arith.constant 128 : i32
    %div3A_191 = arith.divsi %add3A_189, %jit3A_190 : i32
    %sign3A_192 = arith.constant 0 : i32
    %sign3A_193 = arith.cmpi sgt, %add3A_189, %sign3A_192 : i32
    %sign3A_194 = arith.extui %sign3A_193 : i1 to i32
    %sign3A_195 = arith.constant 0 : i32
    %sign3A_196 = arith.cmpi slt, %add3A_189, %sign3A_195 : i32
    %sign3A_197 = arith.extui %sign3A_196 : i1 to i32
    %sign3A_198 = arith.subi %sign3A_194, %sign3A_197 : i32
    %sign3A_199 = arith.constant 0 : i32
    %sign3A_200 = arith.cmpi sgt, %jit3A_190, %sign3A_199 : i32
    %sign3A_201 = arith.extui %sign3A_200 : i1 to i32
    %sign3A_202 = arith.constant 0 : i32
    %sign3A_203 = arith.cmpi slt, %jit3A_190, %sign3A_202 : i32
    %sign3A_204 = arith.extui %sign3A_203 : i1 to i32
    %sign3A_205 = arith.subi %sign3A_201, %sign3A_204 : i32
    %ne3A_206 = arith.cmpi ne, %sign3A_198, %sign3A_205 : i32
    %rem3A_207 = arith.remsi %add3A_189, %jit3A_190 : i32
    %ne3A_208 = arith.constant 0 : i32
    %ne3A_209 = arith.cmpi ne, %rem3A_207, %ne3A_208 : i32
    %and3A_210 = arith.andi %ne3A_206, %ne3A_209 : i1
    %sub3A_211 = arith.constant 1 : i32
    %sub3A_212 = arith.subi %div3A_191, %sub3A_211 : i32
    %select_n3A_213 = arith.select %and3A_210, %sub3A_212, %div3A_191 : i32
    %multiple_of3A_214 = tpu.assume_multiple %select_n3A_213, 2 : i32
    %dma_wait3A_215 = arith.constant 0 : i32
    %dma_wait3A_216 = arith.constant 0 : i32
    %dma_wait3A_217 = arith.constant 0 : i32
    %dma_wait3A_218 = arith.constant 0 : i32
    %dma_wait3A_219 = tpu.memref_slice %arg8[%dma_wait3A_215, %dma_wait3A_216, %dma_wait3A_217, %dma_wait3A_218] : memref<8x2x8x129xf32, #tpu.memory_space<vmem>> -> memref<8x2x8x128xf32, #tpu.memory_space<vmem>>
    %dma_wait3A_220 = arith.constant 0 : i32
    %dma_wait3A_221 = arith.constant 0 : i32
    %dma_wait3A_222 = arith.constant 0 : i32
    %dma_wait3A_223 = tpu.memref_slice %arg4[%dma_wait3A_220, %multiple_of3A_214, %dma_wait3A_221, %dma_wait3A_222] : memref<8x6400x8x128xf32, #tpu.memory_space<hbm>> -> memref<8x2x8x128xf32, #tpu.memory_space<hbm>>
    %dma_wait3A_224 = arith.constant 0 : i32
    %dma_wait3A_225 = arith.constant 0 : i32
    %dma_wait3A_226 = arith.constant 0 : i32
    %dma_wait3A_227 = tpu.memref_slice %arg4[%dma_wait3A_224, %multiple_of3A_214, %dma_wait3A_225, %dma_wait3A_226] : memref<8x6400x8x128xf32, #tpu.memory_space<hbm>> -> memref<8x2x8x128xf32, #tpu.memory_space<hbm>>
    %dma_wait3A_228 = arith.constant 0 : i32
    %dma_wait3A_229 = arith.constant 0 : i32
    %dma_wait3A_230 = arith.constant 0 : i32
    %dma_wait3A_231 = arith.constant 0 : i32
    %dma_wait3A_232 = tpu.memref_slice %arg8[%dma_wait3A_228, %dma_wait3A_229, %dma_wait3A_230, %dma_wait3A_231] : memref<8x2x8x129xf32, #tpu.memory_space<vmem>> -> memref<8x2x8x128xf32, #tpu.memory_space<vmem>>
    tpu.wait_dma2 semaphore(%arg12 : memref<!tpu.dma_semaphore, #tpu.memory_space<semaphore_mem>>) src(%dma_wait3A_232 : memref<8x2x8x128xf32, #tpu.memory_space<vmem>>) dst(%dma_wait3A_227 : memref<8x2x8x128xf32, #tpu.memory_space<hbm>>)
    %parallel_loop3A_233 = arith.constant 0 : i32
    %parallel_loop3A_234 = arith.constant 256 : i32
    %parallel_loop3A_235 = arith.constant 1 : i32
    scf.for %parallel_loop3A_470 = %parallel_loop3A_233 to %parallel_loop3A_234 step %parallel_loop3A_235  : i32 {
      %parallel_loop3A_471 = arith.constant 128 : i32
      %parallel_loop3A_472 = arith.divsi %parallel_loop3A_470, %parallel_loop3A_471 : i32
      %parallel_loop3A_473 = arith.constant 0 : i32
      %parallel_loop3A_474 = arith.cmpi sgt, %parallel_loop3A_470, %parallel_loop3A_473 : i32
      %parallel_loop3A_475 = arith.extui %parallel_loop3A_474 : i1 to i32
      %parallel_loop3A_476 = arith.constant 0 : i32
      %parallel_loop3A_477 = arith.cmpi slt, %parallel_loop3A_470, %parallel_loop3A_476 : i32
      %parallel_loop3A_478 = arith.extui %parallel_loop3A_477 : i1 to i32
      %parallel_loop3A_479 = arith.subi %parallel_loop3A_475, %parallel_loop3A_478 : i32
      %parallel_loop3A_480 = arith.constant 0 : i32
      %parallel_loop3A_481 = arith.cmpi sgt, %parallel_loop3A_471, %parallel_loop3A_480 : i32
      %parallel_loop3A_482 = arith.extui %parallel_loop3A_481 : i1 to i32
      %parallel_loop3A_483 = arith.constant 0 : i32
      %parallel_loop3A_484 = arith.cmpi slt, %parallel_loop3A_471, %parallel_loop3A_483 : i32
      %parallel_loop3A_485 = arith.extui %parallel_loop3A_484 : i1 to i32
      %parallel_loop3A_486 = arith.subi %parallel_loop3A_482, %parallel_loop3A_485 : i32
      %parallel_loop3A_487 = arith.cmpi ne, %parallel_loop3A_479, %parallel_loop3A_486 : i32
      %parallel_loop3A_488 = arith.remsi %parallel_loop3A_470, %parallel_loop3A_471 : i32
      %parallel_loop3A_489 = arith.constant 0 : i32
      %parallel_loop3A_490 = arith.cmpi ne, %parallel_loop3A_488, %parallel_loop3A_489 : i32
      %parallel_loop3A_491 = arith.andi %parallel_loop3A_487, %parallel_loop3A_490 : i1
      %parallel_loop3A_492 = arith.constant 1 : i32
      %parallel_loop3A_493 = arith.subi %parallel_loop3A_472, %parallel_loop3A_492 : i32
      %parallel_loop3A_494 = arith.select %parallel_loop3A_491, %parallel_loop3A_493, %parallel_loop3A_472 : i32
      %parallel_loop3A_495 = vector.broadcast %parallel_loop3A_494 : i32 to vector<16xi32>
      %parallel_loop3A_496 = arith.constant 128 : i32
      %parallel_loop3A_497 = arith.constant 0 : i32
      %parallel_loop3A_498 = arith.cmpi eq, %parallel_loop3A_496, %parallel_loop3A_497 : i32
      %parallel_loop3A_499 = arith.constant 1 : i32
      %parallel_loop3A_500 = arith.select %parallel_loop3A_498, %parallel_loop3A_499, %parallel_loop3A_496 : i32
      %parallel_loop3A_501 = arith.remsi %parallel_loop3A_470, %parallel_loop3A_500 : i32
      %parallel_loop3A_502 = arith.constant 0 : i32
      %parallel_loop3A_503 = arith.cmpi ne, %parallel_loop3A_501, %parallel_loop3A_502 : i32
      %parallel_loop3A_504 = arith.constant 0 : i32
      %parallel_loop3A_505 = arith.cmpi slt, %parallel_loop3A_501, %parallel_loop3A_504 : i32
      %parallel_loop3A_506 = arith.constant 0 : i32
      %parallel_loop3A_507 = arith.cmpi slt, %parallel_loop3A_500, %parallel_loop3A_506 : i32
      %parallel_loop3A_508 = arith.xori %parallel_loop3A_505, %parallel_loop3A_507 : i1
      %parallel_loop3A_509 = arith.andi %parallel_loop3A_508, %parallel_loop3A_503 : i1
      %parallel_loop3A_510 = arith.addi %parallel_loop3A_501, %parallel_loop3A_500 : i32
      %parallel_loop3A_511 = arith.select %parallel_loop3A_509, %parallel_loop3A_510, %parallel_loop3A_501 : i32
      %parallel_loop3A_512 = vector.broadcast %parallel_loop3A_511 : i32 to vector<16xi32>
      %parallel_loop3A_513 = arith.index_cast %parallel_loop3A_470 : i32 to index
      %parallel_loop3A_514 = arith.constant 0 : index
      %parallel_loop3A_515 = tpu.vector_load %arg6[%parallel_loop3A_513, %parallel_loop3A_514] {strides = array<i32>} : memref<256x64xf32, #tpu.memory_space<vmem>>, vector<16xf32>,
      %parallel_loop3A_516 = arith.constant 0 : i32
      %parallel_loop3A_517 = vector.broadcast %parallel_loop3A_516 : i32 to vector<16xi32>
      %parallel_loop3A_518 = arith.addi %parallel_loop3A_517, %select_n3A : vector<16xi32>
      tpu.vector_store_idx %arg8[%parallel_loop3A_518, %parallel_loop3A_495, %select_n3A_47, %parallel_loop3A_512], %parallel_loop3A_515 : memref<8x2x8x129xf32, #tpu.memory_space<vmem>>[vector<16xi32>, vector<16xi32>, vector<16xi32>, vector<16xi32>], vector<16xf32>,
      %parallel_loop3A_519 = arith.index_cast %parallel_loop3A_470 : i32 to index
      %parallel_loop3A_520 = arith.constant 16 : index
      %parallel_loop3A_521 = tpu.vector_load %arg6[%parallel_loop3A_519, %parallel_loop3A_520] {strides = array<i32>} : memref<256x64xf32, #tpu.memory_space<vmem>>, vector<16xf32>,
      %parallel_loop3A_522 = arith.constant 2 : i32
      %parallel_loop3A_523 = vector.broadcast %parallel_loop3A_522 : i32 to vector<16xi32>
      %parallel_loop3A_524 = arith.addi %parallel_loop3A_523, %select_n3A : vector<16xi32>
      tpu.vector_store_idx %arg8[%parallel_loop3A_524, %parallel_loop3A_495, %select_n3A_47, %parallel_loop3A_512], %parallel_loop3A_521 : memref<8x2x8x129xf32, #tpu.memory_space<vmem>>[vector<16xi32>, vector<16xi32>, vector<16xi32>, vector<16xi32>], vector<16xf32>,
      %parallel_loop3A_525 = arith.index_cast %parallel_loop3A_470 : i32 to index
      %parallel_loop3A_526 = arith.constant 32 : index
      %parallel_loop3A_527 = tpu.vector_load %arg6[%parallel_loop3A_525, %parallel_loop3A_526] {strides = array<i32>} : memref<256x64xf32, #tpu.memory_space<vmem>>, vector<16xf32>,
      %parallel_loop3A_528 = arith.constant 4 : i32
      %parallel_loop3A_529 = vector.broadcast %parallel_loop3A_528 : i32 to vector<16xi32>
      %parallel_loop3A_530 = arith.addi %parallel_loop3A_529, %select_n3A : vector<16xi32>
      tpu.vector_store_idx %arg8[%parallel_loop3A_530, %parallel_loop3A_495, %select_n3A_47, %parallel_loop3A_512], %parallel_loop3A_527 : memref<8x2x8x129xf32, #tpu.memory_space<vmem>>[vector<16xi32>, vector<16xi32>, vector<16xi32>, vector<16xi32>], vector<16xf32>,
      %parallel_loop3A_531 = arith.index_cast %parallel_loop3A_470 : i32 to index
      %parallel_loop3A_532 = arith.constant 48 : index
      %parallel_loop3A_533 = tpu.vector_load %arg6[%parallel_loop3A_531, %parallel_loop3A_532] {strides = array<i32>} : memref<256x64xf32, #tpu.memory_space<vmem>>, vector<16xf32>,
      %parallel_loop3A_534 = arith.constant 6 : i32
      %parallel_loop3A_535 = vector.broadcast %parallel_loop3A_534 : i32 to vector<16xi32>
      %parallel_loop3A_536 = arith.addi %parallel_loop3A_535, %select_n3A : vector<16xi32>
      tpu.vector_store_idx %arg8[%parallel_loop3A_536, %parallel_loop3A_495, %select_n3A_47, %parallel_loop3A_512], %parallel_loop3A_533 : memref<8x2x8x129xf32, #tpu.memory_space<vmem>>[vector<16xi32>, vector<16xi32>, vector<16xi32>, vector<16xi32>], vector<16xf32>,
    } {sc.loop_unroll_factor = 1 : i64, sc.parallel_access}
    %add3A_236 = arith.constant 25088 : i32
    %add3A_237 = arith.addi %mul3A_2, %add3A_236 : i32
    %jit3A_238 = arith.constant 128 : i32
    %div3A_239 = arith.divsi %add3A_237, %jit3A_238 : i32
    %sign3A_240 = arith.constant 0 : i32
    %sign3A_241 = arith.cmpi sgt, %add3A_237, %sign3A_240 : i32
    %sign3A_242 = arith.extui %sign3A_241 : i1 to i32
    %sign3A_243 = arith.constant 0 : i32
    %sign3A_244 = arith.cmpi slt, %add3A_237, %sign3A_243 : i32
    %sign3A_245 = arith.extui %sign3A_244 : i1 to i32
    %sign3A_246 = arith.subi %sign3A_242, %sign3A_245 : i32
    %sign3A_247 = arith.constant 0 : i32
    %sign3A_248 = arith.cmpi sgt, %jit3A_238, %sign3A_247 : i32
    %sign3A_249 = arith.extui %sign3A_248 : i1 to i32
    %sign3A_250 = arith.constant 0 : i32
    %sign3A_251 = arith.cmpi slt, %jit3A_238, %sign3A_250 : i32
    %sign3A_252 = arith.extui %sign3A_251 : i1 to i32
    %sign3A_253 = arith.subi %sign3A_249, %sign3A_252 : i32
    %ne3A_254 = arith.cmpi ne, %sign3A_246, %sign3A_253 : i32
    %rem3A_255 = arith.remsi %add3A_237, %jit3A_238 : i32
    %ne3A_256 = arith.constant 0 : i32
    %ne3A_257 = arith.cmpi ne, %rem3A_255, %ne3A_256 : i32
    %and3A_258 = arith.andi %ne3A_254, %ne3A_257 : i1
    %sub3A_259 = arith.constant 1 : i32
    %sub3A_260 = arith.subi %div3A_239, %sub3A_259 : i32
    %select_n3A_261 = arith.select %and3A_258, %sub3A_260, %div3A_239 : i32
    %multiple_of3A_262 = tpu.assume_multiple %select_n3A_261, 2 : i32
    %dma_start3A_263 = arith.constant 0 : i32
    %dma_start3A_264 = arith.constant 0 : i32
    %dma_start3A_265 = arith.constant 0 : i32
    %dma_start3A_266 = arith.constant 0 : i32
    %dma_start3A_267 = tpu.memref_slice %arg8[%dma_start3A_263, %dma_start3A_264, %dma_start3A_265, %dma_start3A_266] : memref<8x2x8x129xf32, #tpu.memory_space<vmem>> -> memref<8x2x8x128xf32, #tpu.memory_space<vmem>>
    %dma_start3A_268 = arith.constant 0 : i32
    %dma_start3A_269 = arith.constant 0 : i32
    %dma_start3A_270 = arith.constant 0 : i32
    %dma_start3A_271 = tpu.memref_slice %arg4[%dma_start3A_268, %multiple_of3A_262, %dma_start3A_269, %dma_start3A_270] : memref<8x6400x8x128xf32, #tpu.memory_space<hbm>> -> memref<8x2x8x128xf32, #tpu.memory_space<hbm>>
    %dma_start3A_272 = arith.constant 0 : i32
    %dma_start3A_273 = arith.constant 0 : i32
    %dma_start3A_274 = arith.constant 0 : i32
    %dma_start3A_275 = tpu.memref_slice %arg4[%dma_start3A_272, %multiple_of3A_262, %dma_start3A_273, %dma_start3A_274] : memref<8x6400x8x128xf32, #tpu.memory_space<hbm>> -> memref<8x2x8x128xf32, #tpu.memory_space<hbm>>
    %dma_start3A_276 = arith.constant 0 : i32
    %dma_start3A_277 = arith.constant 0 : i32
    %dma_start3A_278 = arith.constant 0 : i32
    %dma_start3A_279 = arith.constant 0 : i32
    %dma_start3A_280 = tpu.memref_slice %arg8[%dma_start3A_276, %dma_start3A_277, %dma_start3A_278, %dma_start3A_279] : memref<8x2x8x129xf32, #tpu.memory_space<vmem>> -> memref<8x2x8x128xf32, #tpu.memory_space<vmem>>
    tpu.enqueue_dma source(%dma_start3A_280 : memref<8x2x8x128xf32, #tpu.memory_space<vmem>>) target(%dma_start3A_275 : memref<8x2x8x128xf32, #tpu.memory_space<hbm>>) target_semaphore(%arg12 : memref<!tpu.dma_semaphore, #tpu.memory_space<semaphore_mem>>)
    %multiple_of3A_281 = arith.constant 25344 : i32
    %multiple_of3A_282 = tpu.assume_multiple %multiple_of3A_281, 8 : i32
    %dma_wait3A_283 = tpu.memref_slice %arg5[%multiple_of3A_282] : memref<25600xi32, #tpu.memory_space<vmem>> -> memref<256xi32, #tpu.memory_space<vmem>>
    %dma_wait3A_284 = arith.constant 0 : i32
    %dma_wait3A_285 = arith.constant 0 : i32
    %dma_wait3A_286 = tpu.memref_slice %arg2[%dma_wait3A_284, %dma_wait3A_285] : memref<2000000x64xf32, #tpu.memory_space<hbm>> -> memref<2000000x64xf32, #tpu.memory_space<hbm>>
    tpu.wait_indirect_dma semaphore(%arg11 : memref<!tpu.dma_semaphore, #tpu.memory_space<semaphore_mem>>) src(%dma_wait3A_286 : memref<2000000x64xf32, #tpu.memory_space<hbm>>) dst(%arg7 : memref<256x64xf32, #tpu.memory_space<vmem>>)
    %add3A_287 = arith.constant 24832 : i32
    %add3A_288 = arith.addi %mul3A_2, %add3A_287 : i32
    %jit3A_289 = arith.constant 128 : i32
    %div3A_290 = arith.divsi %add3A_288, %jit3A_289 : i32
    %sign3A_291 = arith.constant 0 : i32
    %sign3A_292 = arith.cmpi sgt, %add3A_288, %sign3A_291 : i32
    %sign3A_293 = arith.extui %sign3A_292 : i1 to i32
    %sign3A_294 = arith.constant 0 : i32
    %sign3A_295 = arith.cmpi slt, %add3A_288, %sign3A_294 : i32
    %sign3A_296 = arith.extui %sign3A_295 : i1 to i32
    %sign3A_297 = arith.subi %sign3A_293, %sign3A_296 : i32
    %sign3A_298 = arith.constant 0 : i32
    %sign3A_299 = arith.cmpi sgt, %jit3A_289, %sign3A_298 : i32
    %sign3A_300 = arith.extui %sign3A_299 : i1 to i32
    %sign3A_301 = arith.constant 0 : i32
    %sign3A_302 = arith.cmpi slt, %jit3A_289, %sign3A_301 : i32
    %sign3A_303 = arith.extui %sign3A_302 : i1 to i32
    %sign3A_304 = arith.subi %sign3A_300, %sign3A_303 : i32
    %ne3A_305 = arith.cmpi ne, %sign3A_297, %sign3A_304 : i32
    %rem3A_306 = arith.remsi %add3A_288, %jit3A_289 : i32
    %ne3A_307 = arith.constant 0 : i32
    %ne3A_308 = arith.cmpi ne, %rem3A_306, %ne3A_307 : i32
    %and3A_309 = arith.andi %ne3A_305, %ne3A_308 : i1
    %sub3A_310 = arith.constant 1 : i32
    %sub3A_311 = arith.subi %div3A_290, %sub3A_310 : i32
    %select_n3A_312 = arith.select %and3A_309, %sub3A_311, %div3A_290 : i32
    %multiple_of3A_313 = tpu.assume_multiple %select_n3A_312, 2 : i32
    %dma_wait3A_314 = arith.constant 0 : i32
    %dma_wait3A_315 = arith.constant 0 : i32
    %dma_wait3A_316 = arith.constant 0 : i32
    %dma_wait3A_317 = arith.constant 0 : i32
    %dma_wait3A_318 = tpu.memref_slice %arg9[%dma_wait3A_314, %dma_wait3A_315, %dma_wait3A_316, %dma_wait3A_317] : memref<8x2x8x129xf32, #tpu.memory_space<vmem>> -> memref<8x2x8x128xf32, #tpu.memory_space<vmem>>
    %dma_wait3A_319 = arith.constant 0 : i32
    %dma_wait3A_320 = arith.constant 0 : i32
    %dma_wait3A_321 = arith.constant 0 : i32
    %dma_wait3A_322 = tpu.memref_slice %arg4[%dma_wait3A_319, %multiple_of3A_313, %dma_wait3A_320, %dma_wait3A_321] : memref<8x6400x8x128xf32, #tpu.memory_space<hbm>> -> memref<8x2x8x128xf32, #tpu.memory_space<hbm>>
    %dma_wait3A_323 = arith.constant 0 : i32
    %dma_wait3A_324 = arith.constant 0 : i32
    %dma_wait3A_325 = arith.constant 0 : i32
    %dma_wait3A_326 = tpu.memref_slice %arg4[%dma_wait3A_323, %multiple_of3A_313, %dma_wait3A_324, %dma_wait3A_325] : memref<8x6400x8x128xf32, #tpu.memory_space<hbm>> -> memref<8x2x8x128xf32, #tpu.memory_space<hbm>>
    %dma_wait3A_327 = arith.constant 0 : i32
    %dma_wait3A_328 = arith.constant 0 : i32
    %dma_wait3A_329 = arith.constant 0 : i32
    %dma_wait3A_330 = arith.constant 0 : i32
    %dma_wait3A_331 = tpu.memref_slice %arg9[%dma_wait3A_327, %dma_wait3A_328, %dma_wait3A_329, %dma_wait3A_330] : memref<8x2x8x129xf32, #tpu.memory_space<vmem>> -> memref<8x2x8x128xf32, #tpu.memory_space<vmem>>
    tpu.wait_dma2 semaphore(%arg13 : memref<!tpu.dma_semaphore, #tpu.memory_space<semaphore_mem>>) src(%dma_wait3A_331 : memref<8x2x8x128xf32, #tpu.memory_space<vmem>>) dst(%dma_wait3A_326 : memref<8x2x8x128xf32, #tpu.memory_space<hbm>>)
    %parallel_loop3A_332 = arith.constant 0 : i32
    %parallel_loop3A_333 = arith.constant 256 : i32
    %parallel_loop3A_334 = arith.constant 1 : i32
    scf.for %parallel_loop3A_470 = %parallel_loop3A_332 to %parallel_loop3A_333 step %parallel_loop3A_334  : i32 {
      %parallel_loop3A_471 = arith.constant 128 : i32
      %parallel_loop3A_472 = arith.divsi %parallel_loop3A_470, %parallel_loop3A_471 : i32
      %parallel_loop3A_473 = arith.constant 0 : i32
      %parallel_loop3A_474 = arith.cmpi sgt, %parallel_loop3A_470, %parallel_loop3A_473 : i32
      %parallel_loop3A_475 = arith.extui %parallel_loop3A_474 : i1 to i32
      %parallel_loop3A_476 = arith.constant 0 : i32
      %parallel_loop3A_477 = arith.cmpi slt, %parallel_loop3A_470, %parallel_loop3A_476 : i32
      %parallel_loop3A_478 = arith.extui %parallel_loop3A_477 : i1 to i32
      %parallel_loop3A_479 = arith.subi %parallel_loop3A_475, %parallel_loop3A_478 : i32
      %parallel_loop3A_480 = arith.constant 0 : i32
      %parallel_loop3A_481 = arith.cmpi sgt, %parallel_loop3A_471, %parallel_loop3A_480 : i32
      %parallel_loop3A_482 = arith.extui %parallel_loop3A_481 : i1 to i32
      %parallel_loop3A_483 = arith.constant 0 : i32
      %parallel_loop3A_484 = arith.cmpi slt, %parallel_loop3A_471, %parallel_loop3A_483 : i32
      %parallel_loop3A_485 = arith.extui %parallel_loop3A_484 : i1 to i32
      %parallel_loop3A_486 = arith.subi %parallel_loop3A_482, %parallel_loop3A_485 : i32
      %parallel_loop3A_487 = arith.cmpi ne, %parallel_loop3A_479, %parallel_loop3A_486 : i32
      %parallel_loop3A_488 = arith.remsi %parallel_loop3A_470, %parallel_loop3A_471 : i32
      %parallel_loop3A_489 = arith.constant 0 : i32
      %parallel_loop3A_490 = arith.cmpi ne, %parallel_loop3A_488, %parallel_loop3A_489 : i32
      %parallel_loop3A_491 = arith.andi %parallel_loop3A_487, %parallel_loop3A_490 : i1
      %parallel_loop3A_492 = arith.constant 1 : i32
      %parallel_loop3A_493 = arith.subi %parallel_loop3A_472, %parallel_loop3A_492 : i32
      %parallel_loop3A_494 = arith.select %parallel_loop3A_491, %parallel_loop3A_493, %parallel_loop3A_472 : i32
      %parallel_loop3A_495 = vector.broadcast %parallel_loop3A_494 : i32 to vector<16xi32>
      %parallel_loop3A_496 = arith.constant 128 : i32
      %parallel_loop3A_497 = arith.constant 0 : i32
      %parallel_loop3A_498 = arith.cmpi eq, %parallel_loop3A_496, %parallel_loop3A_497 : i32
      %parallel_loop3A_499 = arith.constant 1 : i32
      %parallel_loop3A_500 = arith.select %parallel_loop3A_498, %parallel_loop3A_499, %parallel_loop3A_496 : i32
      %parallel_loop3A_501 = arith.remsi %parallel_loop3A_470, %parallel_loop3A_500 : i32
      %parallel_loop3A_502 = arith.constant 0 : i32
      %parallel_loop3A_503 = arith.cmpi ne, %parallel_loop3A_501, %parallel_loop3A_502 : i32
      %parallel_loop3A_504 = arith.constant 0 : i32
      %parallel_loop3A_505 = arith.cmpi slt, %parallel_loop3A_501, %parallel_loop3A_504 : i32
      %parallel_loop3A_506 = arith.constant 0 : i32
      %parallel_loop3A_507 = arith.cmpi slt, %parallel_loop3A_500, %parallel_loop3A_506 : i32
      %parallel_loop3A_508 = arith.xori %parallel_loop3A_505, %parallel_loop3A_507 : i1
      %parallel_loop3A_509 = arith.andi %parallel_loop3A_508, %parallel_loop3A_503 : i1
      %parallel_loop3A_510 = arith.addi %parallel_loop3A_501, %parallel_loop3A_500 : i32
      %parallel_loop3A_511 = arith.select %parallel_loop3A_509, %parallel_loop3A_510, %parallel_loop3A_501 : i32
      %parallel_loop3A_512 = vector.broadcast %parallel_loop3A_511 : i32 to vector<16xi32>
      %parallel_loop3A_513 = arith.index_cast %parallel_loop3A_470 : i32 to index
      %parallel_loop3A_514 = arith.constant 0 : index
      %parallel_loop3A_515 = tpu.vector_load %arg7[%parallel_loop3A_513, %parallel_loop3A_514] {strides = array<i32>} : memref<256x64xf32, #tpu.memory_space<vmem>>, vector<16xf32>,
      %parallel_loop3A_516 = arith.constant 0 : i32
      %parallel_loop3A_517 = vector.broadcast %parallel_loop3A_516 : i32 to vector<16xi32>
      %parallel_loop3A_518 = arith.addi %parallel_loop3A_517, %select_n3A : vector<16xi32>
      tpu.vector_store_idx %arg9[%parallel_loop3A_518, %parallel_loop3A_495, %select_n3A_47, %parallel_loop3A_512], %parallel_loop3A_515 : memref<8x2x8x129xf32, #tpu.memory_space<vmem>>[vector<16xi32>, vector<16xi32>, vector<16xi32>, vector<16xi32>], vector<16xf32>,
      %parallel_loop3A_519 = arith.index_cast %parallel_loop3A_470 : i32 to index
      %parallel_loop3A_520 = arith.constant 16 : index
      %parallel_loop3A_521 = tpu.vector_load %arg7[%parallel_loop3A_519, %parallel_loop3A_520] {strides = array<i32>} : memref<256x64xf32, #tpu.memory_space<vmem>>, vector<16xf32>,
      %parallel_loop3A_522 = arith.constant 2 : i32
      %parallel_loop3A_523 = vector.broadcast %parallel_loop3A_522 : i32 to vector<16xi32>
      %parallel_loop3A_524 = arith.addi %parallel_loop3A_523, %select_n3A : vector<16xi32>
      tpu.vector_store_idx %arg9[%parallel_loop3A_524, %parallel_loop3A_495, %select_n3A_47, %parallel_loop3A_512], %parallel_loop3A_521 : memref<8x2x8x129xf32, #tpu.memory_space<vmem>>[vector<16xi32>, vector<16xi32>, vector<16xi32>, vector<16xi32>], vector<16xf32>,
      %parallel_loop3A_525 = arith.index_cast %parallel_loop3A_470 : i32 to index
      %parallel_loop3A_526 = arith.constant 32 : index
      %parallel_loop3A_527 = tpu.vector_load %arg7[%parallel_loop3A_525, %parallel_loop3A_526] {strides = array<i32>} : memref<256x64xf32, #tpu.memory_space<vmem>>, vector<16xf32>,
      %parallel_loop3A_528 = arith.constant 4 : i32
      %parallel_loop3A_529 = vector.broadcast %parallel_loop3A_528 : i32 to vector<16xi32>
      %parallel_loop3A_530 = arith.addi %parallel_loop3A_529, %select_n3A : vector<16xi32>
      tpu.vector_store_idx %arg9[%parallel_loop3A_530, %parallel_loop3A_495, %select_n3A_47, %parallel_loop3A_512], %parallel_loop3A_527 : memref<8x2x8x129xf32, #tpu.memory_space<vmem>>[vector<16xi32>, vector<16xi32>, vector<16xi32>, vector<16xi32>], vector<16xf32>,
      %parallel_loop3A_531 = arith.index_cast %parallel_loop3A_470 : i32 to index
      %parallel_loop3A_532 = arith.constant 48 : index
      %parallel_loop3A_533 = tpu.vector_load %arg7[%parallel_loop3A_531, %parallel_loop3A_532] {strides = array<i32>} : memref<256x64xf32, #tpu.memory_space<vmem>>, vector<16xf32>,
      %parallel_loop3A_534 = arith.constant 6 : i32
      %parallel_loop3A_535 = vector.broadcast %parallel_loop3A_534 : i32 to vector<16xi32>
      %parallel_loop3A_536 = arith.addi %parallel_loop3A_535, %select_n3A : vector<16xi32>
      tpu.vector_store_idx %arg9[%parallel_loop3A_536, %parallel_loop3A_495, %select_n3A_47, %parallel_loop3A_512], %parallel_loop3A_533 : memref<8x2x8x129xf32, #tpu.memory_space<vmem>>[vector<16xi32>, vector<16xi32>, vector<16xi32>, vector<16xi32>], vector<16xf32>,
    } {sc.loop_unroll_factor = 1 : i64, sc.parallel_access}
    %add3A_335 = arith.constant 25344 : i32
    %add3A_336 = arith.addi %mul3A_2, %add3A_335 : i32
    %jit3A_337 = arith.constant 128 : i32
    %div3A_338 = arith.divsi %add3A_336, %jit3A_337 : i32
    %sign3A_339 = arith.constant 0 : i32
    %sign3A_340 = arith.cmpi sgt, %add3A_336, %sign3A_339 : i32
    %sign3A_341 = arith.extui %sign3A_340 : i1 to i32
    %sign3A_342 = arith.constant 0 : i32
    %sign3A_343 = arith.cmpi slt, %add3A_336, %sign3A_342 : i32
    %sign3A_344 = arith.extui %sign3A_343 : i1 to i32
    %sign3A_345 = arith.subi %sign3A_341, %sign3A_344 : i32
    %sign3A_346 = arith.constant 0 : i32
    %sign3A_347 = arith.cmpi sgt, %jit3A_337, %sign3A_346 : i32
    %sign3A_348 = arith.extui %sign3A_347 : i1 to i32
    %sign3A_349 = arith.constant 0 : i32
    %sign3A_350 = arith.cmpi slt, %jit3A_337, %sign3A_349 : i32
    %sign3A_351 = arith.extui %sign3A_350 : i1 to i32
    %sign3A_352 = arith.subi %sign3A_348, %sign3A_351 : i32
    %ne3A_353 = arith.cmpi ne, %sign3A_345, %sign3A_352 : i32
    %rem3A_354 = arith.remsi %add3A_336, %jit3A_337 : i32
    %ne3A_355 = arith.constant 0 : i32
    %ne3A_356 = arith.cmpi ne, %rem3A_354, %ne3A_355 : i32
    %and3A_357 = arith.andi %ne3A_353, %ne3A_356 : i1
    %sub3A_358 = arith.constant 1 : i32
    %sub3A_359 = arith.subi %div3A_338, %sub3A_358 : i32
    %select_n3A_360 = arith.select %and3A_357, %sub3A_359, %div3A_338 : i32
    %multiple_of3A_361 = tpu.assume_multiple %select_n3A_360, 2 : i32
    %dma_start3A_362 = arith.constant 0 : i32
    %dma_start3A_363 = arith.constant 0 : i32
    %dma_start3A_364 = arith.constant 0 : i32
    %dma_start3A_365 = arith.constant 0 : i32
    %dma_start3A_366 = tpu.memref_slice %arg9[%dma_start3A_362, %dma_start3A_363, %dma_start3A_364, %dma_start3A_365] : memref<8x2x8x129xf32, #tpu.memory_space<vmem>> -> memref<8x2x8x128xf32, #tpu.memory_space<vmem>>
    %dma_start3A_367 = arith.constant 0 : i32
    %dma_start3A_368 = arith.constant 0 : i32
    %dma_start3A_369 = arith.constant 0 : i32
    %dma_start3A_370 = tpu.memref_slice %arg4[%dma_start3A_367, %multiple_of3A_361, %dma_start3A_368, %dma_start3A_369] : memref<8x6400x8x128xf32, #tpu.memory_space<hbm>> -> memref<8x2x8x128xf32, #tpu.memory_space<hbm>>
    %dma_start3A_371 = arith.constant 0 : i32
    %dma_start3A_372 = arith.constant 0 : i32
    %dma_start3A_373 = arith.constant 0 : i32
    %dma_start3A_374 = tpu.memref_slice %arg4[%dma_start3A_371, %multiple_of3A_361, %dma_start3A_372, %dma_start3A_373] : memref<8x6400x8x128xf32, #tpu.memory_space<hbm>> -> memref<8x2x8x128xf32, #tpu.memory_space<hbm>>
    %dma_start3A_375 = arith.constant 0 : i32
    %dma_start3A_376 = arith.constant 0 : i32
    %dma_start3A_377 = arith.constant 0 : i32
    %dma_start3A_378 = arith.constant 0 : i32
    %dma_start3A_379 = tpu.memref_slice %arg9[%dma_start3A_375, %dma_start3A_376, %dma_start3A_377, %dma_start3A_378] : memref<8x2x8x129xf32, #tpu.memory_space<vmem>> -> memref<8x2x8x128xf32, #tpu.memory_space<vmem>>
    tpu.enqueue_dma source(%dma_start3A_379 : memref<8x2x8x128xf32, #tpu.memory_space<vmem>>) target(%dma_start3A_374 : memref<8x2x8x128xf32, #tpu.memory_space<hbm>>) target_semaphore(%arg13 : memref<!tpu.dma_semaphore, #tpu.memory_space<semaphore_mem>>)
    %add3A_380 = arith.constant 25088 : i32
    %add3A_381 = arith.addi %mul3A_2, %add3A_380 : i32
    %jit3A_382 = arith.constant 128 : i32
    %div3A_383 = arith.divsi %add3A_381, %jit3A_382 : i32
    %sign3A_384 = arith.constant 0 : i32
    %sign3A_385 = arith.cmpi sgt, %add3A_381, %sign3A_384 : i32
    %sign3A_386 = arith.extui %sign3A_385 : i1 to i32
    %sign3A_387 = arith.constant 0 : i32
    %sign3A_388 = arith.cmpi slt, %add3A_381, %sign3A_387 : i32
    %sign3A_389 = arith.extui %sign3A_388 : i1 to i32
    %sign3A_390 = arith.subi %sign3A_386, %sign3A_389 : i32
    %sign3A_391 = arith.constant 0 : i32
    %sign3A_392 = arith.cmpi sgt, %jit3A_382, %sign3A_391 : i32
    %sign3A_393 = arith.extui %sign3A_392 : i1 to i32
    %sign3A_394 = arith.constant 0 : i32
    %sign3A_395 = arith.cmpi slt, %jit3A_382, %sign3A_394 : i32
    %sign3A_396 = arith.extui %sign3A_395 : i1 to i32
    %sign3A_397 = arith.subi %sign3A_393, %sign3A_396 : i32
    %ne3A_398 = arith.cmpi ne, %sign3A_390, %sign3A_397 : i32
    %rem3A_399 = arith.remsi %add3A_381, %jit3A_382 : i32
    %ne3A_400 = arith.constant 0 : i32
    %ne3A_401 = arith.cmpi ne, %rem3A_399, %ne3A_400 : i32
    %and3A_402 = arith.andi %ne3A_398, %ne3A_401 : i1
    %sub3A_403 = arith.constant 1 : i32
    %sub3A_404 = arith.subi %div3A_383, %sub3A_403 : i32
    %select_n3A_405 = arith.select %and3A_402, %sub3A_404, %div3A_383 : i32
    %multiple_of3A_406 = tpu.assume_multiple %select_n3A_405, 2 : i32
    %dma_wait3A_407 = arith.constant 0 : i32
    %dma_wait3A_408 = arith.constant 0 : i32
    %dma_wait3A_409 = arith.constant 0 : i32
    %dma_wait3A_410 = arith.constant 0 : i32
    %dma_wait3A_411 = tpu.memref_slice %arg8[%dma_wait3A_407, %dma_wait3A_408, %dma_wait3A_409, %dma_wait3A_410] : memref<8x2x8x129xf32, #tpu.memory_space<vmem>> -> memref<8x2x8x128xf32, #tpu.memory_space<vmem>>
    %dma_wait3A_412 = arith.constant 0 : i32
    %dma_wait3A_413 = arith.constant 0 : i32
    %dma_wait3A_414 = arith.constant 0 : i32
    %dma_wait3A_415 = tpu.memref_slice %arg4[%dma_wait3A_412, %multiple_of3A_406, %dma_wait3A_413, %dma_wait3A_414] : memref<8x6400x8x128xf32, #tpu.memory_space<hbm>> -> memref<8x2x8x128xf32, #tpu.memory_space<hbm>>
    %dma_wait3A_416 = arith.constant 0 : i32
    %dma_wait3A_417 = arith.constant 0 : i32
    %dma_wait3A_418 = arith.constant 0 : i32
    %dma_wait3A_419 = tpu.memref_slice %arg4[%dma_wait3A_416, %multiple_of3A_406, %dma_wait3A_417, %dma_wait3A_418] : memref<8x6400x8x128xf32, #tpu.memory_space<hbm>> -> memref<8x2x8x128xf32, #tpu.memory_space<hbm>>
    %dma_wait3A_420 = arith.constant 0 : i32
    %dma_wait3A_421 = arith.constant 0 : i32
    %dma_wait3A_422 = arith.constant 0 : i32
    %dma_wait3A_423 = arith.constant 0 : i32
    %dma_wait3A_424 = tpu.memref_slice %arg8[%dma_wait3A_420, %dma_wait3A_421, %dma_wait3A_422, %dma_wait3A_423] : memref<8x2x8x129xf32, #tpu.memory_space<vmem>> -> memref<8x2x8x128xf32, #tpu.memory_space<vmem>>
    tpu.wait_dma2 semaphore(%arg12 : memref<!tpu.dma_semaphore, #tpu.memory_space<semaphore_mem>>) src(%dma_wait3A_424 : memref<8x2x8x128xf32, #tpu.memory_space<vmem>>) dst(%dma_wait3A_419 : memref<8x2x8x128xf32, #tpu.memory_space<hbm>>)
    %add3A_425 = arith.constant 25344 : i32
    %add3A_426 = arith.addi %mul3A_2, %add3A_425 : i32
    %jit3A_427 = arith.constant 128 : i32
    %div3A_428 = arith.divsi %add3A_426, %jit3A_427 : i32
    %sign3A_429 = arith.constant 0 : i32
    %sign3A_430 = arith.cmpi sgt, %add3A_426, %sign3A_429 : i32
    %sign3A_431 = arith.extui %sign3A_430 : i1 to i32
    %sign3A_432 = arith.constant 0 : i32
    %sign3A_433 = arith.cmpi slt, %add3A_426, %sign3A_432 : i32
    %sign3A_434 = arith.extui %sign3A_433 : i1 to i32
    %sign3A_435 = arith.subi %sign3A_431, %sign3A_434 : i32
    %sign3A_436 = arith.constant 0 : i32
    %sign3A_437 = arith.cmpi sgt, %jit3A_427, %sign3A_436 : i32
    %sign3A_438 = arith.extui %sign3A_437 : i1 to i32
    %sign3A_439 = arith.constant 0 : i32
    %sign3A_440 = arith.cmpi slt, %jit3A_427, %sign3A_439 : i32
    %sign3A_441 = arith.extui %sign3A_440 : i1 to i32
    %sign3A_442 = arith.subi %sign3A_438, %sign3A_441 : i32
    %ne3A_443 = arith.cmpi ne, %sign3A_435, %sign3A_442 : i32
    %rem3A_444 = arith.remsi %add3A_426, %jit3A_427 : i32
    %ne3A_445 = arith.constant 0 : i32
    %ne3A_446 = arith.cmpi ne, %rem3A_444, %ne3A_445 : i32
    %and3A_447 = arith.andi %ne3A_443, %ne3A_446 : i1
    %sub3A_448 = arith.constant 1 : i32
    %sub3A_449 = arith.subi %div3A_428, %sub3A_448 : i32
    %select_n3A_450 = arith.select %and3A_447, %sub3A_449, %div3A_428 : i32
    %multiple_of3A_451 = tpu.assume_multiple %select_n3A_450, 2 : i32
    %dma_wait3A_452 = arith.constant 0 : i32
    %dma_wait3A_453 = arith.constant 0 : i32
    %dma_wait3A_454 = arith.constant 0 : i32
    %dma_wait3A_455 = arith.constant 0 : i32
    %dma_wait3A_456 = tpu.memref_slice %arg9[%dma_wait3A_452, %dma_wait3A_453, %dma_wait3A_454, %dma_wait3A_455] : memref<8x2x8x129xf32, #tpu.memory_space<vmem>> -> memref<8x2x8x128xf32, #tpu.memory_space<vmem>>
    %dma_wait3A_457 = arith.constant 0 : i32
    %dma_wait3A_458 = arith.constant 0 : i32
    %dma_wait3A_459 = arith.constant 0 : i32
    %dma_wait3A_460 = tpu.memref_slice %arg4[%dma_wait3A_457, %multiple_of3A_451, %dma_wait3A_458, %dma_wait3A_459] : memref<8x6400x8x128xf32, #tpu.memory_space<hbm>> -> memref<8x2x8x128xf32, #tpu.memory_space<hbm>>
    %dma_wait3A_461 = arith.constant 0 : i32
    %dma_wait3A_462 = arith.constant 0 : i32
    %dma_wait3A_463 = arith.constant 0 : i32
    %dma_wait3A_464 = tpu.memref_slice %arg4[%dma_wait3A_461, %multiple_of3A_451, %dma_wait3A_462, %dma_wait3A_463] : memref<8x6400x8x128xf32, #tpu.memory_space<hbm>> -> memref<8x2x8x128xf32, #tpu.memory_space<hbm>>
    %dma_wait3A_465 = arith.constant 0 : i32
    %dma_wait3A_466 = arith.constant 0 : i32
    %dma_wait3A_467 = arith.constant 0 : i32
    %dma_wait3A_468 = arith.constant 0 : i32
    %dma_wait3A_469 = tpu.memref_slice %arg9[%dma_wait3A_465, %dma_wait3A_466, %dma_wait3A_467, %dma_wait3A_468] : memref<8x2x8x129xf32, #tpu.memory_space<vmem>> -> memref<8x2x8x128xf32, #tpu.memory_space<vmem>>
    tpu.wait_dma2 semaphore(%arg13 : memref<!tpu.dma_semaphore, #tpu.memory_space<semaphore_mem>>) src(%dma_wait3A_469 : memref<8x2x8x128xf32, #tpu.memory_space<vmem>>) dst(%dma_wait3A_464 : memref<8x2x8x128xf32, #tpu.memory_space<hbm>>)
    return
  }
}

</mosaic_0001>

<sc_bundles>
// kernel: kernel.3.cloned.1.call-start
scs
__scs_entry_jumppad:
0x0: {  	(pc) =	sbr.rel $0x88, $3  }
0x1: {  	(tag) =	ssettag $0x0;
	lr =	simm.s32 $0x1  }
0x2: {  	[smem:$0x3F9F] =	sst lr;
	_ =	strace $0xD0000000  }
0x3: {  	_ = 	snop  }
0x4: {  	_ = 	snop  }
0x5: {  	_ = 	snop  }
0x6: {  	_ = 	snop  }
0x7: {  	_ = 	snop  }
__scs_overlays_trampoline_lowered:
0x8: {  	[smem:$0x3FAE] =	sst s0  }
0x9: {  	[smem:$0x3FAF] =	sst s1  }
0xa: {  	[smem:$0x3FB0] =	sst s2  }
0xb: {  	[smem:$0x3FB1] =	sst s3  }
0xc: {  	[smem:$0x3FB2] =	sst s4  }
0xd: {  	[smem:$0x3FB3] =	sst s5  }
0xe: {  	[smem:$0x3FB4] =	sst s6  }
0xf: {  	[smem:$0x3FB5] =	sst s7  }
0x10: {  	[smem:$0x3FB6] =	sst s8  }
0x11: {  	[smem:$0x3FB7] =	sst s9;
	s0 =	simm.s32 @!p0 $0x0  }
0x12: {  	s1 =	sld [smem:$0x3F9D];
	s0 =	simm.s32 @p0 $0x1  }
0x13: {  	[smem:$0x3FB8] =	sst s0;
	s0 =	simm.s32 @!p1 $0x0  }
0x14: {  	s2 =	sld [smem:$0x3F9C];
	s0 =	simm.s32 @p1 $0x1  }
0x15: {  	[smem:$0x3FB9] =	sst s0;
	s0 =	simm.s32 @!p2 $0x0  }
0x16: {  	s3 =	sld [smem:$0x3FDB];
	s0 =	simm.s32 @p2 $0x1  }
0x17: {  	s4 =	simm.s32 $0x1BF5;
	[smem:$0x3FBB] =	sst s0  }
0x18: {  	s0 =	sld [smem:$0x3F9E];
	_ =	swait.ge [sflag:s4], $0x0  }
0x19: {  	s7 =	sld [smem:$0x3F9F]  }
0x1a: {  	s8 =	sadd.s32 $0xFFFFE003, lr  }
0x1b: {  	s9 =	sadd.s32 $0xFFFFFEF7, lr;
	s5 =	simm.s32 $0xFFFFFFFF;
	p2 =	slt.u32 s8, $0xFFFFF086  }
0x1c: {  	p1 =	slt.u32 s9, $0xF7A;
	s5 =	simm.s32 @!p2 $0x0  }
0x1d: {  	s5 =	simm.s32 @p1 $0x1;
	p0 =	seq.s32 s7, s2  }
0x1e: {  	s7 =	smul.u32 @!p0 $0xF7A, s2;
	p2 =	seq.s32 @!p0 s5, $0x0  }
0x1f: {  	s9 =	smul.u32 $0xF7A, s1;
	s8 =	simm.s32 @!p0 $0x1BF5;
	p2 =	por !p2, p0  }
0x20: {  	[sflag:s8] =	ssyncset.s32 @!p0 $0xFFFFF086;
	s6 =	sadd.s32 @!p0 s3, s7;
	s7 =	simm.s32 @!p0 $0x108  }
0x21: {  	s3 =	sadd.s32 s3, s9;
	s6 =	sadd.s32 @!p0 $0x88, s6;
	s7 =	simm.s32 @p2 $0x1082  }
0x22: {  	[simem:s7], [sflag:s8] =	dma.local @!p0 [hbm:s6], $0xF7A  }
0x23: {  	s9 =	sor.u32 $0xD0000000, s2;
	s6 =	simm.s32 $0x108;
	_ =	swait.ge @!p0 [sflag:s8], $0x0  }
0x24: {  	s3 =	sadd.s32 $0x88, s3;
	s6 =	simm.s32 @!p1 $0x1082;
	[sflag:s4] =	ssyncset.s32 $0xFFFFF086  }
0x25: {  	[simem:s6], [sflag:s4] =	dma.local [hbm:s3], $0xF7A  }
0x26: {  	[smem:$0x3F9F] =	sst s1;
	(tag) =	ssettag s2;
	_ =	strace s9  }
0x27: {  	s1 =	sld [smem:$0x3FAF]  }
0x28: {  	s2 =	sld [smem:$0x3FB0]  }
0x29: {  	s4 =	sld [smem:$0x3FB2]  }
0x2a: {  	p0 =	seq.s32 s5, $0x0;
	s5 =	sld [smem:$0x3FB3]  }
0x2b: {  	s6 =	sld [smem:$0x3FB4]  }
0x2c: {  	s7 =	sld [smem:$0x3FB5]  }
0x2d: {  	s3 =	simm.s32 $0x108;
	s8 =	sld [smem:$0x3FB6]  }
0x2e: {  	s3 =	simm.s32 @!p0 $0x1082;
	s9 =	sld [smem:$0x3FB7]  }
0x2f: {  	lr =	sadd.s32 s0, s3;
	s0 =	sld [smem:$0x3FAE]  }
0x30: {  	s3 =	sld [smem:$0x3FB1]  }
0x31: {  	[smem:$0x3FBA] =	sst s10  }
0x32: {  	s10 =	sld [smem:$0x3FB8];
	_ =	sdelay $0x3  }
0x33: {  	p0 =	seq.s32 s10, $0x1;
	s10 =	sld [smem:$0x3FBA];
	_ =	sdelay $0x3  }
0x34: {  	[smem:$0x3FBA] =	sst s10  }
0x35: {  	s10 =	sld [smem:$0x3FB9];
	_ =	sdelay $0x3  }
0x36: {  	p1 =	seq.s32 s10, $0x1;
	s10 =	sld [smem:$0x3FBA];
	_ =	sdelay $0x3  }
0x37: {  	[smem:$0x3FBA] =	sst s10  }
0x38: {  	s10 =	sld [smem:$0x3FBB]  }
0x39: {  	_ = 	snop;
	(pc) =	sbr.ind lr, $3  }
0x3a: {  	_ = 	snop  }
0x3b: {  	_ = 	snop  }
0x3c: {  	p2 =	seq.s32 s10, $0x1;
	s10 =	sld [smem:$0x3FBA]  }
0x3d: {  	_ =	shalt  }
0x3e: {  	_ =	shalt  }
0x3f: {  	_ =	shalt  }
0x40: {  	_ =	shalt  }
0x41: {  	_ =	shalt  }
0x42: {  	_ =	shalt  }
0x43: {  	_ =	shalt  }
0x44: {  	_ =	shalt  }
0x45: {  	_ =	shalt  }
0x46: {  	_ =	shalt  }
0x47: {  	_ =	shalt  }
0x48: {  	_ =	shalt  }
0x49: {  	_ =	shalt  }
0x4a: {  	_ =	shalt  }
0x4b: {  	_ =	shalt  }
0x4c: {  	_ =	shalt  }
0x4d: {  	_ =	shalt  }
0x4e: {  	_ =	shalt  }
0x4f: {  	_ =	shalt  }
0x50: {  	_ =	shalt  }
0x51: {  	_ =	shalt  }
0x52: {  	_ =	shalt  }
0x53: {  	_ =	shalt  }
0x54: {  	_ =	shalt  }
0x55: {  	_ =	shalt  }
0x56: {  	_ =	shalt  }
0x57: {  	_ =	shalt  }
0x58: {  	_ =	shalt  }
0x59: {  	_ =	shalt  }
0x5a: {  	_ =	shalt  }
0x5b: {  	_ =	shalt  }
0x5c: {  	_ =	shalt  }
0x5d: {  	_ =	shalt  }
0x5e: {  	_ =	shalt  }
0x5f: {  	_ =	shalt  }
0x60: {  	_ =	shalt  }
0x61: {  	_ =	shalt  }
0x62: {  	_ =	shalt  }
0x63: {  	_ =	shalt  }
0x64: {  	_ =	shalt  }
0x65: {  	_ =	shalt  }
0x66: {  	_ =	shalt  }
0x67: {  	_ =	shalt  }
0x68: {  	_ =	shalt  }
0x69: {  	_ =	shalt  }
0x6a: {  	_ =	shalt  }
0x6b: {  	_ =	shalt  }
0x6c: {  	_ =	shalt  }
0x6d: {  	_ =	shalt  }
0x6e: {  	_ =	shalt  }
0x6f: {  	_ =	shalt  }
0x70: {  	_ =	shalt  }
0x71: {  	_ =	shalt  }
0x72: {  	_ =	shalt  }
0x73: {  	_ =	shalt  }
0x74: {  	_ =	shalt  }
0x75: {  	_ =	shalt  }
0x76: {  	_ =	shalt  }
0x77: {  	_ =	shalt  }
0x78: {  	_ =	shalt  }
0x79: {  	_ =	shalt  }
0x7a: {  	_ =	shalt  }
0x7b: {  	_ =	shalt  }
0x7c: {  	_ =	shalt  }
0x7d: {  	_ =	shalt  }
0x7e: {  	_ =	shalt  }
0x7f: {  	_ =	shalt  }
0x80: {  	_ =	shalt  }
0x81: {  	_ =	shalt  }
0x82: {  	_ =	shalt  }
0x83: {  	_ =	shalt  }
0x84: {  	_ =	shalt  }
0x85: {  	_ =	shalt  }
0x86: {  	_ =	shalt  }
0x87: {  	_ =	shalt  }
.Lfunc_end0:
.L_simem_size_0:
called_computation.1_lowered:
.L_overlay_start_0:
0x88: {  	s2 =	sld [smem:$0x3FD9]  }
0x89: {  	s3 =	sld [smem:$0x3FFE];
	_ =	sdelay $0x1  }
0x8a: {  	s1 =	srdreg.scid  }
0x8b: {  	s0 =	sand.u32 $0x1, s1  }
0x8c: {  	s17 =	sshll.u32 s0, $0xA;
	s2 =	sadd.s32 s3, s2  }
0x8d: {  	s2 =	sadd.s32 s2, s17  }
0x8e: {  	[smem:$0x3FC6] =	sst s2  }
0x8f: {  	_ = 	snop  }
0x90: {  	s2 =	sld [smem:$0x3FD0];
	(tm) =	ssettm $0x1  }
0x91: {  	s18 =	sld [smem:$0x3FFB];
	_ =	sdelay $0x3  }
0x92: {  	_ =	strace s18  }
0x93: {  	s3 =	sld [smem:$0x3FFC];
	_ =	sdelay $0x3  }
0x94: {  	_ =	strace s3  }
0x95: {  	s3 =	sld [smem:$0x3FFD];
	_ =	sdelay $0x3  }
0x96: {  	_ =	strace s3  }
0x97: {  	_ =	strace $0x8FFFFFFF  }
0x98: {  	s19 =	sld [smem:$0x3FDB];
	_ =	sdelay $0x1  }
0x99: {  	s4 =	simm.s32 $_scs_section_size  }
0x9a: {  	s5 =	simm.s32 $_size__tile_overlayer_lowered;
	s6 =	simm.s32 $_tile_overlayer_lowered  }
0x9b: {  	s22 =	simm.s32 $0x1BFF;
	s21 =	sshll.u32 s6, $0x1;
	s3 =	sadd.s32 s4, s19  }
0x9c: {  	s7 =	simm.s32 $0x0;
	s20 =	sshll.u32 s5, $0x1;
	s5 =	sadd.s32 s21, s3  }
0x9d: {  	[timem:s7], [sflag:s22] =	dma.local [hbm:s5], s20  }
0x9e: {  	_ =	swait.ge [sflag:s22], s20  }
0x9f: {  	s4 =	ssub.s32 $0x0, s20;
	[sflag:s22] =	ssyncset.done $0x0  }
0xa0: {  	[sflag:s22] =	ssyncadd.s32 s4;
	_ =	sdelay $0x1  }
0xa1: {  	s23 =	simm.s32 $0x1B8B  }
0xa2: {  	_ =	swait.ge [sflag:s23], $0x1  }
0xa3: {  	[sflag:s23] =	ssyncset.done $0x0  }
0xa4: {  	s25 =	simm.s32 $0x1B8E;
	s24 =	sld [smem:$0x3FFE];
	[sflag:s23] =	ssyncadd.s32 $0xFFFFFFFF  }
0xa5: {  	s26 =	simm.s32 $execute0_lowered;
	[smem:$0x3FD2] =	sst s25  }
0xa6: {  	s5 =	sshll.u32 s26, $0x1;
	_ =	strace $0x80000049;
	[dreg:$0x1] =	wrdreg $0xFFFFFFFF  }
0xa7: {  	s28 =	simm.s32 $_size_execute0_lowered;
	s3 =	sadd.s32 s3, s5;
	[dreg:$0x0] =	wrdreg $0x0  }
0xa8: {  	s5 =	sshll.u32 s28, $0x1;
	[dreg:$0x2] =	wrdreg s3  }
0xa9: {  	[dreg:$0x3] =	wrdreg s5  }
0xaa: {  	[dreg:$0x4] =	wrdreg $0xC0  }
0xab: {  	_ =	task [dreg:s7], $0x5FFFF  }
0xac: {  	[dreg:$0x1] =	wrdreg $0xFFFFFFFF  }
0xad: {  	[dreg:$0x0] =	wrdreg $0x60  }
0xae: {  	[dreg:$0x2] =	wrdreg s24  }
0xaf: {  	[dreg:$0x3] =	wrdreg s2  }
0xb0: {  	[dreg:$0x4] =	wrdreg $0x9  }
0xb1: {  	_ =	task.clear_ibuf [dreg:s7], $0x5FFFF;
	_ =	strace $0x90000049  }
0xb2: {  	s29 =	simm.s32 $0x9;
	_ =	strace $0x8000004B  }
0xb3: {  	_ =	swait.ge [sflag:s29], $0x1  }
0xb4: {  	[sflag:s29] =	ssyncadd.s32 $0xFFFFFFFF  }
0xb5: {  	_ =	strace $0x9000004B  }
0xb6: {  	_ =	sfence  }
0xb7: {  	s30 =	sld [smem:$0x0];
	_ =	sdelay $0x2  }
0xb8: {  	s31 =	sshll.u32 s1, $0xD;
	s1 =	sshrl.u32 s1, $0x2  }
0xb9: {  	s3 =	sand.u32 $0x4000, s31;
	s1 =	sadd.s32 s1, s30  }
0xba: {  	s0 =	sor.u32 s3, s0;
	s1 =	sshll.u32 s1, $0x11  }
0xbb: {  	s0 =	sor.u32 s1, s0  }
0xbc: {  	s0 =	sadd.s32 $0x8F2B, s0  }
0xbd: {  	[sflag:s0] =	ssyncadd.remote.s32 $0x1  }
0xbe: {  	_ =	sfence.sel $0xFFFF  }
0xbf: {  	[dreg:$0x0] =	wrdreg $0xFFFFFFFF;
	(pc) =	sbr.abs _section_cstart, $3  }
0xc0: {  	[dreg:$0x1] =	wrdreg $0xFFFFFFFF  }
0xc1: {  	_ =	task.clear_ibuf [dreg:s7], $0x2FFFF;
	_ =	strace $0x9FFFFFFF  }
0xc2: {  	(tm) =	ssettm $0x7FFFFFFF  }
0xc3: {  	_ =	shalt  }
tec
execute0_lowered:
.L_overlay_start_1:
0x0: {  	(tag) =	ssettag $0x1  }
0x1: {  	v0 =	vimm.s32 $0xC38  }
0x2: {  	vm14 =	vcmask $0x300;
	vm13 =	vcmask $0x704;
	vm12 =	vcmask $0xB08  }
0x3: {  	vm11 =	vcmask $0xF0C;
	vm10 =	vcmask $0x1310;
	vm9 =	vcmask $0x1714  }
0x4: {  	vm8 =	vcmask $0x1B18;
	vm7 =	vcmask $0x1F1C;
	vm6 =	vcmask $0x2320  }
0x5: {  	vm5 =	vcmask $0x2724;
	vm4 =	vcmask $0x2B28;
	vm3 =	vcmask $0x2F2C  }
0x6: {  	vm2 =	vcmask $0x3330;
	vm1 =	vcmask $0x3734;
	vm0 =	vcmask $0x3B38  }
0x7: {  	v1 =	vimm.s32 $0x1D38;
	v2 =	vimm.s32 $0x2E38;
	v3 =	vimm.s32 $0x3F38  }
0x8: {  	v0 =	vsel vm14, $0x0, v0;
	v1 =	vsel vm14, $0x1100, v1;
	v2 =	vsel vm14, $0x2200, v2  }
0x9: {  	v3 =	vsel vm14, $0x3300, v3;
	v0 =	vsel vm13, $0x88, v0;
	v1 =	vsel vm13, $0x1188, v1  }
0xa: {  	v2 =	vsel vm13, $0x2288, v2;
	v3 =	vsel vm13, $0x3388, v3;
	v0 =	vsel vm12, $0x110, v0  }
0xb: {  	v1 =	vsel vm12, $0x1210, v1;
	v2 =	vsel vm12, $0x2310, v2;
	v3 =	vsel vm12, $0x3410, v3  }
0xc: {  	v0 =	vsel vm11, $0x198, v0;
	v1 =	vsel vm11, $0x1298, v1;
	v2 =	vsel vm11, $0x2398, v2  }
0xd: {  	v3 =	vsel vm11, $0x3498, v3;
	v0 =	vsel vm10, $0x220, v0;
	v1 =	vsel vm10, $0x1320, v1  }
0xe: {  	v2 =	vsel vm10, $0x2420, v2;
	v3 =	vsel vm10, $0x3520, v3;
	v0 =	vsel vm9, $0x2A8, v0  }
0xf: {  	s0 =	rddreg [dreg:$0x0];
	s1 =	srdreg.scid;
	v1 =	vsel vm9, $0x13A8, v1;
	v2 =	vsel vm9, $0x24A8, v2;
	v3 =	vsel vm9, $0x35A8, v3  }
0x10: {  	s3 =	stileid.u32;
	s2 =	rddreg [dreg:$0x1];
	v0 =	vsel vm8, $0x330, v0;
	v1 =	vsel vm8, $0x1430, v1;
	v2 =	vsel vm8, $0x2530, v2  }
0x11: {  	s12 =	simm.s32 $0x5;
	s13 =	simm.s32 $0x100;
	s14 =	simm.s32 $0x6400;
	v3 =	vsel vm8, $0x3630, v3;
	v0 =	vsel vm7, $0x3B8, v0;
	v1 =	vsel vm7, $0x14B8, v1  }
0x12: {  	s15 =	simm.s32 $0xA400;
	s16 =	simm.s32 $0x1;
	s17 =	simm.s32 $0xE400;
	v2 =	vsel vm7, $0x25B8, v2;
	v3 =	vsel vm7, $0x36B8, v3;
	v0 =	vsel vm6, $0x880, v0  }
0x13: {  	s19 =	simm.s32 $0x2;
	s20 =	simm.s32 $0x12800;
	s22 =	simm.s32 $0x3;
	v1 =	vsel vm6, $0x1980, v1;
	v2 =	vsel vm6, $0x2A80, v2;
	v3 =	vsel vm6, $0x3B80, v3  }
0x14: {  	s23 =	simm.s32 $0x4;
	s1 =	sand.u32 $0x1, s1;
	s4 =	sshll.u32 s3, $0x1;
	v0 =	vsel vm5, $0x908, v0;
	v1 =	vsel vm5, $0x1A08, v1;
	v2 =	vsel vm5, $0x2B08, v2  }
0x15: {  	s24 =	simm.s32 $0x0;
	s3 =	simm.s32 $0x0;
	s4 =	sor.u32 s1, s4;
	v3 =	vsel vm5, $0x3C08, v3;
	v0 =	vsel vm4, $0x990, v0;
	v1 =	vsel vm4, $0x1A90, v1  }
0x16: {  	s5 =	sadd.s32 $0xF5BE00, s0;
	s1 =	ssub.s32 $0x2, s1;
	s6 =	smul.u32 $0x6400, s4;
	v2 =	vsel vm4, $0x2B90, v2;
	v3 =	vsel vm4, $0x3C90, v3;
	v0 =	vsel vm3, $0xA18, v0  }
0x17: {  	[smem:$0x7FF] =	sst s3;
	s4 =	smul.u32 $0x32000, s4;
	s31 =	sshrl.u32 s1, $0x1;
	v1 =	vsel vm3, $0x1B18, v1;
	v2 =	vsel vm3, $0x2C18, v2;
	v3 =	vsel vm3, $0x3D18, v3  }
0x18: {  	_ =	strace $0x8000004A;
	s1 =	ssub.s32 s1, s31;
	s7 =	sshrl.u32 s6, $0x3;
	v0 =	vsel vm2, $0xAA0, v0;
	v1 =	vsel vm2, $0x1BA0, v1;
	v2 =	vsel vm2, $0x2CA0, v2  }
0x19: {  	s8 =	sshrl.u32 s4, $0x3;
	s6 =	sadd.s32 s2, s6;
	s0 =	sadd.s32 s7, s0;
	v3 =	vsel vm2, $0x3DA0, v3;
	v0 =	vsel vm1, $0xB28, v0;
	v1 =	vsel vm1, $0x1C28, v1  }
0x1a: {  	s11 =	smax.u32 s1, $0x1;
	s10 =	sadd.s32 s2, s8;
	s7 =	sadd.s32 $0xF42E00, s0;
	v2 =	vsel vm1, $0x2D28, v2;
	v3 =	vsel vm1, $0x3E28, v3;
	v0 =	vsel vm0, $0xBB0, v0  }
0x1b: {  	s8 =	sadd.s32 $0x100, s6;
	s9 =	sadd.s32 $0x6200, s10;
	s10 =	sadd.s32 $0x6300, s10;
	v1 =	vsel vm0, $0x1CB0, v1;
	v2 =	vsel vm0, $0x2DB0, v2;
	v3 =	vsel vm0, $0x3EB0, v3  }
.LBB2_1:
0x1c: {  	[tilespmem:s3], [sflag:$0x5] =	stream.linear.gather [hbm4b:s7+s3], $0x6400, $0x38;
	[tilespmem:$0x16C00] =	vst v63  }
0x1d: {  	_ =	swait.ge [sflag:s12], $0x6400  }
0x1e: {  	[sflag:s12] =	ssyncset.done $0x0  }
0x1f: {  	s0 =	simm.s32 $0x0;
	[sflag:s12] =	ssyncadd.s32 $0xFFFF9C00  }
0x20: {  	s1 =	simm.s32 $0x40;
	v4 =	vld [tilespmem:s0+$0x0]  }
.LBB2_2:
0x21: {  	p0 =	sne.s32 s1, $0x18FC0  }
.Ltmp0:
0x22: {  	_ = 	snop;
	(pc) =	sbr.rel @p0 .LBB2_2-.Ltmp0, $3  }
0x23: {  	_ =	sdelay $0x1  }
0x24: {  	s25 =	sshra.s32 s1, $0x2;
	s1 =	sadd.s32 $0x40, s1;
	v5 =	vshll.u32 v4, $0x1  }
0x25: {  	v4 =	vld [tilespmem:s25+$0x0];
	[tilespmem:s0+$0x0] =	vst v5;
	s0 =	smov.u32 s25  }
0x26: {  	_ =	sdelay $0x3  }
0x27: {  	s1 =	simm.s32 $0x0;
	v4 =	vshll.u32 v4, $0x1  }
0x28: {  	s25 =	simm.s32 $0x0;
	[tilespmem:s0+$0x0] =	vst v4;
	v4 =	vmov s1  }
0x29: {  	[tilespmem:s14], [sflag:$0x1] =	stream.indirect.gather [hbm4b:s5+s13], $0x40, s25, s13, $0xb8;
	v4 =	vmul.u32 $0x440, v4;
	[tilespmem:$0x16C00] =	vst v63  }
0x2a: {  	_ = 	snop  }
0x2b: {  	v5 =	vmov s25;
	[tilespmem:s15], [sflag:$0x2] =	stream.indirect.gather [hbm4b:s5+s13], $0x40, s13, s13, $0xb8;
	v4 =	vbroadcast v4, $0x0;
	[tilespmem:$0x16C00] =	vst v63  }
0x2c: {  	s26 =	simm.s32 $0x0;
	v6 =	vand.u32 $0x78, v5;
	_ =	swait.ge [sflag:s16], $0x4000  }
0x2d: {  	v5 =	vand.u32 $0x7, v5;
	[sflag:s16] =	ssyncset.done $0x0;
	v4 =	vadd.s32 v4, v6;
	v6 =	vmov s26  }
0x2e: {  	s28 =	simm.s32 $0x6420;
	[sflag:s16] =	ssyncadd.s32 $0xFFFFC000;
	v8 =	vor.u32 v5, v4;
	v4 =	vmul.u32 $0x440, v6  }
0x2f: {  	s30 =	simm.s32 $0x1;
	v5 =	vld [tilespmem:s28+$0xFFFFFFE0];
	v6 =	vadd.s32 v0, v8  }
0x30: {  	v7 =	vmov s30;
	v4 =	vbroadcast v4, $0x0  }
0x31: {  	v9 =	vand.u32 $0x78, v7  }
0x32: {  	s31 =	simm.s32 $0x0;
	v7 =	vand.u32 $0x7, v7;
	v4 =	vadd.s32 v4, v9  }
0x33: {  	s25 =	simm.s32 $0x6460;
	v9 =	vmov s31;
	v4 =	vor.u32 v7, v4  }
0x34: {  	v7 =	vmul.u32 $0x440, v9;
	[tilespmem:v6+s17+$0x0] =	vst.idx.msk $0xffff, v5;
	v6 =	vld [tilespmem:s25+$0xFFFFFFE0];
	v9 =	vadd.s32 v0, v4  }
0x35: {  	s1 =	simm.s32 $0x2  }
0x36: {  	v11 =	vadd.s32 v1, v8;
	v5 =	vmov s1;
	v10 =	vld [tilespmem:s28+$0xFFFFFFF0];
	v7 =	vbroadcast v7, $0x0  }
0x37: {  	s18 =	simm.s32 $0x0;
	v12 =	vand.u32 $0x78, v5  }
0x38: {  	v5 =	vand.u32 $0x7, v5;
	v7 =	vadd.s32 v7, v12;
	v12 =	vmov s18  }
0x39: {  	s26 =	simm.s32 $0x64A0;
	v5 =	vor.u32 v5, v7;
	[tilespmem:v9+s17+$0x0] =	vst.idx.msk $0xffff, v6;
	v6 =	vmul.u32 $0x440, v12  }
0x3a: {  	s21 =	simm.s32 $0x3;
	v7 =	vld [tilespmem:s26+$0xFFFFFFE0];
	v9 =	vadd.s32 v0, v5  }
0x3b: {  	v12 =	vmov s21;
	[tilespmem:v11+s17+$0x0] =	vst.idx.msk $0xffff, v10;
	v10 =	vld [tilespmem:s25+$0xFFFFFFF0];
	v11 =	vadd.s32 v1, v4;
	v6 =	vbroadcast v6, $0x0  }
0x3c: {  	v16 =	vadd.s32 v2, v8;
	v13 =	vand.u32 $0x78, v12;
	v15 =	vld [tilespmem:s28+$0x0]  }
0x3d: {  	s30 =	simm.s32 $0x0;
	v12 =	vand.u32 $0x7, v12;
	v6 =	vadd.s32 v6, v13  }
0x3e: {  	s29 =	simm.s32 $0x64E0;
	v13 =	vmov s30;
	v6 =	vor.u32 v12, v6  }
0x3f: {  	[tilespmem:v9+s17+$0x0] =	vst.idx.msk $0xffff, v7;
	v7 =	vmul.u32 $0x440, v13;
	v12 =	vld [tilespmem:s29+$0xFFFFFFE0];
	v14 =	vadd.s32 v0, v6  }
0x40: {  	s31 =	simm.s32 $0x4;
	v13 =	vadd.s32 v1, v5;
	[tilespmem:v11+s17+$0x0] =	vst.idx.msk $0xffff, v10;
	v11 =	vld [tilespmem:s26+$0xFFFFFFF0]  }
0x41: {  	v10 =	vadd.s32 v2, v4;
	[tilespmem:v16+s17+$0x0] =	vst.idx.msk $0xffff, v15;
	v15 =	vmov s31;
	v16 =	vbroadcast v7, $0x0;
	v9 =	vld [tilespmem:s25+$0x0]  }
0x42: {  	v8 =	vadd.s32 v3, v8;
	s1 =	simm.s32 $0x5;
	v17 =	vand.u32 $0x78, v15;
	v7 =	vld [tilespmem:s28+$0x10];
	s28 =	simm.s32 $0x64E0  }
.LBB2_4:
0x43: {  	s0 =	sshrl.u32 s1, $0x7;
	v15 =	vand.u32 $0x7, v15;
	v16 =	vadd.s32 v16, v17;
	s30 =	smov.u32 s1;
	p0 =	sne.s32 s1, $0xFF  }
.Ltmp1:
0x44: {  	s29 =	sadd.s32 $0x40, s29;
	v17 =	vmov s0;
	v18 =	vor.u32 v15, v16;
	[tilespmem:v14+s17+$0x0] =	vst.idx.msk $0xffff, v12;
	(pc) =	sbr.rel @p0 .LBB2_4-.Ltmp1, $4  }
0x45: {  	v16 =	vmul.u32 $0x440, v17;
	v12 =	vld [tilespmem:s29+$0xFFFFFFE0];
	v14 =	vadd.s32 v0, v18;
	[tilespmem:v13+s17+$0x0] =	vst.idx.msk $0xffff, v11  }
0x46: {  	s1 =	sadd.s32 $0x1, s1;
	v13 =	vadd.s32 v1, v6;
	v11 =	vld [tilespmem:s28+$0xFFFFFFF0];
	[tilespmem:v10+s17+$0x0] =	vst.idx.msk $0xffff, v9  }
0x47: {  	v15 =	vmov s30;
	v10 =	vadd.s32 v2, v5;
	v16 =	vbroadcast v16, $0x0;
	v9 =	vld [tilespmem:s26+$0x0];
	[tilespmem:v8+s17+$0x0] =	vst.idx.msk $0xffff, v7  }
0x48: {  	v17 =	vand.u32 $0x78, v15;
	v8 =	vadd.s32 v3, v4;
	v4 =	vmovc v5;
	v5 =	vmovc v6;
	v6 =	vmov v18;
	v7 =	vld [tilespmem:s25+$0x10];
	s25 =	smov.u32 s26;
	s26 =	smov.u32 s28;
	s28 =	smov.u32 s29  }
0x49: {  	v15 =	vand.u32 $0x7, v15;
	v16 =	vadd.s32 v16, v17  }
0x4a: {  	s0 =	sadd.s32 $0x40, s29;
	v15 =	vor.u32 v15, v16  }
0x4b: {  	v52 =	vld [tilespmem:s0+$0xFFFFFFE0];
	v53 =	vadd.s32 v0, v15;
	_ =	sdelay $0x3  }
0x4c: {  	[tilespmem:v14+s17+$0x0] =	vst.idx.msk $0xffff, v12  }
0x4d: {  	v54 =	vadd.s32 v1, v6;
	v12 =	vld [tilespmem:s28+$0xFFFFFFF0];
	[tilespmem:v53+s17+$0x0] =	vst.idx.msk $0xffff, v52  }
0x4e: {  	v55 =	vadd.s32 v1, v15;
	v16 =	vld [tilespmem:s0+$0xFFFFFFF0];
	_ =	sdelay $0x2  }
0x4f: {  	[tilespmem:v13+s17+$0x0] =	vst.idx.msk $0xffff, v11  }
0x50: {  	v56 =	vadd.s32 v2, v5;
	v11 =	vld [tilespmem:s26+$0x0];
	[tilespmem:v54+s17+$0x0] =	vst.idx.msk $0xffff, v12  }
0x51: {  	v57 =	vadd.s32 v2, v6;
	v12 =	vld [tilespmem:s28+$0x0];
	[tilespmem:v55+s17+$0x0] =	vst.idx.msk $0xffff, v16  }
0x52: {  	v58 =	vadd.s32 v2, v15;
	v16 =	vld [tilespmem:s0+$0x0];
	_ =	sdelay $0x1  }
0x53: {  	[tilespmem:v10+s17+$0x0] =	vst.idx.msk $0xffff, v9  }
0x54: {  	v4 =	vadd.s32 v3, v4;
	v9 =	vld [tilespmem:s25+$0x10];
	[tilespmem:v56+s17+$0x0] =	vst.idx.msk $0xffff, v11  }
0x55: {  	v5 =	vadd.s32 v3, v5;
	v59 =	vld [tilespmem:s26+$0x10];
	[tilespmem:v57+s17+$0x0] =	vst.idx.msk $0xffff, v12  }
0x56: {  	v61 =	vadd.s32 v3, v6;
	v60 =	vld [tilespmem:s28+$0x10];
	[tilespmem:v58+s17+$0x0] =	vst.idx.msk $0xffff, v16  }
0x57: {  	v63 =	vadd.s32 v3, v15;
	v62 =	vld [tilespmem:s0+$0x10]  }
0x58: {  	[tilespmem:v8+s17+$0x0] =	vst.idx.msk $0xffff, v7  }
0x59: {  	[tilespmem:v4+s17+$0x0] =	vst.idx.msk $0xffff, v9  }
0x5a: {  	[tilespmem:v5+s17+$0x0] =	vst.idx.msk $0xffff, v59  }
0x5b: {  	[tilespmem:v61+s17+$0x0] =	vst.idx.msk $0xffff, v60  }
0x5c: {  	s26 =	simm.s32 $0xE400;
	[tilespmem:v63+s17+$0x0] =	vst.idx.msk $0xffff, v62  }
0x5d: {  	[hbm4b:s6+s3] =	stream.linear.scatter [tilespmem:s26], [sflag:$0x3], $0x80, $0x38;
	[tilespmem:$0x16C00] =	vst v63  }
0x5e: {  	s29 =	simm.s32 $0xE488;
	s1 =	sadd.s32 $0x10, s6  }
0x5f: {  	[hbm4b:s1+s3] =	stream.linear.scatter [tilespmem:s29], [sflag:$0x3], $0x80, $0x38;
	[tilespmem:$0x16C00] =	vst v63  }
0x60: {  	s30 =	simm.s32 $0xE510;
	s31 =	sadd.s32 $0x20, s6  }
0x61: {  	[hbm4b:s31+s3] =	stream.linear.scatter [tilespmem:s30], [sflag:$0x3], $0x80, $0x38;
	[tilespmem:$0x16C00] =	vst v63  }
0x62: {  	s18 =	sadd.s32 $0x30, s6;
	s1 =	simm.s32 $0xE598  }
0x63: {  	[hbm4b:s18+s3] =	stream.linear.scatter [tilespmem:s1], [sflag:$0x3], $0x80, $0x38;
	[tilespmem:$0x16C00] =	vst v63  }
0x64: {  	s21 =	simm.s32 $0xE620;
	s25 =	sadd.s32 $0x40, s6  }
0x65: {  	[hbm4b:s25+s3] =	stream.linear.scatter [tilespmem:s21], [sflag:$0x3], $0x80, $0x38;
	[tilespmem:$0x16C00] =	vst v63  }
0x66: {  	s26 =	simm.s32 $0xE6A8;
	s29 =	sadd.s32 $0x50, s6  }
0x67: {  	[hbm4b:s29+s3] =	stream.linear.scatter [tilespmem:s26], [sflag:$0x3], $0x80, $0x38;
	[tilespmem:$0x16C00] =	vst v63  }
0x68: {  	s30 =	simm.s32 $0xE730;
	s31 =	sadd.s32 $0x60, s6  }
0x69: {  	[hbm4b:s31+s3] =	stream.linear.scatter [tilespmem:s30], [sflag:$0x3], $0x80, $0x38;
	[tilespmem:$0x16C00] =	vst v63  }
0x6a: {  	s1 =	simm.s32 $0xE7B8;
	s18 =	sadd.s32 $0x70, s6  }
0x6b: {  	[hbm4b:s18+s3] =	stream.linear.scatter [tilespmem:s1], [sflag:$0x3], $0x80, $0x38;
	[tilespmem:$0x16C00] =	vst v63  }
0x6c: {  	s21 =	simm.s32 $0xE840;
	s25 =	sadd.s32 $0x80, s6  }
0x6d: {  	[hbm4b:s25+s3] =	stream.linear.scatter [tilespmem:s21], [sflag:$0x3], $0x80, $0x38;
	[tilespmem:$0x16C00] =	vst v63  }
0x6e: {  	s26 =	simm.s32 $0xE8C8;
	s29 =	sadd.s32 $0x90, s6  }
0x6f: {  	[hbm4b:s29+s3] =	stream.linear.scatter [tilespmem:s26], [sflag:$0x3], $0x80, $0x38;
	[tilespmem:$0x16C00] =	vst v63  }
0x70: {  	s28 =	sadd.s32 $0xF0, s6;
	s30 =	simm.s32 $0xE950;
	s31 =	sadd.s32 $0xA0, s6  }
0x71: {  	[hbm4b:s31+s3] =	stream.linear.scatter [tilespmem:s30], [sflag:$0x3], $0x80, $0x38;
	[tilespmem:$0x16C00] =	vst v63  }
0x72: {  	s0 =	simm.s32 $0x4400;
	s1 =	simm.s32 $0xE9D8;
	s18 =	sadd.s32 $0xB0, s6  }
0x73: {  	[hbm4b:s18+s3] =	stream.linear.scatter [tilespmem:s1], [sflag:$0x3], $0x80, $0x38;
	[tilespmem:$0x16C00] =	vst v63  }
0x74: {  	s21 =	simm.s32 $0xEA60;
	s25 =	sadd.s32 $0xC0, s6;
	s26 =	simm.s32 $0xEAE8  }
0x75: {  	[hbm4b:s25+s3] =	stream.linear.scatter [tilespmem:s21], [sflag:$0x3], $0x80, $0x38;
	[tilespmem:$0x16C00] =	vst v63  }
0x76: {  	s29 =	sadd.s32 $0xD0, s6;
	s30 =	simm.s32 $0xEB70;
	s31 =	sadd.s32 $0xE0, s6  }
0x77: {  	[hbm4b:s29+s3] =	stream.linear.scatter [tilespmem:s26], [sflag:$0x3], $0x80, $0x38;
	[tilespmem:$0x16C00] =	vst v63  }
0x78: {  	s1 =	simm.s32 $0xEBF8;
	s25 =	simm.s32 $0x880;
	s26 =	sadd.s32 $0xC8000, s6  }
0x79: {  	[hbm4b:s31+s3] =	stream.linear.scatter [tilespmem:s30], [sflag:$0x3], $0x80, $0x38;
	[tilespmem:$0x16C00] =	vst v63  }
.LBB2_6:
0x7a: {  	[hbm4b:s28+s3] =	stream.linear.scatter [tilespmem:s1], [sflag:$0x3], $0x80, $0x38;
	[tilespmem:$0x16C00] =	vst v63  }
0x7b: {  	s28 =	smov.u32 s25;
	s1 =	smov.u32 s0  }
0x7c: {  	s29 =	sadd.s32 $0x2200, s0;
	s25 =	sshra.s32 s1, $0x2;
	s1 =	sadd.s32 $0xE400, s28  }
0x7d: {  	[hbm4b:s26+s3] =	stream.linear.scatter [tilespmem:s1], [sflag:$0x3], $0x80, $0x38;
	[tilespmem:$0x16C00] =	vst v63  }
0x7e: {  	p0 =	sne.s32 s0, $0xEE00;
	s0 =	sadd.s32 $0xE488, s28;
	s1 =	sadd.s32 $0x10, s26  }
0x7f: {  	[hbm4b:s1+s3] =	stream.linear.scatter [tilespmem:s0], [sflag:$0x3], $0x80, $0x38;
	[tilespmem:$0x16C00] =	vst v63  }
0x80: {  	s0 =	sadd.s32 $0xE510, s28;
	s1 =	sadd.s32 $0x20, s26  }
0x81: {  	[hbm4b:s1+s3] =	stream.linear.scatter [tilespmem:s0], [sflag:$0x3], $0x80, $0x38;
	[tilespmem:$0x16C00] =	vst v63  }
0x82: {  	s0 =	sadd.s32 $0xE598, s28;
	s1 =	sadd.s32 $0x30, s26  }
0x83: {  	[hbm4b:s1+s3] =	stream.linear.scatter [tilespmem:s0], [sflag:$0x3], $0x80, $0x38;
	[tilespmem:$0x16C00] =	vst v63  }
0x84: {  	s0 =	sadd.s32 $0xE620, s28;
	s1 =	sadd.s32 $0x40, s26  }
0x85: {  	[hbm4b:s1+s3] =	stream.linear.scatter [tilespmem:s0], [sflag:$0x3], $0x80, $0x38;
	[tilespmem:$0x16C00] =	vst v63  }
0x86: {  	s0 =	sadd.s32 $0xE6A8, s28;
	s1 =	sadd.s32 $0x50, s26  }
0x87: {  	[hbm4b:s1+s3] =	stream.linear.scatter [tilespmem:s0], [sflag:$0x3], $0x80, $0x38;
	[tilespmem:$0x16C00] =	vst v63  }
0x88: {  	s0 =	sadd.s32 $0xE730, s28;
	s1 =	sadd.s32 $0x60, s26  }
0x89: {  	[hbm4b:s1+s3] =	stream.linear.scatter [tilespmem:s0], [sflag:$0x3], $0x80, $0x38;
	[tilespmem:$0x16C00] =	vst v63  }
0x8a: {  	s0 =	sadd.s32 $0xE7B8, s28;
	s1 =	sadd.s32 $0x70, s26  }
0x8b: {  	[hbm4b:s1+s3] =	stream.linear.scatter [tilespmem:s0], [sflag:$0x3], $0x80, $0x38;
	[tilespmem:$0x16C00] =	vst v63  }
0x8c: {  	s0 =	sadd.s32 $0xE840, s28;
	s1 =	sadd.s32 $0x80, s26  }
0x8d: {  	[hbm4b:s1+s3] =	stream.linear.scatter [tilespmem:s0], [sflag:$0x3], $0x80, $0x38;
	[tilespmem:$0x16C00] =	vst v63  }
0x8e: {  	s0 =	sadd.s32 $0xE8C8, s28;
	s1 =	sadd.s32 $0x90, s26  }
0x8f: {  	[hbm4b:s1+s3] =	stream.linear.scatter [tilespmem:s0], [sflag:$0x3], $0x80, $0x38;
	[tilespmem:$0x16C00] =	vst v63  }
0x90: {  	s0 =	sadd.s32 $0xE950, s28;
	s1 =	sadd.s32 $0xA0, s26  }
0x91: {  	[hbm4b:s1+s3] =	stream.linear.scatter [tilespmem:s0], [sflag:$0x3], $0x80, $0x38;
	[tilespmem:$0x16C00] =	vst v63  }
0x92: {  	s0 =	sadd.s32 $0xE9D8, s28;
	s1 =	sadd.s32 $0xB0, s26  }
0x93: {  	[hbm4b:s1+s3] =	stream.linear.scatter [tilespmem:s0], [sflag:$0x3], $0x80, $0x38;
	[tilespmem:$0x16C00] =	vst v63  }
0x94: {  	s0 =	sadd.s32 $0xEA60, s28;
	s1 =	sadd.s32 $0xC0, s26  }
0x95: {  	[hbm4b:s1+s3] =	stream.linear.scatter [tilespmem:s0], [sflag:$0x3], $0x80, $0x38;
	[tilespmem:$0x16C00] =	vst v63  }
0x96: {  	s0 =	sadd.s32 $0xEAE8, s28;
	s1 =	sadd.s32 $0xD0, s26  }
0x97: {  	[hbm4b:s1+s3] =	stream.linear.scatter [tilespmem:s0], [sflag:$0x3], $0x80, $0x38;
	[tilespmem:$0x16C00] =	vst v63  }
.Ltmp2:
0x98: {  	_ = 	snop;
	(pc) =	sbr.rel @p0 .LBB2_6-.Ltmp2, $4  }
0x99: {  	s0 =	sadd.s32 $0xEB70, s28;
	s1 =	sadd.s32 $0xE0, s26  }
0x9a: {  	[hbm4b:s1+s3] =	stream.linear.scatter [tilespmem:s0], [sflag:$0x3], $0x80, $0x38;
	[tilespmem:$0x16C00] =	vst v63  }
0x9b: {  	s1 =	sadd.s32 $0xEBF8, s28  }
0x9c: {  	s28 =	sadd.s32 $0xF0, s26;
	s26 =	sadd.s32 $0xC8000, s26;
	s0 =	smov.u32 s29  }
0x9d: {  	[hbm4b:s28+s3] =	stream.linear.scatter [tilespmem:s1], [sflag:$0x3], $0x80, $0x38;
	[tilespmem:$0x16C00] =	vst v63  }
0x9e: {  	s0 =	sadd.s32 $0xE400, s25  }
0x9f: {  	[hbm4b:s26+s3] =	stream.linear.scatter [tilespmem:s0], [sflag:$0x3], $0x80, $0x38;
	[tilespmem:$0x16C00] =	vst v63  }
0xa0: {  	s30 =	sadd.s32 $0xE488, s25;
	s31 =	sadd.s32 $0x10, s26  }
0xa1: {  	[hbm4b:s31+s3] =	stream.linear.scatter [tilespmem:s30], [sflag:$0x3], $0x80, $0x38;
	[tilespmem:$0x16C00] =	vst v63  }
0xa2: {  	s18 =	sadd.s32 $0xE510, s25;
	s21 =	sadd.s32 $0x20, s26  }
0xa3: {  	[hbm4b:s21+s3] =	stream.linear.scatter [tilespmem:s18], [sflag:$0x3], $0x80, $0x38;
	[tilespmem:$0x16C00] =	vst v63  }
0xa4: {  	s30 =	sadd.s32 $0xE598, s25;
	s31 =	sadd.s32 $0x30, s26  }
0xa5: {  	[hbm4b:s31+s3] =	stream.linear.scatter [tilespmem:s30], [sflag:$0x3], $0x80, $0x38;
	[tilespmem:$0x16C00] =	vst v63  }
0xa6: {  	s18 =	sadd.s32 $0xE620, s25;
	s21 =	sadd.s32 $0x40, s26  }
0xa7: {  	[hbm4b:s21+s3] =	stream.linear.scatter [tilespmem:s18], [sflag:$0x3], $0x80, $0x38;
	[tilespmem:$0x16C00] =	vst v63  }
0xa8: {  	s30 =	sadd.s32 $0xE6A8, s25;
	s31 =	sadd.s32 $0x50, s26  }
0xa9: {  	[hbm4b:s31+s3] =	stream.linear.scatter [tilespmem:s30], [sflag:$0x3], $0x80, $0x38;
	[tilespmem:$0x16C00] =	vst v63  }
0xaa: {  	s18 =	sadd.s32 $0xE730, s25;
	s21 =	sadd.s32 $0x60, s26  }
0xab: {  	[hbm4b:s21+s3] =	stream.linear.scatter [tilespmem:s18], [sflag:$0x3], $0x80, $0x38;
	[tilespmem:$0x16C00] =	vst v63  }
0xac: {  	s30 =	sadd.s32 $0xE7B8, s25;
	s31 =	sadd.s32 $0x70, s26  }
0xad: {  	[hbm4b:s31+s3] =	stream.linear.scatter [tilespmem:s30], [sflag:$0x3], $0x80, $0x38;
	[tilespmem:$0x16C00] =	vst v63  }
0xae: {  	s18 =	sadd.s32 $0xE840, s25;
	s21 =	sadd.s32 $0x80, s26  }
0xaf: {  	[hbm4b:s21+s3] =	stream.linear.scatter [tilespmem:s18], [sflag:$0x3], $0x80, $0x38;
	[tilespmem:$0x16C00] =	vst v63  }
0xb0: {  	s30 =	sadd.s32 $0xE8C8, s25;
	s31 =	sadd.s32 $0x90, s26  }
0xb1: {  	[hbm4b:s31+s3] =	stream.linear.scatter [tilespmem:s30], [sflag:$0x3], $0x80, $0x38;
	[tilespmem:$0x16C00] =	vst v63  }
0xb2: {  	s18 =	sadd.s32 $0xE950, s25;
	s21 =	sadd.s32 $0xA0, s26  }
0xb3: {  	[hbm4b:s21+s3] =	stream.linear.scatter [tilespmem:s18], [sflag:$0x3], $0x80, $0x38;
	[tilespmem:$0x16C00] =	vst v63  }
0xb4: {  	s30 =	sadd.s32 $0xE9D8, s25;
	s31 =	sadd.s32 $0xB0, s26  }
0xb5: {  	[hbm4b:s31+s3] =	stream.linear.scatter [tilespmem:s30], [sflag:$0x3], $0x80, $0x38;
	[tilespmem:$0x16C00] =	vst v63  }
0xb6: {  	s18 =	sadd.s32 $0xEA60, s25;
	s21 =	sadd.s32 $0xC0, s26  }
0xb7: {  	[hbm4b:s21+s3] =	stream.linear.scatter [tilespmem:s18], [sflag:$0x3], $0x80, $0x38;
	[tilespmem:$0x16C00] =	vst v63  }
0xb8: {  	s30 =	sadd.s32 $0xEAE8, s25;
	s31 =	sadd.s32 $0xD0, s26  }
0xb9: {  	[hbm4b:s31+s3] =	stream.linear.scatter [tilespmem:s30], [sflag:$0x3], $0x80, $0x38;
	[tilespmem:$0x16C00] =	vst v63  }
0xba: {  	s18 =	sadd.s32 $0xEB70, s25;
	s21 =	sadd.s32 $0xE0, s26;
	s30 =	simm.s32 $0x0  }
0xbb: {  	[hbm4b:s21+s3] =	stream.linear.scatter [tilespmem:s18], [sflag:$0x3], $0x80, $0x38;
	[tilespmem:$0x16C00] =	vst v63  }
0xbc: {  	s31 =	sadd.s32 $0xEBF8, s25;
	v4 =	vmov s30;
	s18 =	sadd.s32 $0xF0, s26  }
0xbd: {  	v4 =	vmul.u32 $0x440, v4;
	[hbm4b:s18+s3] =	stream.linear.scatter [tilespmem:s31], [sflag:$0x3], $0x80, $0x38;
	[tilespmem:$0x16C00] =	vst v63  }
0xbe: {  	s25 =	simm.s32 $0x200;
	s21 =	simm.s32 $0x0  }
0xbf: {  	v5 =	vmov s21;
	v4 =	vbroadcast v4, $0x0;
	[tilespmem:s14], [sflag:$0x1] =	stream.indirect.gather [hbm4b:s5+s13], $0x40, s25, s13, $0xb8;
	[tilespmem:$0x16C00] =	vst v63  }
0xc0: {  	s26 =	simm.s32 $0x0;
	v6 =	vand.u32 $0x78, v5;
	_ =	swait.ge [sflag:s19], $0x4000  }
0xc1: {  	v5 =	vand.u32 $0x7, v5;
	v4 =	vadd.s32 v4, v6;
	v6 =	vmov s26;
	[sflag:s19] =	ssyncset.done $0x0  }
0xc2: {  	s28 =	simm.s32 $0xA420;
	v8 =	vor.u32 v5, v4;
	v4 =	vmul.u32 $0x440, v6;
	[sflag:s19] =	ssyncadd.s32 $0xFFFFC000  }
0xc3: {  	s30 =	simm.s32 $0x1;
	v6 =	vadd.s32 v0, v8;
	v5 =	vld [tilespmem:s28+$0xFFFFFFE0]  }
0xc4: {  	v7 =	vmov s30;
	v4 =	vbroadcast v4, $0x0  }
0xc5: {  	v9 =	vand.u32 $0x78, v7  }
0xc6: {  	v7 =	vand.u32 $0x7, v7;
	s31 =	simm.s32 $0x0;
	v4 =	vadd.s32 v4, v9  }
0xc7: {  	s25 =	simm.s32 $0xA460;
	v9 =	vmov s31;
	v4 =	vor.u32 v7, v4  }
0xc8: {  	v7 =	vmul.u32 $0x440, v9;
	v9 =	vadd.s32 v0, v4;
	[tilespmem:v6+s20+$0x0] =	vst.idx.msk $0xffff, v5;
	v6 =	vld [tilespmem:s25+$0xFFFFFFE0]  }
0xc9: {  	s1 =	simm.s32 $0x2  }
0xca: {  	v11 =	vadd.s32 v1, v8;
	v7 =	vbroadcast v7, $0x0;
	v5 =	vmov s1;
	v10 =	vld [tilespmem:s28+$0xFFFFFFF0]  }
0xcb: {  	s18 =	simm.s32 $0x0;
	v12 =	vand.u32 $0x78, v5  }
0xcc: {  	v5 =	vand.u32 $0x7, v5;
	v7 =	vadd.s32 v7, v12;
	v12 =	vmov s18  }
0xcd: {  	s26 =	simm.s32 $0xA4A0;
	v5 =	vor.u32 v5, v7;
	[tilespmem:v9+s20+$0x0] =	vst.idx.msk $0xffff, v6;
	v6 =	vmul.u32 $0x440, v12  }
0xce: {  	s21 =	simm.s32 $0x3;
	v7 =	vld [tilespmem:s26+$0xFFFFFFE0];
	v9 =	vadd.s32 v0, v5  }
0xcf: {  	v12 =	vmov s21;
	[tilespmem:v11+s20+$0x0] =	vst.idx.msk $0xffff, v10;
	v10 =	vld [tilespmem:s25+$0xFFFFFFF0];
	v11 =	vadd.s32 v1, v4;
	v6 =	vbroadcast v6, $0x0  }
0xd0: {  	v16 =	vadd.s32 v2, v8;
	v13 =	vand.u32 $0x78, v12;
	v15 =	vld [tilespmem:s28+$0x0]  }
0xd1: {  	s30 =	simm.s32 $0x0;
	v12 =	vand.u32 $0x7, v12;
	v6 =	vadd.s32 v6, v13  }
0xd2: {  	s29 =	simm.s32 $0xA4E0;
	v13 =	vmov s30;
	v6 =	vor.u32 v12, v6  }
0xd3: {  	[tilespmem:v9+s20+$0x0] =	vst.idx.msk $0xffff, v7;
	v7 =	vmul.u32 $0x440, v13;
	v12 =	vld [tilespmem:s29+$0xFFFFFFE0];
	v14 =	vadd.s32 v0, v6  }
0xd4: {  	s31 =	simm.s32 $0x4;
	v13 =	vadd.s32 v1, v5;
	[tilespmem:v11+s20+$0x0] =	vst.idx.msk $0xffff, v10;
	v11 =	vld [tilespmem:s26+$0xFFFFFFF0]  }
0xd5: {  	v10 =	vadd.s32 v2, v4;
	[tilespmem:v16+s20+$0x0] =	vst.idx.msk $0xffff, v15;
	v15 =	vmov s31;
	v16 =	vbroadcast v7, $0x0;
	v9 =	vld [tilespmem:s25+$0x0]  }
0xd6: {  	v8 =	vadd.s32 v3, v8;
	s1 =	simm.s32 $0x5;
	v17 =	vand.u32 $0x78, v15;
	v7 =	vld [tilespmem:s28+$0x10];
	s28 =	simm.s32 $0xA4E0  }
.LBB2_8:
0xd7: {  	s0 =	sshrl.u32 s1, $0x7;
	v15 =	vand.u32 $0x7, v15;
	v16 =	vadd.s32 v16, v17;
	s30 =	smov.u32 s1;
	p0 =	sne.s32 s1, $0xFF  }
.Ltmp3:
0xd8: {  	s29 =	sadd.s32 $0x40, s29;
	v17 =	vmov s0;
	v18 =	vor.u32 v15, v16;
	[tilespmem:v14+s20+$0x0] =	vst.idx.msk $0xffff, v12;
	(pc) =	sbr.rel @p0 .LBB2_8-.Ltmp3, $4  }
0xd9: {  	v16 =	vmul.u32 $0x440, v17;
	v12 =	vld [tilespmem:s29+$0xFFFFFFE0];
	v14 =	vadd.s32 v0, v18;
	[tilespmem:v13+s20+$0x0] =	vst.idx.msk $0xffff, v11  }
0xda: {  	s1 =	sadd.s32 $0x1, s1;
	v13 =	vadd.s32 v1, v6;
	v11 =	vld [tilespmem:s28+$0xFFFFFFF0];
	[tilespmem:v10+s20+$0x0] =	vst.idx.msk $0xffff, v9  }
0xdb: {  	v15 =	vmov s30;
	v10 =	vadd.s32 v2, v5;
	v16 =	vbroadcast v16, $0x0;
	v9 =	vld [tilespmem:s26+$0x0];
	[tilespmem:v8+s20+$0x0] =	vst.idx.msk $0xffff, v7  }
0xdc: {  	v17 =	vand.u32 $0x78, v15;
	v8 =	vadd.s32 v3, v4;
	v4 =	vmovc v5;
	v5 =	vmovc v6;
	v6 =	vmov v18;
	v7 =	vld [tilespmem:s25+$0x10];
	s25 =	smov.u32 s26;
	s26 =	smov.u32 s28;
	s28 =	smov.u32 s29  }
0xdd: {  	v15 =	vand.u32 $0x7, v15;
	v16 =	vadd.s32 v16, v17  }
0xde: {  	s0 =	sadd.s32 $0x40, s29;
	v15 =	vor.u32 v15, v16  }
0xdf: {  	v52 =	vld [tilespmem:s0+$0xFFFFFFE0];
	v53 =	vadd.s32 v0, v15;
	_ =	sdelay $0x3  }
0xe0: {  	[tilespmem:v14+s20+$0x0] =	vst.idx.msk $0xffff, v12  }
0xe1: {  	v54 =	vadd.s32 v1, v6;
	v12 =	vld [tilespmem:s28+$0xFFFFFFF0];
	[tilespmem:v53+s20+$0x0] =	vst.idx.msk $0xffff, v52  }
0xe2: {  	v55 =	vadd.s32 v1, v15;
	v16 =	vld [tilespmem:s0+$0xFFFFFFF0];
	_ =	sdelay $0x2  }
0xe3: {  	[tilespmem:v13+s20+$0x0] =	vst.idx.msk $0xffff, v11  }
0xe4: {  	v56 =	vadd.s32 v2, v5;
	v11 =	vld [tilespmem:s26+$0x0];
	[tilespmem:v54+s20+$0x0] =	vst.idx.msk $0xffff, v12  }
0xe5: {  	v57 =	vadd.s32 v2, v6;
	v12 =	vld [tilespmem:s28+$0x0];
	[tilespmem:v55+s20+$0x0] =	vst.idx.msk $0xffff, v16  }
0xe6: {  	v58 =	vadd.s32 v2, v15;
	v16 =	vld [tilespmem:s0+$0x0];
	_ =	sdelay $0x1  }
0xe7: {  	[tilespmem:v10+s20+$0x0] =	vst.idx.msk $0xffff, v9  }
0xe8: {  	v4 =	vadd.s32 v3, v4;
	v9 =	vld [tilespmem:s25+$0x10];
	[tilespmem:v56+s20+$0x0] =	vst.idx.msk $0xffff, v11  }
0xe9: {  	v5 =	vadd.s32 v3, v5;
	v59 =	vld [tilespmem:s26+$0x10];
	[tilespmem:v57+s20+$0x0] =	vst.idx.msk $0xffff, v12  }
0xea: {  	v61 =	vadd.s32 v3, v6;
	v60 =	vld [tilespmem:s28+$0x10];
	[tilespmem:v58+s20+$0x0] =	vst.idx.msk $0xffff, v16  }
0xeb: {  	v63 =	vadd.s32 v3, v15;
	v62 =	vld [tilespmem:s0+$0x10]  }
0xec: {  	[tilespmem:v8+s20+$0x0] =	vst.idx.msk $0xffff, v7  }
0xed: {  	[tilespmem:v4+s20+$0x0] =	vst.idx.msk $0xffff, v9  }
0xee: {  	[tilespmem:v5+s20+$0x0] =	vst.idx.msk $0xffff, v59  }
0xef: {  	[tilespmem:v61+s20+$0x0] =	vst.idx.msk $0xffff, v60  }
0xf0: {  	s26 =	simm.s32 $0x12800;
	[tilespmem:v63+s20+$0x0] =	vst.idx.msk $0xffff, v62  }
0xf1: {  	[hbm4b:s8+s3] =	stream.linear.scatter [tilespmem:s26], [sflag:$0x4], $0x80, $0x38;
	[tilespmem:$0x16C00] =	vst v63  }
0xf2: {  	s29 =	simm.s32 $0x12888;
	s1 =	sadd.s32 $0x10, s8  }
0xf3: {  	[hbm4b:s1+s3] =	stream.linear.scatter [tilespmem:s29], [sflag:$0x4], $0x80, $0x38;
	[tilespmem:$0x16C00] =	vst v63  }
0xf4: {  	s30 =	simm.s32 $0x12910;
	s31 =	sadd.s32 $0x20, s8  }
0xf5: {  	[hbm4b:s31+s3] =	stream.linear.scatter [tilespmem:s30], [sflag:$0x4], $0x80, $0x38;
	[tilespmem:$0x16C00] =	vst v63  }
0xf6: {  	s18 =	sadd.s32 $0x30, s8;
	s1 =	simm.s32 $0x12998  }
0xf7: {  	[hbm4b:s18+s3] =	stream.linear.scatter [tilespmem:s1], [sflag:$0x4], $0x80, $0x38;
	[tilespmem:$0x16C00] =	vst v63  }
0xf8: {  	s21 =	simm.s32 $0x12A20;
	s25 =	sadd.s32 $0x40, s8  }
0xf9: {  	[hbm4b:s25+s3] =	stream.linear.scatter [tilespmem:s21], [sflag:$0x4], $0x80, $0x38;
	[tilespmem:$0x16C00] =	vst v63  }
0xfa: {  	s26 =	simm.s32 $0x12AA8;
	s29 =	sadd.s32 $0x50, s8  }
0xfb: {  	[hbm4b:s29+s3] =	stream.linear.scatter [tilespmem:s26], [sflag:$0x4], $0x80, $0x38;
	[tilespmem:$0x16C00] =	vst v63  }
0xfc: {  	s30 =	simm.s32 $0x12B30;
	s31 =	sadd.s32 $0x60, s8  }
0xfd: {  	[hbm4b:s31+s3] =	stream.linear.scatter [tilespmem:s30], [sflag:$0x4], $0x80, $0x38;
	[tilespmem:$0x16C00] =	vst v63  }
0xfe: {  	s1 =	simm.s32 $0x12BB8;
	s18 =	sadd.s32 $0x70, s8  }
0xff: {  	[hbm4b:s18+s3] =	stream.linear.scatter [tilespmem:s1], [sflag:$0x4], $0x80, $0x38;
	[tilespmem:$0x16C00] =	vst v63  }
0x100: {  	s21 =	simm.s32 $0x12C40;
	s25 =	sadd.s32 $0x80, s8  }
0x101: {  	[hbm4b:s25+s3] =	stream.linear.scatter [tilespmem:s21], [sflag:$0x4], $0x80, $0x38;
	[tilespmem:$0x16C00] =	vst v63  }
0x102: {  	s26 =	simm.s32 $0x12CC8;
	s29 =	sadd.s32 $0x90, s8  }
0x103: {  	[hbm4b:s29+s3] =	stream.linear.scatter [tilespmem:s26], [sflag:$0x4], $0x80, $0x38;
	[tilespmem:$0x16C00] =	vst v63  }
0x104: {  	s28 =	sadd.s32 $0xF0, s8;
	s30 =	simm.s32 $0x12D50;
	s31 =	sadd.s32 $0xA0, s8  }
0x105: {  	[hbm4b:s31+s3] =	stream.linear.scatter [tilespmem:s30], [sflag:$0x4], $0x80, $0x38;
	[tilespmem:$0x16C00] =	vst v63  }
0x106: {  	s0 =	simm.s32 $0x4400;
	s1 =	simm.s32 $0x12DD8;
	s18 =	sadd.s32 $0xB0, s8  }
0x107: {  	[hbm4b:s18+s3] =	stream.linear.scatter [tilespmem:s1], [sflag:$0x4], $0x80, $0x38;
	[tilespmem:$0x16C00] =	vst v63  }
0x108: {  	s21 =	simm.s32 $0x12E60;
	s25 =	sadd.s32 $0xC0, s8;
	s26 =	simm.s32 $0x12EE8  }
0x109: {  	[hbm4b:s25+s3] =	stream.linear.scatter [tilespmem:s21], [sflag:$0x4], $0x80, $0x38;
	[tilespmem:$0x16C00] =	vst v63  }
0x10a: {  	s29 =	sadd.s32 $0xD0, s8;
	s30 =	simm.s32 $0x12F70;
	s31 =	sadd.s32 $0xE0, s8  }
0x10b: {  	[hbm4b:s29+s3] =	stream.linear.scatter [tilespmem:s26], [sflag:$0x4], $0x80, $0x38;
	[tilespmem:$0x16C00] =	vst v63  }
0x10c: {  	s1 =	simm.s32 $0x12FF8;
	s25 =	simm.s32 $0x880;
	s26 =	sadd.s32 $0xC8000, s8  }
0x10d: {  	[hbm4b:s31+s3] =	stream.linear.scatter [tilespmem:s30], [sflag:$0x4], $0x80, $0x38;
	[tilespmem:$0x16C00] =	vst v63  }
.LBB2_10:
0x10e: {  	[hbm4b:s28+s3] =	stream.linear.scatter [tilespmem:s1], [sflag:$0x4], $0x80, $0x38;
	[tilespmem:$0x16C00] =	vst v63  }
0x10f: {  	s28 =	smov.u32 s25;
	s1 =	smov.u32 s0  }
0x110: {  	s29 =	sadd.s32 $0x2200, s0;
	s25 =	sshra.s32 s1, $0x2;
	s1 =	sadd.s32 $0x12800, s28  }
0x111: {  	[hbm4b:s26+s3] =	stream.linear.scatter [tilespmem:s1], [sflag:$0x4], $0x80, $0x38;
	[tilespmem:$0x16C00] =	vst v63  }
0x112: {  	p0 =	sne.s32 s0, $0xEE00;
	s0 =	sadd.s32 $0x12888, s28;
	s1 =	sadd.s32 $0x10, s26  }
0x113: {  	[hbm4b:s1+s3] =	stream.linear.scatter [tilespmem:s0], [sflag:$0x4], $0x80, $0x38;
	[tilespmem:$0x16C00] =	vst v63  }
0x114: {  	s0 =	sadd.s32 $0x12910, s28;
	s1 =	sadd.s32 $0x20, s26  }
0x115: {  	[hbm4b:s1+s3] =	stream.linear.scatter [tilespmem:s0], [sflag:$0x4], $0x80, $0x38;
	[tilespmem:$0x16C00] =	vst v63  }
0x116: {  	s0 =	sadd.s32 $0x12998, s28;
	s1 =	sadd.s32 $0x30, s26  }
0x117: {  	[hbm4b:s1+s3] =	stream.linear.scatter [tilespmem:s0], [sflag:$0x4], $0x80, $0x38;
	[tilespmem:$0x16C00] =	vst v63  }
0x118: {  	s0 =	sadd.s32 $0x12A20, s28;
	s1 =	sadd.s32 $0x40, s26  }
0x119: {  	[hbm4b:s1+s3] =	stream.linear.scatter [tilespmem:s0], [sflag:$0x4], $0x80, $0x38;
	[tilespmem:$0x16C00] =	vst v63  }
0x11a: {  	s0 =	sadd.s32 $0x12AA8, s28;
	s1 =	sadd.s32 $0x50, s26  }
0x11b: {  	[hbm4b:s1+s3] =	stream.linear.scatter [tilespmem:s0], [sflag:$0x4], $0x80, $0x38;
	[tilespmem:$0x16C00] =	vst v63  }
0x11c: {  	s0 =	sadd.s32 $0x12B30, s28;
	s1 =	sadd.s32 $0x60, s26  }
0x11d: {  	[hbm4b:s1+s3] =	stream.linear.scatter [tilespmem:s0], [sflag:$0x4], $0x80, $0x38;
	[tilespmem:$0x16C00] =	vst v63  }
0x11e: {  	s0 =	sadd.s32 $0x12BB8, s28;
	s1 =	sadd.s32 $0x70, s26  }
0x11f: {  	[hbm4b:s1+s3] =	stream.linear.scatter [tilespmem:s0], [sflag:$0x4], $0x80, $0x38;
	[tilespmem:$0x16C00] =	vst v63  }
0x120: {  	s0 =	sadd.s32 $0x12C40, s28;
	s1 =	sadd.s32 $0x80, s26  }
0x121: {  	[hbm4b:s1+s3] =	stream.linear.scatter [tilespmem:s0], [sflag:$0x4], $0x80, $0x38;
	[tilespmem:$0x16C00] =	vst v63  }
0x122: {  	s0 =	sadd.s32 $0x12CC8, s28;
	s1 =	sadd.s32 $0x90, s26  }
0x123: {  	[hbm4b:s1+s3] =	stream.linear.scatter [tilespmem:s0], [sflag:$0x4], $0x80, $0x38;
	[tilespmem:$0x16C00] =	vst v63  }
0x124: {  	s0 =	sadd.s32 $0x12D50, s28;
	s1 =	sadd.s32 $0xA0, s26  }
0x125: {  	[hbm4b:s1+s3] =	stream.linear.scatter [tilespmem:s0], [sflag:$0x4], $0x80, $0x38;
	[tilespmem:$0x16C00] =	vst v63  }
0x126: {  	s0 =	sadd.s32 $0x12DD8, s28;
	s1 =	sadd.s32 $0xB0, s26  }
0x127: {  	[hbm4b:s1+s3] =	stream.linear.scatter [tilespmem:s0], [sflag:$0x4], $0x80, $0x38;
	[tilespmem:$0x16C00] =	vst v63  }
0x128: {  	s0 =	sadd.s32 $0x12E60, s28;
	s1 =	sadd.s32 $0xC0, s26  }
0x129: {  	[hbm4b:s1+s3] =	stream.linear.scatter [tilespmem:s0], [sflag:$0x4], $0x80, $0x38;
	[tilespmem:$0x16C00] =	vst v63  }
0x12a: {  	s0 =	sadd.s32 $0x12EE8, s28;
	s1 =	sadd.s32 $0xD0, s26  }
0x12b: {  	[hbm4b:s1+s3] =	stream.linear.scatter [tilespmem:s0], [sflag:$0x4], $0x80, $0x38;
	[tilespmem:$0x16C00] =	vst v63  }
.Ltmp4:
0x12c: {  	_ = 	snop;
	(pc) =	sbr.rel @p0 .LBB2_10-.Ltmp4, $4  }
0x12d: {  	s0 =	sadd.s32 $0x12F70, s28;
	s1 =	sadd.s32 $0xE0, s26  }
0x12e: {  	[hbm4b:s1+s3] =	stream.linear.scatter [tilespmem:s0], [sflag:$0x4], $0x80, $0x38;
	[tilespmem:$0x16C00] =	vst v63  }
0x12f: {  	s1 =	sadd.s32 $0x12FF8, s28  }
0x130: {  	s28 =	sadd.s32 $0xF0, s26;
	s26 =	sadd.s32 $0xC8000, s26;
	s0 =	smov.u32 s29  }
0x131: {  	[hbm4b:s28+s3] =	stream.linear.scatter [tilespmem:s1], [sflag:$0x4], $0x80, $0x38;
	[tilespmem:$0x16C00] =	vst v63  }
0x132: {  	s0 =	sadd.s32 $0x12800, s25  }
0x133: {  	[hbm4b:s26+s3] =	stream.linear.scatter [tilespmem:s0], [sflag:$0x4], $0x80, $0x38;
	[tilespmem:$0x16C00] =	vst v63  }
0x134: {  	s18 =	sadd.s32 $0x12888, s25;
	s21 =	sadd.s32 $0x10, s26  }
0x135: {  	[hbm4b:s21+s3] =	stream.linear.scatter [tilespmem:s18], [sflag:$0x4], $0x80, $0x38;
	[tilespmem:$0x16C00] =	vst v63  }
0x136: {  	s28 =	sadd.s32 $0x12910, s25;
	s29 =	sadd.s32 $0x20, s26  }
0x137: {  	[hbm4b:s29+s3] =	stream.linear.scatter [tilespmem:s28], [sflag:$0x4], $0x80, $0x38;
	[tilespmem:$0x16C00] =	vst v63  }
0x138: {  	s30 =	sadd.s32 $0x12998, s25;
	s31 =	sadd.s32 $0x30, s26  }
0x139: {  	[hbm4b:s31+s3] =	stream.linear.scatter [tilespmem:s30], [sflag:$0x4], $0x80, $0x38;
	[tilespmem:$0x16C00] =	vst v63  }
0x13a: {  	s18 =	sadd.s32 $0x12A20, s25;
	s21 =	sadd.s32 $0x40, s26  }
0x13b: {  	[hbm4b:s21+s3] =	stream.linear.scatter [tilespmem:s18], [sflag:$0x4], $0x80, $0x38;
	[tilespmem:$0x16C00] =	vst v63  }
0x13c: {  	s28 =	sadd.s32 $0x12AA8, s25;
	s29 =	sadd.s32 $0x50, s26  }
0x13d: {  	[hbm4b:s29+s3] =	stream.linear.scatter [tilespmem:s28], [sflag:$0x4], $0x80, $0x38;
	[tilespmem:$0x16C00] =	vst v63  }
0x13e: {  	s30 =	sadd.s32 $0x12B30, s25;
	s31 =	sadd.s32 $0x60, s26  }
0x13f: {  	[hbm4b:s31+s3] =	stream.linear.scatter [tilespmem:s30], [sflag:$0x4], $0x80, $0x38;
	[tilespmem:$0x16C00] =	vst v63  }
0x140: {  	s18 =	sadd.s32 $0x12BB8, s25;
	s21 =	sadd.s32 $0x70, s26  }
0x141: {  	[hbm4b:s21+s3] =	stream.linear.scatter [tilespmem:s18], [sflag:$0x4], $0x80, $0x38;
	[tilespmem:$0x16C00] =	vst v63  }
0x142: {  	s28 =	sadd.s32 $0x12C40, s25;
	s29 =	sadd.s32 $0x80, s26  }
0x143: {  	[hbm4b:s29+s3] =	stream.linear.scatter [tilespmem:s28], [sflag:$0x4], $0x80, $0x38;
	[tilespmem:$0x16C00] =	vst v63  }
0x144: {  	s30 =	sadd.s32 $0x12CC8, s25;
	s31 =	sadd.s32 $0x90, s26  }
0x145: {  	[hbm4b:s31+s3] =	stream.linear.scatter [tilespmem:s30], [sflag:$0x4], $0x80, $0x38;
	[tilespmem:$0x16C00] =	vst v63  }
0x146: {  	s18 =	sadd.s32 $0x12D50, s25;
	s21 =	sadd.s32 $0xA0, s26  }
0x147: {  	[hbm4b:s21+s3] =	stream.linear.scatter [tilespmem:s18], [sflag:$0x4], $0x80, $0x38;
	[tilespmem:$0x16C00] =	vst v63  }
0x148: {  	s28 =	sadd.s32 $0x12DD8, s25;
	s29 =	sadd.s32 $0xB0, s26  }
0x149: {  	[hbm4b:s29+s3] =	stream.linear.scatter [tilespmem:s28], [sflag:$0x4], $0x80, $0x38;
	[tilespmem:$0x16C00] =	vst v63  }
0x14a: {  	s30 =	sadd.s32 $0x12E60, s25;
	s31 =	sadd.s32 $0xC0, s26  }
0x14b: {  	[hbm4b:s31+s3] =	stream.linear.scatter [tilespmem:s30], [sflag:$0x4], $0x80, $0x38;
	[tilespmem:$0x16C00] =	vst v63  }
0x14c: {  	s1 =	sadd.s32 $0x12EE8, s25;
	s18 =	sadd.s32 $0xD0, s26  }
0x14d: {  	[hbm4b:s18+s3] =	stream.linear.scatter [tilespmem:s1], [sflag:$0x4], $0x80, $0x38;
	[tilespmem:$0x16C00] =	vst v63  }
0x14e: {  	s21 =	sadd.s32 $0x12F70, s25;
	s28 =	sadd.s32 $0xE0, s26  }
0x14f: {  	[hbm4b:s28+s3] =	stream.linear.scatter [tilespmem:s21], [sflag:$0x4], $0x80, $0x38;
	[tilespmem:$0x16C00] =	vst v63  }
0x150: {  	s29 =	sadd.s32 $0x12FF8, s25;
	s30 =	sadd.s32 $0xF0, s26  }
0x151: {  	[hbm4b:s30+s3] =	stream.linear.scatter [tilespmem:s29], [sflag:$0x4], $0x80, $0x38;
	[tilespmem:$0x16C00] =	vst v63  }
0x152: {  	s25 =	simm.s32 $0x1;
	s31 =	simm.s32 $0x300  }
0x153: {  	[tilespmem:s15], [sflag:$0x2] =	stream.indirect.gather [hbm4b:s5+s13], $0x40, s31, s13, $0xb8;
	[tilespmem:$0x16C00] =	vst v63  }
.LBB2_12:
0x154: {  	s0 =	simm.s32 $0x0  }
0x155: {  	v4 =	vmov s0  }
0x156: {  	_ =	swait.ge [sflag:s16], $0x4000;
	v4 =	vmul.u32 $0x440, v4  }
0x157: {  	s1 =	simm.s32 $0x0;
	[sflag:s16] =	ssyncset.done $0x0  }
0x158: {  	v5 =	vmov s1;
	[sflag:s16] =	ssyncadd.s32 $0xFFFFC000;
	v4 =	vbroadcast v4, $0x0  }
0x159: {  	s18 =	simm.s32 $0x0;
	v6 =	vand.u32 $0x78, v5;
	_ =	swait.ge [sflag:s22], $0x4000  }
0x15a: {  	v5 =	vand.u32 $0x7, v5;
	[sflag:s22] =	ssyncset.done $0x0;
	v4 =	vadd.s32 v4, v6;
	v6 =	vmov s18  }
0x15b: {  	s29 =	simm.s32 $0x6420;
	[sflag:s22] =	ssyncadd.s32 $0xFFFFC000;
	v8 =	vor.u32 v5, v4;
	v4 =	vmul.u32 $0x440, v6  }
0x15c: {  	s21 =	simm.s32 $0x1;
	v5 =	vld [tilespmem:s29+$0xFFFFFFE0];
	v6 =	vadd.s32 v0, v8  }
0x15d: {  	v7 =	vmov s21;
	v4 =	vbroadcast v4, $0x0  }
0x15e: {  	v9 =	vand.u32 $0x78, v7  }
0x15f: {  	s26 =	simm.s32 $0x0;
	v7 =	vand.u32 $0x7, v7;
	v4 =	vadd.s32 v4, v9  }
0x160: {  	v9 =	vmov s26;
	s26 =	simm.s32 $0x6460;
	v4 =	vor.u32 v7, v4  }
0x161: {  	v7 =	vmul.u32 $0x440, v9;
	[tilespmem:v6+s17+$0x0] =	vst.idx.msk $0xffff, v5;
	v6 =	vld [tilespmem:s26+$0xFFFFFFE0];
	v9 =	vadd.s32 v0, v4  }
0x162: {  	s31 =	simm.s32 $0x2  }
0x163: {  	v11 =	vadd.s32 v1, v8;
	v5 =	vmov s31;
	v10 =	vld [tilespmem:s29+$0xFFFFFFF0];
	v7 =	vbroadcast v7, $0x0  }
0x164: {  	s1 =	simm.s32 $0x0;
	v12 =	vand.u32 $0x78, v5  }
0x165: {  	v5 =	vand.u32 $0x7, v5;
	v7 =	vadd.s32 v7, v12;
	v12 =	vmov s1  }
0x166: {  	s28 =	simm.s32 $0x64A0;
	v5 =	vor.u32 v5, v7;
	[tilespmem:v9+s17+$0x0] =	vst.idx.msk $0xffff, v6;
	v6 =	vmul.u32 $0x440, v12  }
0x167: {  	s18 =	simm.s32 $0x3;
	v7 =	vld [tilespmem:s28+$0xFFFFFFE0];
	v9 =	vadd.s32 v0, v5  }
0x168: {  	v12 =	vmov s18;
	[tilespmem:v11+s17+$0x0] =	vst.idx.msk $0xffff, v10;
	v10 =	vld [tilespmem:s26+$0xFFFFFFF0];
	v11 =	vadd.s32 v1, v4;
	v6 =	vbroadcast v6, $0x0  }
0x169: {  	v16 =	vadd.s32 v2, v8;
	v13 =	vand.u32 $0x78, v12;
	v15 =	vld [tilespmem:s29+$0x0]  }
0x16a: {  	s21 =	simm.s32 $0x0;
	v12 =	vand.u32 $0x7, v12;
	v6 =	vadd.s32 v6, v13  }
0x16b: {  	s30 =	simm.s32 $0x64E0;
	v13 =	vmov s21;
	v6 =	vor.u32 v12, v6  }
0x16c: {  	[tilespmem:v9+s17+$0x0] =	vst.idx.msk $0xffff, v7;
	v7 =	vmul.u32 $0x440, v13;
	v12 =	vld [tilespmem:s30+$0xFFFFFFE0];
	v14 =	vadd.s32 v0, v6  }
0x16d: {  	s31 =	simm.s32 $0x4;
	v13 =	vadd.s32 v1, v5;
	[tilespmem:v11+s17+$0x0] =	vst.idx.msk $0xffff, v10;
	v11 =	vld [tilespmem:s28+$0xFFFFFFF0]  }
0x16e: {  	v10 =	vadd.s32 v2, v4;
	[tilespmem:v16+s17+$0x0] =	vst.idx.msk $0xffff, v15;
	v15 =	vmov s31;
	v16 =	vbroadcast v7, $0x0;
	v9 =	vld [tilespmem:s26+$0x0]  }
0x16f: {  	v8 =	vadd.s32 v3, v8;
	s1 =	simm.s32 $0x5;
	v17 =	vand.u32 $0x78, v15;
	v7 =	vld [tilespmem:s29+$0x10];
	s29 =	simm.s32 $0x64E0  }
.LBB2_13:
0x170: {  	s0 =	sshrl.u32 s1, $0x7;
	v15 =	vand.u32 $0x7, v15;
	v16 =	vadd.s32 v16, v17;
	s31 =	smov.u32 s1;
	p0 =	sne.s32 s1, $0xFF  }
.Ltmp5:
0x171: {  	s30 =	sadd.s32 $0x40, s30;
	v17 =	vmov s0;
	v18 =	vor.u32 v15, v16;
	[tilespmem:v14+s17+$0x0] =	vst.idx.msk $0xffff, v12;
	(pc) =	sbr.rel @p0 .LBB2_13-.Ltmp5, $4  }
0x172: {  	v16 =	vmul.u32 $0x440, v17;
	v12 =	vld [tilespmem:s30+$0xFFFFFFE0];
	v14 =	vadd.s32 v0, v18;
	[tilespmem:v13+s17+$0x0] =	vst.idx.msk $0xffff, v11  }
0x173: {  	s1 =	sadd.s32 $0x1, s1;
	v13 =	vadd.s32 v1, v6;
	v11 =	vld [tilespmem:s29+$0xFFFFFFF0];
	[tilespmem:v10+s17+$0x0] =	vst.idx.msk $0xffff, v9  }
0x174: {  	v15 =	vmov s31;
	v10 =	vadd.s32 v2, v5;
	v16 =	vbroadcast v16, $0x0;
	v9 =	vld [tilespmem:s28+$0x0];
	[tilespmem:v8+s17+$0x0] =	vst.idx.msk $0xffff, v7  }
0x175: {  	v17 =	vand.u32 $0x78, v15;
	v8 =	vadd.s32 v3, v4;
	v4 =	vmovc v5;
	v5 =	vmovc v6;
	v6 =	vmov v18;
	v7 =	vld [tilespmem:s26+$0x10];
	s26 =	smov.u32 s28;
	s28 =	smov.u32 s29;
	s29 =	smov.u32 s30  }
0x176: {  	v15 =	vand.u32 $0x7, v15;
	v16 =	vadd.s32 v16, v17  }
0x177: {  	s0 =	sadd.s32 $0x40, s30;
	v15 =	vor.u32 v15, v16  }
0x178: {  	v52 =	vld [tilespmem:s0+$0xFFFFFFE0];
	v53 =	vadd.s32 v0, v15;
	_ =	sdelay $0x3  }
0x179: {  	[tilespmem:v14+s17+$0x0] =	vst.idx.msk $0xffff, v12  }
0x17a: {  	v54 =	vadd.s32 v1, v6;
	v12 =	vld [tilespmem:s29+$0xFFFFFFF0];
	[tilespmem:v53+s17+$0x0] =	vst.idx.msk $0xffff, v52  }
0x17b: {  	v55 =	vadd.s32 v1, v15;
	v16 =	vld [tilespmem:s0+$0xFFFFFFF0];
	_ =	sdelay $0x2  }
0x17c: {  	[tilespmem:v13+s17+$0x0] =	vst.idx.msk $0xffff, v11  }
0x17d: {  	v56 =	vadd.s32 v2, v5;
	v11 =	vld [tilespmem:s28+$0x0];
	[tilespmem:v54+s17+$0x0] =	vst.idx.msk $0xffff, v12  }
0x17e: {  	v57 =	vadd.s32 v2, v6;
	v12 =	vld [tilespmem:s29+$0x0];
	[tilespmem:v55+s17+$0x0] =	vst.idx.msk $0xffff, v16  }
0x17f: {  	v58 =	vadd.s32 v2, v15;
	v16 =	vld [tilespmem:s0+$0x0];
	_ =	sdelay $0x1  }
0x180: {  	[tilespmem:v10+s17+$0x0] =	vst.idx.msk $0xffff, v9  }
0x181: {  	v4 =	vadd.s32 v3, v4;
	v9 =	vld [tilespmem:s26+$0x10];
	[tilespmem:v56+s17+$0x0] =	vst.idx.msk $0xffff, v11  }
0x182: {  	v5 =	vadd.s32 v3, v5;
	v59 =	vld [tilespmem:s28+$0x10];
	[tilespmem:v57+s17+$0x0] =	vst.idx.msk $0xffff, v12  }
0x183: {  	v61 =	vadd.s32 v3, v6;
	v60 =	vld [tilespmem:s29+$0x10];
	[tilespmem:v58+s17+$0x0] =	vst.idx.msk $0xffff, v16  }
0x184: {  	v63 =	vadd.s32 v3, v15;
	v62 =	vld [tilespmem:s0+$0x10]  }
0x185: {  	[tilespmem:v8+s17+$0x0] =	vst.idx.msk $0xffff, v7  }
0x186: {  	s18 =	sshll.u32 s25, $0xC;
	[tilespmem:v4+s17+$0x0] =	vst.idx.msk $0xffff, v9  }
0x187: {  	[tilespmem:v5+s17+$0x0] =	vst.idx.msk $0xffff, v59;
	s0 =	sadd.s32 s4, s18  }
0x188: {  	[tilespmem:v61+s17+$0x0] =	vst.idx.msk $0xffff, v60;
	s0 =	sshrl.u32 s0, $0x3  }
0x189: {  	s21 =	simm.s32 $0xE400;
	s28 =	sadd.s32 s2, s0;
	[tilespmem:v63+s17+$0x0] =	vst.idx.msk $0xffff, v62  }
0x18a: {  	[hbm4b:s28+s3] =	stream.linear.scatter [tilespmem:s21], [sflag:$0x3], $0x80, $0x38;
	[tilespmem:$0x16C00] =	vst v63  }
0x18b: {  	s26 =	simm.s32 $0xE488;
	s1 =	sadd.s32 $0x10, s28  }
0x18c: {  	[hbm4b:s1+s3] =	stream.linear.scatter [tilespmem:s26], [sflag:$0x3], $0x80, $0x38;
	[tilespmem:$0x16C00] =	vst v63  }
0x18d: {  	s30 =	simm.s32 $0xE510;
	s31 =	sadd.s32 $0x20, s28  }
0x18e: {  	[hbm4b:s31+s3] =	stream.linear.scatter [tilespmem:s30], [sflag:$0x3], $0x80, $0x38;
	[tilespmem:$0x16C00] =	vst v63  }
0x18f: {  	s18 =	sadd.s32 $0x30, s28;
	s1 =	simm.s32 $0xE598  }
0x190: {  	[hbm4b:s18+s3] =	stream.linear.scatter [tilespmem:s1], [sflag:$0x3], $0x80, $0x38;
	[tilespmem:$0x16C00] =	vst v63  }
0x191: {  	s21 =	simm.s32 $0xE620;
	s26 =	sadd.s32 $0x40, s28  }
0x192: {  	[hbm4b:s26+s3] =	stream.linear.scatter [tilespmem:s21], [sflag:$0x3], $0x80, $0x38;
	[tilespmem:$0x16C00] =	vst v63  }
0x193: {  	s30 =	simm.s32 $0xE6A8;
	s31 =	sadd.s32 $0x50, s28  }
0x194: {  	[hbm4b:s31+s3] =	stream.linear.scatter [tilespmem:s30], [sflag:$0x3], $0x80, $0x38;
	[tilespmem:$0x16C00] =	vst v63  }
0x195: {  	s1 =	simm.s32 $0xE730;
	s18 =	sadd.s32 $0x60, s28  }
0x196: {  	[hbm4b:s18+s3] =	stream.linear.scatter [tilespmem:s1], [sflag:$0x3], $0x80, $0x38;
	[tilespmem:$0x16C00] =	vst v63  }
0x197: {  	s21 =	simm.s32 $0xE7B8;
	s26 =	sadd.s32 $0x70, s28  }
0x198: {  	[hbm4b:s26+s3] =	stream.linear.scatter [tilespmem:s21], [sflag:$0x3], $0x80, $0x38;
	[tilespmem:$0x16C00] =	vst v63  }
0x199: {  	s30 =	simm.s32 $0xE840;
	s31 =	sadd.s32 $0x80, s28  }
0x19a: {  	[hbm4b:s31+s3] =	stream.linear.scatter [tilespmem:s30], [sflag:$0x3], $0x80, $0x38;
	[tilespmem:$0x16C00] =	vst v63  }
0x19b: {  	s1 =	simm.s32 $0xE8C8;
	s18 =	sadd.s32 $0x90, s28  }
0x19c: {  	[hbm4b:s18+s3] =	stream.linear.scatter [tilespmem:s1], [sflag:$0x3], $0x80, $0x38;
	[tilespmem:$0x16C00] =	vst v63  }
0x19d: {  	s0 =	simm.s32 $0x4400;
	s21 =	simm.s32 $0xE950;
	s26 =	sadd.s32 $0xA0, s28  }
0x19e: {  	[hbm4b:s26+s3] =	stream.linear.scatter [tilespmem:s21], [sflag:$0x3], $0x80, $0x38;
	[tilespmem:$0x16C00] =	vst v63  }
0x19f: {  	s29 =	sadd.s32 $0xF0, s28;
	s30 =	simm.s32 $0xE9D8;
	s31 =	sadd.s32 $0xB0, s28  }
0x1a0: {  	[hbm4b:s31+s3] =	stream.linear.scatter [tilespmem:s30], [sflag:$0x3], $0x80, $0x38;
	[tilespmem:$0x16C00] =	vst v63  }
0x1a1: {  	s1 =	simm.s32 $0xEA60;
	s18 =	sadd.s32 $0xC0, s28;
	s21 =	simm.s32 $0xEAE8  }
0x1a2: {  	[hbm4b:s18+s3] =	stream.linear.scatter [tilespmem:s1], [sflag:$0x3], $0x80, $0x38;
	[tilespmem:$0x16C00] =	vst v63  }
0x1a3: {  	s26 =	sadd.s32 $0xD0, s28;
	s30 =	simm.s32 $0xEB70;
	s31 =	sadd.s32 $0xE0, s28  }
0x1a4: {  	[hbm4b:s26+s3] =	stream.linear.scatter [tilespmem:s21], [sflag:$0x3], $0x80, $0x38;
	[tilespmem:$0x16C00] =	vst v63  }
0x1a5: {  	s28 =	sadd.s32 $0xC8000, s28;
	s1 =	simm.s32 $0xEBF8;
	s26 =	simm.s32 $0x880  }
0x1a6: {  	[hbm4b:s31+s3] =	stream.linear.scatter [tilespmem:s30], [sflag:$0x3], $0x80, $0x38;
	[tilespmem:$0x16C00] =	vst v63  }
.LBB2_15:
0x1a7: {  	[hbm4b:s29+s3] =	stream.linear.scatter [tilespmem:s1], [sflag:$0x3], $0x80, $0x38;
	[tilespmem:$0x16C00] =	vst v63  }
0x1a8: {  	s29 =	smov.u32 s26;
	s1 =	smov.u32 s0  }
0x1a9: {  	s30 =	sadd.s32 $0x2200, s0;
	s26 =	sshra.s32 s1, $0x2;
	s1 =	sadd.s32 $0xE400, s29  }
0x1aa: {  	[hbm4b:s28+s3] =	stream.linear.scatter [tilespmem:s1], [sflag:$0x3], $0x80, $0x38;
	[tilespmem:$0x16C00] =	vst v63  }
0x1ab: {  	p0 =	sne.s32 s0, $0xEE00;
	s0 =	sadd.s32 $0xE488, s29;
	s1 =	sadd.s32 $0x10, s28  }
0x1ac: {  	[hbm4b:s1+s3] =	stream.linear.scatter [tilespmem:s0], [sflag:$0x3], $0x80, $0x38;
	[tilespmem:$0x16C00] =	vst v63  }
0x1ad: {  	s0 =	sadd.s32 $0xE510, s29;
	s1 =	sadd.s32 $0x20, s28  }
0x1ae: {  	[hbm4b:s1+s3] =	stream.linear.scatter [tilespmem:s0], [sflag:$0x3], $0x80, $0x38;
	[tilespmem:$0x16C00] =	vst v63  }
0x1af: {  	s0 =	sadd.s32 $0xE598, s29;
	s1 =	sadd.s32 $0x30, s28  }
0x1b0: {  	[hbm4b:s1+s3] =	stream.linear.scatter [tilespmem:s0], [sflag:$0x3], $0x80, $0x38;
	[tilespmem:$0x16C00] =	vst v63  }
0x1b1: {  	s0 =	sadd.s32 $0xE620, s29;
	s1 =	sadd.s32 $0x40, s28  }
0x1b2: {  	[hbm4b:s1+s3] =	stream.linear.scatter [tilespmem:s0], [sflag:$0x3], $0x80, $0x38;
	[tilespmem:$0x16C00] =	vst v63  }
0x1b3: {  	s0 =	sadd.s32 $0xE6A8, s29;
	s1 =	sadd.s32 $0x50, s28  }
0x1b4: {  	[hbm4b:s1+s3] =	stream.linear.scatter [tilespmem:s0], [sflag:$0x3], $0x80, $0x38;
	[tilespmem:$0x16C00] =	vst v63  }
0x1b5: {  	s0 =	sadd.s32 $0xE730, s29;
	s1 =	sadd.s32 $0x60, s28  }
0x1b6: {  	[hbm4b:s1+s3] =	stream.linear.scatter [tilespmem:s0], [sflag:$0x3], $0x80, $0x38;
	[tilespmem:$0x16C00] =	vst v63  }
0x1b7: {  	s0 =	sadd.s32 $0xE7B8, s29;
	s1 =	sadd.s32 $0x70, s28  }
0x1b8: {  	[hbm4b:s1+s3] =	stream.linear.scatter [tilespmem:s0], [sflag:$0x3], $0x80, $0x38;
	[tilespmem:$0x16C00] =	vst v63  }
0x1b9: {  	s0 =	sadd.s32 $0xE840, s29;
	s1 =	sadd.s32 $0x80, s28  }
0x1ba: {  	[hbm4b:s1+s3] =	stream.linear.scatter [tilespmem:s0], [sflag:$0x3], $0x80, $0x38;
	[tilespmem:$0x16C00] =	vst v63  }
0x1bb: {  	s0 =	sadd.s32 $0xE8C8, s29;
	s1 =	sadd.s32 $0x90, s28  }
0x1bc: {  	[hbm4b:s1+s3] =	stream.linear.scatter [tilespmem:s0], [sflag:$0x3], $0x80, $0x38;
	[tilespmem:$0x16C00] =	vst v63  }
0x1bd: {  	s0 =	sadd.s32 $0xE950, s29;
	s1 =	sadd.s32 $0xA0, s28  }
0x1be: {  	[hbm4b:s1+s3] =	stream.linear.scatter [tilespmem:s0], [sflag:$0x3], $0x80, $0x38;
	[tilespmem:$0x16C00] =	vst v63  }
0x1bf: {  	s0 =	sadd.s32 $0xE9D8, s29;
	s1 =	sadd.s32 $0xB0, s28  }
0x1c0: {  	[hbm4b:s1+s3] =	stream.linear.scatter [tilespmem:s0], [sflag:$0x3], $0x80, $0x38;
	[tilespmem:$0x16C00] =	vst v63  }
0x1c1: {  	s0 =	sadd.s32 $0xEA60, s29;
	s1 =	sadd.s32 $0xC0, s28  }
0x1c2: {  	[hbm4b:s1+s3] =	stream.linear.scatter [tilespmem:s0], [sflag:$0x3], $0x80, $0x38;
	[tilespmem:$0x16C00] =	vst v63  }
0x1c3: {  	s0 =	sadd.s32 $0xEAE8, s29;
	s1 =	sadd.s32 $0xD0, s28  }
0x1c4: {  	[hbm4b:s1+s3] =	stream.linear.scatter [tilespmem:s0], [sflag:$0x3], $0x80, $0x38;
	[tilespmem:$0x16C00] =	vst v63  }
.Ltmp6:
0x1c5: {  	_ = 	snop;
	(pc) =	sbr.rel @p0 .LBB2_15-.Ltmp6, $4  }
0x1c6: {  	s0 =	sadd.s32 $0xEB70, s29;
	s1 =	sadd.s32 $0xE0, s28  }
0x1c7: {  	[hbm4b:s1+s3] =	stream.linear.scatter [tilespmem:s0], [sflag:$0x3], $0x80, $0x38;
	[tilespmem:$0x16C00] =	vst v63  }
0x1c8: {  	s1 =	sadd.s32 $0xEBF8, s29  }
0x1c9: {  	s29 =	sadd.s32 $0xF0, s28;
	s28 =	sadd.s32 $0xC8000, s28;
	s0 =	smov.u32 s30  }
0x1ca: {  	[hbm4b:s29+s3] =	stream.linear.scatter [tilespmem:s1], [sflag:$0x3], $0x80, $0x38;
	[tilespmem:$0x16C00] =	vst v63  }
0x1cb: {  	s0 =	sadd.s32 $0xE400, s26  }
0x1cc: {  	[hbm4b:s28+s3] =	stream.linear.scatter [tilespmem:s0], [sflag:$0x3], $0x80, $0x38;
	[tilespmem:$0x16C00] =	vst v63  }
0x1cd: {  	s18 =	sadd.s32 $0xE488, s26;
	s21 =	sadd.s32 $0x10, s28  }
0x1ce: {  	[hbm4b:s21+s3] =	stream.linear.scatter [tilespmem:s18], [sflag:$0x3], $0x80, $0x38;
	[tilespmem:$0x16C00] =	vst v63  }
0x1cf: {  	s18 =	sadd.s32 $0xE510, s26;
	s21 =	sadd.s32 $0x20, s28  }
0x1d0: {  	[hbm4b:s21+s3] =	stream.linear.scatter [tilespmem:s18], [sflag:$0x3], $0x80, $0x38;
	[tilespmem:$0x16C00] =	vst v63  }
0x1d1: {  	s18 =	sadd.s32 $0xE598, s26;
	s21 =	sadd.s32 $0x30, s28  }
0x1d2: {  	[hbm4b:s21+s3] =	stream.linear.scatter [tilespmem:s18], [sflag:$0x3], $0x80, $0x38;
	[tilespmem:$0x16C00] =	vst v63  }
0x1d3: {  	s18 =	sadd.s32 $0xE620, s26;
	s21 =	sadd.s32 $0x40, s28  }
0x1d4: {  	[hbm4b:s21+s3] =	stream.linear.scatter [tilespmem:s18], [sflag:$0x3], $0x80, $0x38;
	[tilespmem:$0x16C00] =	vst v63  }
0x1d5: {  	s18 =	sadd.s32 $0xE6A8, s26;
	s21 =	sadd.s32 $0x50, s28  }
0x1d6: {  	[hbm4b:s21+s3] =	stream.linear.scatter [tilespmem:s18], [sflag:$0x3], $0x80, $0x38;
	[tilespmem:$0x16C00] =	vst v63  }
0x1d7: {  	s18 =	sadd.s32 $0xE730, s26;
	s21 =	sadd.s32 $0x60, s28  }
0x1d8: {  	[hbm4b:s21+s3] =	stream.linear.scatter [tilespmem:s18], [sflag:$0x3], $0x80, $0x38;
	[tilespmem:$0x16C00] =	vst v63  }
0x1d9: {  	s18 =	sadd.s32 $0xE7B8, s26;
	s21 =	sadd.s32 $0x70, s28  }
0x1da: {  	[hbm4b:s21+s3] =	stream.linear.scatter [tilespmem:s18], [sflag:$0x3], $0x80, $0x38;
	[tilespmem:$0x16C00] =	vst v63  }
0x1db: {  	s18 =	sadd.s32 $0xE840, s26;
	s21 =	sadd.s32 $0x80, s28  }
0x1dc: {  	[hbm4b:s21+s3] =	stream.linear.scatter [tilespmem:s18], [sflag:$0x3], $0x80, $0x38;
	[tilespmem:$0x16C00] =	vst v63  }
0x1dd: {  	s18 =	sadd.s32 $0xE8C8, s26;
	s21 =	sadd.s32 $0x90, s28  }
0x1de: {  	[hbm4b:s21+s3] =	stream.linear.scatter [tilespmem:s18], [sflag:$0x3], $0x80, $0x38;
	[tilespmem:$0x16C00] =	vst v63  }
0x1df: {  	s18 =	sadd.s32 $0xE950, s26;
	s21 =	sadd.s32 $0xA0, s28  }
0x1e0: {  	[hbm4b:s21+s3] =	stream.linear.scatter [tilespmem:s18], [sflag:$0x3], $0x80, $0x38;
	[tilespmem:$0x16C00] =	vst v63  }
0x1e1: {  	s18 =	sadd.s32 $0xE9D8, s26;
	s21 =	sadd.s32 $0xB0, s28  }
0x1e2: {  	[hbm4b:s21+s3] =	stream.linear.scatter [tilespmem:s18], [sflag:$0x3], $0x80, $0x38;
	[tilespmem:$0x16C00] =	vst v63  }
0x1e3: {  	s18 =	sadd.s32 $0xEA60, s26;
	s21 =	sadd.s32 $0xC0, s28  }
0x1e4: {  	[hbm4b:s21+s3] =	stream.linear.scatter [tilespmem:s18], [sflag:$0x3], $0x80, $0x38;
	[tilespmem:$0x16C00] =	vst v63  }
0x1e5: {  	s18 =	sadd.s32 $0xEAE8, s26;
	s21 =	sadd.s32 $0xD0, s28  }
0x1e6: {  	[hbm4b:s21+s3] =	stream.linear.scatter [tilespmem:s18], [sflag:$0x3], $0x80, $0x38;
	[tilespmem:$0x16C00] =	vst v63  }
0x1e7: {  	s1 =	sadd.s32 $0xEB70, s26;
	s18 =	sadd.s32 $0xE0, s28  }
0x1e8: {  	[hbm4b:s18+s3] =	stream.linear.scatter [tilespmem:s1], [sflag:$0x3], $0x80, $0x38;
	[tilespmem:$0x16C00] =	vst v63  }
0x1e9: {  	s21 =	sadd.s32 $0xEBF8, s26;
	s26 =	sadd.s32 $0xF0, s28;
	s28 =	sshll.u32 s25, $0x9  }
0x1ea: {  	[hbm4b:s26+s3] =	stream.linear.scatter [tilespmem:s21], [sflag:$0x3], $0x80, $0x38;
	[tilespmem:$0x16C00] =	vst v63  }
0x1eb: {  	s26 =	sand.u32 $0x3FFFFE00, s28  }
0x1ec: {  	s21 =	simm.s32 $0x0;
	s18 =	sadd.s32 $0x200, s26  }
0x1ed: {  	v4 =	vmov s21;
	[tilespmem:s14], [sflag:$0x1] =	stream.indirect.gather [hbm4b:s5+s13], $0x40, s18, s13, $0xb8;
	[tilespmem:$0x16C00] =	vst v63  }
0x1ee: {  	v4 =	vmul.u32 $0x440, v4;
	_ =	swait.ge [sflag:s19], $0x4000  }
0x1ef: {  	s1 =	simm.s32 $0x0;
	[sflag:s19] =	ssyncset.done $0x0  }
0x1f0: {  	v5 =	vmov s1;
	v4 =	vbroadcast v4, $0x0;
	[sflag:s19] =	ssyncadd.s32 $0xFFFFC000  }
0x1f1: {  	v6 =	vand.u32 $0x78, v5;
	s18 =	simm.s32 $0x0;
	_ =	swait.ge [sflag:s23], $0x4000  }
0x1f2: {  	v5 =	vand.u32 $0x7, v5;
	v4 =	vadd.s32 v4, v6;
	v6 =	vmov s18;
	[sflag:s23] =	ssyncset.done $0x0  }
0x1f3: {  	s31 =	simm.s32 $0xA420;
	v8 =	vor.u32 v5, v4;
	v4 =	vmul.u32 $0x440, v6;
	[sflag:s23] =	ssyncadd.s32 $0xFFFFC000  }
0x1f4: {  	s21 =	simm.s32 $0x1;
	v6 =	vadd.s32 v0, v8;
	v5 =	vld [tilespmem:s31+$0xFFFFFFE0]  }
0x1f5: {  	v7 =	vmov s21;
	v4 =	vbroadcast v4, $0x0  }
0x1f6: {  	v9 =	vand.u32 $0x78, v7  }
0x1f7: {  	s1 =	simm.s32 $0x0;
	v7 =	vand.u32 $0x7, v7;
	v4 =	vadd.s32 v4, v9  }
0x1f8: {  	s29 =	simm.s32 $0xA460;
	v9 =	vmov s1;
	v4 =	vor.u32 v7, v4  }
0x1f9: {  	v7 =	vmul.u32 $0x440, v9;
	v9 =	vadd.s32 v0, v4;
	[tilespmem:v6+s20+$0x0] =	vst.idx.msk $0xffff, v5;
	v6 =	vld [tilespmem:s29+$0xFFFFFFE0]  }
0x1fa: {  	s18 =	simm.s32 $0x2  }
0x1fb: {  	v11 =	vadd.s32 v1, v8;
	v5 =	vmov s18;
	v7 =	vbroadcast v7, $0x0;
	v10 =	vld [tilespmem:s31+$0xFFFFFFF0]  }
0x1fc: {  	s21 =	simm.s32 $0x0;
	v12 =	vand.u32 $0x78, v5  }
0x1fd: {  	v5 =	vand.u32 $0x7, v5;
	v7 =	vadd.s32 v7, v12;
	v12 =	vmov s21  }
0x1fe: {  	s30 =	simm.s32 $0xA4A0;
	v5 =	vor.u32 v5, v7;
	[tilespmem:v9+s20+$0x0] =	vst.idx.msk $0xffff, v6;
	v6 =	vmul.u32 $0x440, v12  }
0x1ff: {  	s1 =	simm.s32 $0x3;
	v7 =	vld [tilespmem:s30+$0xFFFFFFE0];
	v9 =	vadd.s32 v0, v5  }
0x200: {  	v12 =	vmov s1;
	[tilespmem:v11+s20+$0x0] =	vst.idx.msk $0xffff, v10;
	v10 =	vld [tilespmem:s29+$0xFFFFFFF0];
	v11 =	vadd.s32 v1, v4;
	v6 =	vbroadcast v6, $0x0  }
0x201: {  	v16 =	vadd.s32 v2, v8;
	v13 =	vand.u32 $0x78, v12;
	v15 =	vld [tilespmem:s31+$0x0]  }
0x202: {  	s18 =	simm.s32 $0x0;
	v12 =	vand.u32 $0x7, v12;
	v6 =	vadd.s32 v6, v13  }
0x203: {  	s1 =	simm.s32 $0xA4E0;
	v13 =	vmov s18;
	v6 =	vor.u32 v12, v6  }
0x204: {  	[tilespmem:v9+s20+$0x0] =	vst.idx.msk $0xffff, v7;
	v7 =	vmul.u32 $0x440, v13;
	v12 =	vld [tilespmem:s1+$0xFFFFFFE0];
	v14 =	vadd.s32 v0, v6  }
0x205: {  	s21 =	simm.s32 $0x4;
	v13 =	vadd.s32 v1, v5;
	[tilespmem:v11+s20+$0x0] =	vst.idx.msk $0xffff, v10;
	v11 =	vld [tilespmem:s30+$0xFFFFFFF0]  }
0x206: {  	v10 =	vadd.s32 v2, v4;
	[tilespmem:v16+s20+$0x0] =	vst.idx.msk $0xffff, v15;
	v15 =	vmov s21;
	v16 =	vbroadcast v7, $0x0;
	v9 =	vld [tilespmem:s29+$0x0]  }
0x207: {  	s0 =	simm.s32 $0x5;
	v8 =	vadd.s32 v3, v8;
	v17 =	vand.u32 $0x78, v15;
	v7 =	vld [tilespmem:s31+$0x10];
	s31 =	simm.s32 $0xA4E0  }
.LBB2_17:
0x208: {  	s18 =	sshrl.u32 s0, $0x7;
	v15 =	vand.u32 $0x7, v15;
	v16 =	vadd.s32 v16, v17;
	s21 =	smov.u32 s0;
	p0 =	sne.s32 s0, $0xFF  }
.Ltmp7:
0x209: {  	s1 =	sadd.s32 $0x40, s1;
	v17 =	vmov s18;
	v18 =	vor.u32 v15, v16;
	[tilespmem:v14+s20+$0x0] =	vst.idx.msk $0xffff, v12;
	(pc) =	sbr.rel @p0 .LBB2_17-.Ltmp7, $4  }
0x20a: {  	v16 =	vmul.u32 $0x440, v17;
	v12 =	vld [tilespmem:s1+$0xFFFFFFE0];
	v14 =	vadd.s32 v0, v18;
	[tilespmem:v13+s20+$0x0] =	vst.idx.msk $0xffff, v11  }
0x20b: {  	s0 =	sadd.s32 $0x1, s0;
	v13 =	vadd.s32 v1, v6;
	v11 =	vld [tilespmem:s31+$0xFFFFFFF0];
	[tilespmem:v10+s20+$0x0] =	vst.idx.msk $0xffff, v9  }
0x20c: {  	v15 =	vmov s21;
	v10 =	vadd.s32 v2, v5;
	v16 =	vbroadcast v16, $0x0;
	v9 =	vld [tilespmem:s30+$0x0];
	[tilespmem:v8+s20+$0x0] =	vst.idx.msk $0xffff, v7  }
0x20d: {  	v17 =	vand.u32 $0x78, v15;
	v8 =	vadd.s32 v3, v4;
	v4 =	vmovc v5;
	v5 =	vmovc v6;
	v6 =	vmov v18;
	v7 =	vld [tilespmem:s29+$0x10];
	s29 =	smov.u32 s30;
	s30 =	smov.u32 s31;
	s31 =	smov.u32 s1  }
0x20e: {  	v15 =	vand.u32 $0x7, v15;
	v16 =	vadd.s32 v16, v17  }
0x20f: {  	s0 =	sadd.s32 $0x40, s1;
	v15 =	vor.u32 v15, v16  }
0x210: {  	v52 =	vld [tilespmem:s0+$0xFFFFFFE0];
	v53 =	vadd.s32 v0, v15;
	_ =	sdelay $0x3  }
0x211: {  	[tilespmem:v14+s20+$0x0] =	vst.idx.msk $0xffff, v12  }
0x212: {  	v54 =	vadd.s32 v1, v6;
	v12 =	vld [tilespmem:s31+$0xFFFFFFF0];
	[tilespmem:v53+s20+$0x0] =	vst.idx.msk $0xffff, v52  }
0x213: {  	v55 =	vadd.s32 v1, v15;
	v16 =	vld [tilespmem:s0+$0xFFFFFFF0];
	_ =	sdelay $0x2  }
0x214: {  	[tilespmem:v13+s20+$0x0] =	vst.idx.msk $0xffff, v11  }
0x215: {  	v56 =	vadd.s32 v2, v5;
	v11 =	vld [tilespmem:s30+$0x0];
	[tilespmem:v54+s20+$0x0] =	vst.idx.msk $0xffff, v12  }
0x216: {  	v57 =	vadd.s32 v2, v6;
	v12 =	vld [tilespmem:s31+$0x0];
	[tilespmem:v55+s20+$0x0] =	vst.idx.msk $0xffff, v16  }
0x217: {  	v58 =	vadd.s32 v2, v15;
	v16 =	vld [tilespmem:s0+$0x0];
	_ =	sdelay $0x1  }
0x218: {  	[tilespmem:v10+s20+$0x0] =	vst.idx.msk $0xffff, v9  }
0x219: {  	v4 =	vadd.s32 v3, v4;
	v9 =	vld [tilespmem:s29+$0x10];
	[tilespmem:v56+s20+$0x0] =	vst.idx.msk $0xffff, v11  }
0x21a: {  	v5 =	vadd.s32 v3, v5;
	v59 =	vld [tilespmem:s30+$0x10];
	[tilespmem:v57+s20+$0x0] =	vst.idx.msk $0xffff, v12  }
0x21b: {  	v61 =	vadd.s32 v3, v6;
	v60 =	vld [tilespmem:s31+$0x10];
	[tilespmem:v58+s20+$0x0] =	vst.idx.msk $0xffff, v16  }
0x21c: {  	v63 =	vadd.s32 v3, v15;
	v62 =	vld [tilespmem:s0+$0x10]  }
0x21d: {  	[tilespmem:v8+s20+$0x0] =	vst.idx.msk $0xffff, v7  }
0x21e: {  	[tilespmem:v4+s20+$0x0] =	vst.idx.msk $0xffff, v9  }
0x21f: {  	[tilespmem:v5+s20+$0x0] =	vst.idx.msk $0xffff, v59  }
0x220: {  	[tilespmem:v61+s20+$0x0] =	vst.idx.msk $0xffff, v60  }
0x221: {  	s18 =	sadd.s32 s28, s8;
	s1 =	simm.s32 $0x12800;
	[tilespmem:v63+s20+$0x0] =	vst.idx.msk $0xffff, v62  }
0x222: {  	[hbm4b:s18+s3] =	stream.linear.scatter [tilespmem:s1], [sflag:$0x4], $0x80, $0x38;
	[tilespmem:$0x16C00] =	vst v63  }
0x223: {  	s21 =	simm.s32 $0x12888;
	s31 =	sadd.s32 $0x10, s18  }
0x224: {  	[hbm4b:s31+s3] =	stream.linear.scatter [tilespmem:s21], [sflag:$0x4], $0x80, $0x38;
	[tilespmem:$0x16C00] =	vst v63  }
0x225: {  	s21 =	simm.s32 $0x12910;
	s31 =	sadd.s32 $0x20, s18  }
0x226: {  	[hbm4b:s31+s3] =	stream.linear.scatter [tilespmem:s21], [sflag:$0x4], $0x80, $0x38;
	[tilespmem:$0x16C00] =	vst v63  }
0x227: {  	s21 =	simm.s32 $0x12998;
	s31 =	sadd.s32 $0x30, s18  }
0x228: {  	[hbm4b:s31+s3] =	stream.linear.scatter [tilespmem:s21], [sflag:$0x4], $0x80, $0x38;
	[tilespmem:$0x16C00] =	vst v63  }
0x229: {  	s21 =	simm.s32 $0x12A20;
	s31 =	sadd.s32 $0x40, s18  }
0x22a: {  	[hbm4b:s31+s3] =	stream.linear.scatter [tilespmem:s21], [sflag:$0x4], $0x80, $0x38;
	[tilespmem:$0x16C00] =	vst v63  }
0x22b: {  	s21 =	simm.s32 $0x12AA8;
	s31 =	sadd.s32 $0x50, s18  }
0x22c: {  	[hbm4b:s31+s3] =	stream.linear.scatter [tilespmem:s21], [sflag:$0x4], $0x80, $0x38;
	[tilespmem:$0x16C00] =	vst v63  }
0x22d: {  	s21 =	simm.s32 $0x12B30;
	s31 =	sadd.s32 $0x60, s18  }
0x22e: {  	[hbm4b:s31+s3] =	stream.linear.scatter [tilespmem:s21], [sflag:$0x4], $0x80, $0x38;
	[tilespmem:$0x16C00] =	vst v63  }
0x22f: {  	s21 =	simm.s32 $0x12BB8;
	s31 =	sadd.s32 $0x70, s18  }
0x230: {  	[hbm4b:s31+s3] =	stream.linear.scatter [tilespmem:s21], [sflag:$0x4], $0x80, $0x38;
	[tilespmem:$0x16C00] =	vst v63  }
0x231: {  	s21 =	simm.s32 $0x12C40;
	s31 =	sadd.s32 $0x80, s18  }
0x232: {  	[hbm4b:s31+s3] =	stream.linear.scatter [tilespmem:s21], [sflag:$0x4], $0x80, $0x38;
	[tilespmem:$0x16C00] =	vst v63  }
0x233: {  	s21 =	simm.s32 $0x12CC8;
	s31 =	sadd.s32 $0x90, s18  }
0x234: {  	[hbm4b:s31+s3] =	stream.linear.scatter [tilespmem:s21], [sflag:$0x4], $0x80, $0x38;
	[tilespmem:$0x16C00] =	vst v63  }
0x235: {  	s28 =	simm.s32 $0x880;
	s21 =	simm.s32 $0x12D50;
	s31 =	sadd.s32 $0xA0, s18  }
0x236: {  	[hbm4b:s31+s3] =	stream.linear.scatter [tilespmem:s21], [sflag:$0x4], $0x80, $0x38;
	[tilespmem:$0x16C00] =	vst v63  }
0x237: {  	s29 =	sadd.s32 $0xC8000, s18;
	s21 =	simm.s32 $0x12DD8;
	s31 =	sadd.s32 $0xB0, s18  }
0x238: {  	[hbm4b:s31+s3] =	stream.linear.scatter [tilespmem:s21], [sflag:$0x4], $0x80, $0x38;
	[tilespmem:$0x16C00] =	vst v63  }
0x239: {  	s30 =	sadd.s32 $0xF0, s18;
	s21 =	simm.s32 $0x12E60;
	s31 =	sadd.s32 $0xC0, s18  }
0x23a: {  	[hbm4b:s31+s3] =	stream.linear.scatter [tilespmem:s21], [sflag:$0x4], $0x80, $0x38;
	[tilespmem:$0x16C00] =	vst v63  }
0x23b: {  	s0 =	simm.s32 $0x4400;
	s21 =	simm.s32 $0x12EE8;
	s31 =	sadd.s32 $0xD0, s18  }
0x23c: {  	[hbm4b:s31+s3] =	stream.linear.scatter [tilespmem:s21], [sflag:$0x4], $0x80, $0x38;
	[tilespmem:$0x16C00] =	vst v63  }
0x23d: {  	s1 =	simm.s32 $0x12FF8;
	s21 =	simm.s32 $0x12F70;
	s31 =	sadd.s32 $0xE0, s18  }
0x23e: {  	[hbm4b:s31+s3] =	stream.linear.scatter [tilespmem:s21], [sflag:$0x4], $0x80, $0x38;
	[tilespmem:$0x16C00] =	vst v63  }
.LBB2_19:
0x23f: {  	[hbm4b:s30+s3] =	stream.linear.scatter [tilespmem:s1], [sflag:$0x4], $0x80, $0x38;
	[tilespmem:$0x16C00] =	vst v63  }
0x240: {  	s30 =	smov.u32 s28;
	s1 =	smov.u32 s0  }
0x241: {  	s31 =	sadd.s32 $0x2200, s0;
	s28 =	sshra.s32 s1, $0x2;
	s1 =	sadd.s32 $0x12800, s30  }
0x242: {  	[hbm4b:s29+s3] =	stream.linear.scatter [tilespmem:s1], [sflag:$0x4], $0x80, $0x38;
	[tilespmem:$0x16C00] =	vst v63  }
0x243: {  	p0 =	sne.s32 s0, $0xEE00;
	s0 =	sadd.s32 $0x12888, s30;
	s1 =	sadd.s32 $0x10, s29  }
0x244: {  	[hbm4b:s1+s3] =	stream.linear.scatter [tilespmem:s0], [sflag:$0x4], $0x80, $0x38;
	[tilespmem:$0x16C00] =	vst v63  }
0x245: {  	s0 =	sadd.s32 $0x12910, s30;
	s1 =	sadd.s32 $0x20, s29  }
0x246: {  	[hbm4b:s1+s3] =	stream.linear.scatter [tilespmem:s0], [sflag:$0x4], $0x80, $0x38;
	[tilespmem:$0x16C00] =	vst v63  }
0x247: {  	s0 =	sadd.s32 $0x12998, s30;
	s1 =	sadd.s32 $0x30, s29  }
0x248: {  	[hbm4b:s1+s3] =	stream.linear.scatter [tilespmem:s0], [sflag:$0x4], $0x80, $0x38;
	[tilespmem:$0x16C00] =	vst v63  }
0x249: {  	s0 =	sadd.s32 $0x12A20, s30;
	s1 =	sadd.s32 $0x40, s29  }
0x24a: {  	[hbm4b:s1+s3] =	stream.linear.scatter [tilespmem:s0], [sflag:$0x4], $0x80, $0x38;
	[tilespmem:$0x16C00] =	vst v63  }
0x24b: {  	s0 =	sadd.s32 $0x12AA8, s30;
	s1 =	sadd.s32 $0x50, s29  }
0x24c: {  	[hbm4b:s1+s3] =	stream.linear.scatter [tilespmem:s0], [sflag:$0x4], $0x80, $0x38;
	[tilespmem:$0x16C00] =	vst v63  }
0x24d: {  	s0 =	sadd.s32 $0x12B30, s30;
	s1 =	sadd.s32 $0x60, s29  }
0x24e: {  	[hbm4b:s1+s3] =	stream.linear.scatter [tilespmem:s0], [sflag:$0x4], $0x80, $0x38;
	[tilespmem:$0x16C00] =	vst v63  }
0x24f: {  	s0 =	sadd.s32 $0x12BB8, s30;
	s1 =	sadd.s32 $0x70, s29  }
0x250: {  	[hbm4b:s1+s3] =	stream.linear.scatter [tilespmem:s0], [sflag:$0x4], $0x80, $0x38;
	[tilespmem:$0x16C00] =	vst v63  }
0x251: {  	s0 =	sadd.s32 $0x12C40, s30;
	s1 =	sadd.s32 $0x80, s29  }
0x252: {  	[hbm4b:s1+s3] =	stream.linear.scatter [tilespmem:s0], [sflag:$0x4], $0x80, $0x38;
	[tilespmem:$0x16C00] =	vst v63  }
0x253: {  	s0 =	sadd.s32 $0x12CC8, s30;
	s1 =	sadd.s32 $0x90, s29  }
0x254: {  	[hbm4b:s1+s3] =	stream.linear.scatter [tilespmem:s0], [sflag:$0x4], $0x80, $0x38;
	[tilespmem:$0x16C00] =	vst v63  }
0x255: {  	s0 =	sadd.s32 $0x12D50, s30;
	s1 =	sadd.s32 $0xA0, s29  }
0x256: {  	[hbm4b:s1+s3] =	stream.linear.scatter [tilespmem:s0], [sflag:$0x4], $0x80, $0x38;
	[tilespmem:$0x16C00] =	vst v63  }
0x257: {  	s0 =	sadd.s32 $0x12DD8, s30;
	s1 =	sadd.s32 $0xB0, s29  }
0x258: {  	[hbm4b:s1+s3] =	stream.linear.scatter [tilespmem:s0], [sflag:$0x4], $0x80, $0x38;
	[tilespmem:$0x16C00] =	vst v63  }
0x259: {  	s0 =	sadd.s32 $0x12E60, s30;
	s1 =	sadd.s32 $0xC0, s29  }
0x25a: {  	[hbm4b:s1+s3] =	stream.linear.scatter [tilespmem:s0], [sflag:$0x4], $0x80, $0x38;
	[tilespmem:$0x16C00] =	vst v63  }
0x25b: {  	s0 =	sadd.s32 $0x12EE8, s30;
	s1 =	sadd.s32 $0xD0, s29  }
0x25c: {  	[hbm4b:s1+s3] =	stream.linear.scatter [tilespmem:s0], [sflag:$0x4], $0x80, $0x38;
	[tilespmem:$0x16C00] =	vst v63  }
.Ltmp8:
0x25d: {  	_ = 	snop;
	(pc) =	sbr.rel @p0 .LBB2_19-.Ltmp8, $4  }
0x25e: {  	s0 =	sadd.s32 $0x12F70, s30;
	s1 =	sadd.s32 $0xE0, s29  }
0x25f: {  	[hbm4b:s1+s3] =	stream.linear.scatter [tilespmem:s0], [sflag:$0x4], $0x80, $0x38;
	[tilespmem:$0x16C00] =	vst v63  }
0x260: {  	s1 =	sadd.s32 $0x12FF8, s30  }
0x261: {  	s30 =	sadd.s32 $0xF0, s29;
	s29 =	sadd.s32 $0xC8000, s29;
	s0 =	smov.u32 s31  }
0x262: {  	[hbm4b:s30+s3] =	stream.linear.scatter [tilespmem:s1], [sflag:$0x4], $0x80, $0x38;
	[tilespmem:$0x16C00] =	vst v63  }
0x263: {  	s0 =	sadd.s32 $0x12800, s28  }
0x264: {  	[hbm4b:s29+s3] =	stream.linear.scatter [tilespmem:s0], [sflag:$0x4], $0x80, $0x38;
	[tilespmem:$0x16C00] =	vst v63  }
0x265: {  	s30 =	sadd.s32 $0x12888, s28;
	s31 =	sadd.s32 $0x10, s29  }
0x266: {  	[hbm4b:s31+s3] =	stream.linear.scatter [tilespmem:s30], [sflag:$0x4], $0x80, $0x38;
	[tilespmem:$0x16C00] =	vst v63  }
0x267: {  	s18 =	sadd.s32 $0x12910, s28;
	s21 =	sadd.s32 $0x20, s29  }
0x268: {  	[hbm4b:s21+s3] =	stream.linear.scatter [tilespmem:s18], [sflag:$0x4], $0x80, $0x38;
	[tilespmem:$0x16C00] =	vst v63  }
0x269: {  	s30 =	sadd.s32 $0x12998, s28;
	s31 =	sadd.s32 $0x30, s29  }
0x26a: {  	[hbm4b:s31+s3] =	stream.linear.scatter [tilespmem:s30], [sflag:$0x4], $0x80, $0x38;
	[tilespmem:$0x16C00] =	vst v63  }
0x26b: {  	s18 =	sadd.s32 $0x12A20, s28;
	s21 =	sadd.s32 $0x40, s29  }
0x26c: {  	[hbm4b:s21+s3] =	stream.linear.scatter [tilespmem:s18], [sflag:$0x4], $0x80, $0x38;
	[tilespmem:$0x16C00] =	vst v63  }
0x26d: {  	s30 =	sadd.s32 $0x12AA8, s28;
	s31 =	sadd.s32 $0x50, s29  }
0x26e: {  	[hbm4b:s31+s3] =	stream.linear.scatter [tilespmem:s30], [sflag:$0x4], $0x80, $0x38;
	[tilespmem:$0x16C00] =	vst v63  }
0x26f: {  	s18 =	sadd.s32 $0x12B30, s28;
	s21 =	sadd.s32 $0x60, s29  }
0x270: {  	[hbm4b:s21+s3] =	stream.linear.scatter [tilespmem:s18], [sflag:$0x4], $0x80, $0x38;
	[tilespmem:$0x16C00] =	vst v63  }
0x271: {  	s30 =	sadd.s32 $0x12BB8, s28;
	s31 =	sadd.s32 $0x70, s29  }
0x272: {  	[hbm4b:s31+s3] =	stream.linear.scatter [tilespmem:s30], [sflag:$0x4], $0x80, $0x38;
	[tilespmem:$0x16C00] =	vst v63  }
0x273: {  	s18 =	sadd.s32 $0x12C40, s28;
	s21 =	sadd.s32 $0x80, s29  }
0x274: {  	[hbm4b:s21+s3] =	stream.linear.scatter [tilespmem:s18], [sflag:$0x4], $0x80, $0x38;
	[tilespmem:$0x16C00] =	vst v63  }
0x275: {  	s30 =	sadd.s32 $0x12CC8, s28;
	s31 =	sadd.s32 $0x90, s29  }
0x276: {  	[hbm4b:s31+s3] =	stream.linear.scatter [tilespmem:s30], [sflag:$0x4], $0x80, $0x38;
	[tilespmem:$0x16C00] =	vst v63  }
0x277: {  	s18 =	sadd.s32 $0x12D50, s28;
	s21 =	sadd.s32 $0xA0, s29  }
0x278: {  	[hbm4b:s21+s3] =	stream.linear.scatter [tilespmem:s18], [sflag:$0x4], $0x80, $0x38;
	[tilespmem:$0x16C00] =	vst v63  }
0x279: {  	s30 =	sadd.s32 $0x12DD8, s28;
	s31 =	sadd.s32 $0xB0, s29  }
0x27a: {  	[hbm4b:s31+s3] =	stream.linear.scatter [tilespmem:s30], [sflag:$0x4], $0x80, $0x38;
	[tilespmem:$0x16C00] =	vst v63  }
0x27b: {  	s18 =	sadd.s32 $0x12E60, s28;
	s21 =	sadd.s32 $0xC0, s29  }
0x27c: {  	[hbm4b:s21+s3] =	stream.linear.scatter [tilespmem:s18], [sflag:$0x4], $0x80, $0x38;
	[tilespmem:$0x16C00] =	vst v63  }
0x27d: {  	s25 =	sadd.s32 $0x1, s25;
	s30 =	sadd.s32 $0x12EE8, s28;
	s31 =	sadd.s32 $0xD0, s29  }
0x27e: {  	[hbm4b:s31+s3] =	stream.linear.scatter [tilespmem:s30], [sflag:$0x4], $0x80, $0x38;
	[tilespmem:$0x16C00] =	vst v63  }
0x27f: {  	p0 =	sne.s32 s25, $0x31;
	s18 =	sadd.s32 $0x12F70, s28;
	s21 =	sadd.s32 $0xE0, s29  }
0x280: {  	[hbm4b:s21+s3] =	stream.linear.scatter [tilespmem:s18], [sflag:$0x4], $0x80, $0x38;
	[tilespmem:$0x16C00] =	vst v63  }
.Ltmp9:
0x281: {  	_ = 	snop;
	(pc) =	sbr.rel @p0 .LBB2_12-.Ltmp9, $4  }
0x282: {  	s28 =	sadd.s32 $0x12FF8, s28;
	s30 =	sadd.s32 $0xF0, s29  }
0x283: {  	[hbm4b:s30+s3] =	stream.linear.scatter [tilespmem:s28], [sflag:$0x4], $0x80, $0x38;
	[tilespmem:$0x16C00] =	vst v63  }
0x284: {  	s31 =	sadd.s32 $0x300, s26  }
0x285: {  	[tilespmem:s15], [sflag:$0x2] =	stream.indirect.gather [hbm4b:s5+s13], $0x40, s31, s13, $0xb8;
	[tilespmem:$0x16C00] =	vst v63  }
0x286: {  	s0 =	simm.s32 $0x0  }
0x287: {  	v4 =	vmov s0  }
0x288: {  	_ =	swait.ge [sflag:s16], $0x4000;
	v4 =	vmul.u32 $0x440, v4  }
0x289: {  	s30 =	simm.s32 $0x0;
	[sflag:s16] =	ssyncset.done $0x0  }
0x28a: {  	v5 =	vmov s30;
	[sflag:s16] =	ssyncadd.s32 $0xFFFFC000;
	v4 =	vbroadcast v4, $0x0  }
0x28b: {  	s31 =	simm.s32 $0x0;
	v6 =	vand.u32 $0x78, v5;
	_ =	swait.ge [sflag:s22], $0x4000  }
0x28c: {  	v5 =	vand.u32 $0x7, v5;
	[sflag:s22] =	ssyncset.done $0x0;
	v4 =	vadd.s32 v4, v6;
	v6 =	vmov s31  }
0x28d: {  	s28 =	simm.s32 $0x6420;
	[sflag:s22] =	ssyncadd.s32 $0xFFFFC000;
	v8 =	vor.u32 v5, v4;
	v4 =	vmul.u32 $0x440, v6  }
0x28e: {  	s1 =	simm.s32 $0x1;
	v5 =	vld [tilespmem:s28+$0xFFFFFFE0];
	v6 =	vadd.s32 v0, v8  }
0x28f: {  	v7 =	vmov s1;
	v4 =	vbroadcast v4, $0x0  }
0x290: {  	v9 =	vand.u32 $0x78, v7  }
0x291: {  	s18 =	simm.s32 $0x0;
	v7 =	vand.u32 $0x7, v7;
	v4 =	vadd.s32 v4, v9  }
0x292: {  	s25 =	simm.s32 $0x6460;
	v9 =	vmov s18;
	v4 =	vor.u32 v7, v4  }
0x293: {  	v7 =	vmul.u32 $0x440, v9;
	[tilespmem:v6+s17+$0x0] =	vst.idx.msk $0xffff, v5;
	v6 =	vld [tilespmem:s25+$0xFFFFFFE0];
	v9 =	vadd.s32 v0, v4  }
0x294: {  	s21 =	simm.s32 $0x2  }
0x295: {  	v11 =	vadd.s32 v1, v8;
	v5 =	vmov s21;
	v10 =	vld [tilespmem:s28+$0xFFFFFFF0];
	v7 =	vbroadcast v7, $0x0  }
0x296: {  	s26 =	simm.s32 $0x0;
	v12 =	vand.u32 $0x78, v5  }
0x297: {  	v5 =	vand.u32 $0x7, v5;
	v7 =	vadd.s32 v7, v12;
	v12 =	vmov s26  }
0x298: {  	s26 =	simm.s32 $0x64A0;
	v5 =	vor.u32 v5, v7;
	[tilespmem:v9+s17+$0x0] =	vst.idx.msk $0xffff, v6;
	v6 =	vmul.u32 $0x440, v12  }
0x299: {  	s29 =	simm.s32 $0x3;
	v7 =	vld [tilespmem:s26+$0xFFFFFFE0];
	v9 =	vadd.s32 v0, v5  }
0x29a: {  	v12 =	vmov s29;
	[tilespmem:v11+s17+$0x0] =	vst.idx.msk $0xffff, v10;
	v10 =	vld [tilespmem:s25+$0xFFFFFFF0];
	v11 =	vadd.s32 v1, v4;
	v6 =	vbroadcast v6, $0x0  }
0x29b: {  	v16 =	vadd.s32 v2, v8;
	v13 =	vand.u32 $0x78, v12;
	v15 =	vld [tilespmem:s28+$0x0]  }
0x29c: {  	s30 =	simm.s32 $0x0;
	v12 =	vand.u32 $0x7, v12;
	v6 =	vadd.s32 v6, v13  }
0x29d: {  	s1 =	simm.s32 $0x64E0;
	v13 =	vmov s30;
	v6 =	vor.u32 v12, v6  }
0x29e: {  	[tilespmem:v9+s17+$0x0] =	vst.idx.msk $0xffff, v7;
	v7 =	vmul.u32 $0x440, v13;
	v12 =	vld [tilespmem:s1+$0xFFFFFFE0];
	v14 =	vadd.s32 v0, v6  }
0x29f: {  	s31 =	simm.s32 $0x4;
	v13 =	vadd.s32 v1, v5;
	[tilespmem:v11+s17+$0x0] =	vst.idx.msk $0xffff, v10;
	v11 =	vld [tilespmem:s26+$0xFFFFFFF0]  }
0x2a0: {  	v10 =	vadd.s32 v2, v4;
	[tilespmem:v16+s17+$0x0] =	vst.idx.msk $0xffff, v15;
	v15 =	vmov s31;
	v16 =	vbroadcast v7, $0x0;
	v9 =	vld [tilespmem:s25+$0x0]  }
0x2a1: {  	s0 =	simm.s32 $0x5;
	v8 =	vadd.s32 v3, v8;
	v17 =	vand.u32 $0x78, v15;
	v7 =	vld [tilespmem:s28+$0x10];
	s28 =	simm.s32 $0x64E0  }
.LBB2_22:
0x2a2: {  	s18 =	sshrl.u32 s0, $0x7;
	v15 =	vand.u32 $0x7, v15;
	v16 =	vadd.s32 v16, v17;
	s21 =	smov.u32 s0;
	p0 =	sne.s32 s0, $0xFF  }
.Ltmp10:
0x2a3: {  	s1 =	sadd.s32 $0x40, s1;
	v17 =	vmov s18;
	v18 =	vor.u32 v15, v16;
	[tilespmem:v14+s17+$0x0] =	vst.idx.msk $0xffff, v12;
	(pc) =	sbr.rel @p0 .LBB2_22-.Ltmp10, $4  }
0x2a4: {  	v16 =	vmul.u32 $0x440, v17;
	v12 =	vld [tilespmem:s1+$0xFFFFFFE0];
	v14 =	vadd.s32 v0, v18;
	[tilespmem:v13+s17+$0x0] =	vst.idx.msk $0xffff, v11  }
0x2a5: {  	s0 =	sadd.s32 $0x1, s0;
	v13 =	vadd.s32 v1, v6;
	v11 =	vld [tilespmem:s28+$0xFFFFFFF0];
	[tilespmem:v10+s17+$0x0] =	vst.idx.msk $0xffff, v9  }
0x2a6: {  	v15 =	vmov s21;
	v10 =	vadd.s32 v2, v5;
	v16 =	vbroadcast v16, $0x0;
	v9 =	vld [tilespmem:s26+$0x0];
	[tilespmem:v8+s17+$0x0] =	vst.idx.msk $0xffff, v7  }
0x2a7: {  	v17 =	vand.u32 $0x78, v15;
	v8 =	vadd.s32 v3, v4;
	v4 =	vmovc v5;
	v5 =	vmovc v6;
	v6 =	vmov v18;
	v7 =	vld [tilespmem:s25+$0x10];
	s25 =	smov.u32 s26;
	s26 =	smov.u32 s28;
	s28 =	smov.u32 s1  }
0x2a8: {  	v15 =	vand.u32 $0x7, v15;
	v16 =	vadd.s32 v16, v17  }
0x2a9: {  	s0 =	sadd.s32 $0x40, s1;
	v15 =	vor.u32 v15, v16  }
0x2aa: {  	v52 =	vld [tilespmem:s0+$0xFFFFFFE0];
	v53 =	vadd.s32 v0, v15;
	_ =	sdelay $0x3  }
0x2ab: {  	[tilespmem:v14+s17+$0x0] =	vst.idx.msk $0xffff, v12  }
0x2ac: {  	v54 =	vadd.s32 v1, v6;
	v12 =	vld [tilespmem:s28+$0xFFFFFFF0];
	[tilespmem:v53+s17+$0x0] =	vst.idx.msk $0xffff, v52  }
0x2ad: {  	v55 =	vadd.s32 v1, v15;
	v16 =	vld [tilespmem:s0+$0xFFFFFFF0];
	_ =	sdelay $0x2  }
0x2ae: {  	[tilespmem:v13+s17+$0x0] =	vst.idx.msk $0xffff, v11  }
0x2af: {  	v56 =	vadd.s32 v2, v5;
	v11 =	vld [tilespmem:s26+$0x0];
	[tilespmem:v54+s17+$0x0] =	vst.idx.msk $0xffff, v12  }
0x2b0: {  	v57 =	vadd.s32 v2, v6;
	v12 =	vld [tilespmem:s28+$0x0];
	[tilespmem:v55+s17+$0x0] =	vst.idx.msk $0xffff, v16  }
0x2b1: {  	v58 =	vadd.s32 v2, v15;
	v16 =	vld [tilespmem:s0+$0x0];
	_ =	sdelay $0x1  }
0x2b2: {  	[tilespmem:v10+s17+$0x0] =	vst.idx.msk $0xffff, v9  }
0x2b3: {  	v4 =	vadd.s32 v3, v4;
	v9 =	vld [tilespmem:s25+$0x10];
	[tilespmem:v56+s17+$0x0] =	vst.idx.msk $0xffff, v11  }
0x2b4: {  	v5 =	vadd.s32 v3, v5;
	v59 =	vld [tilespmem:s26+$0x10];
	[tilespmem:v57+s17+$0x0] =	vst.idx.msk $0xffff, v12  }
0x2b5: {  	v61 =	vadd.s32 v3, v6;
	v60 =	vld [tilespmem:s28+$0x10];
	[tilespmem:v58+s17+$0x0] =	vst.idx.msk $0xffff, v16  }
0x2b6: {  	v63 =	vadd.s32 v3, v15;
	v62 =	vld [tilespmem:s0+$0x10]  }
0x2b7: {  	[tilespmem:v8+s17+$0x0] =	vst.idx.msk $0xffff, v7  }
0x2b8: {  	[tilespmem:v4+s17+$0x0] =	vst.idx.msk $0xffff, v9  }
0x2b9: {  	[tilespmem:v5+s17+$0x0] =	vst.idx.msk $0xffff, v59  }
0x2ba: {  	[tilespmem:v61+s17+$0x0] =	vst.idx.msk $0xffff, v60  }
0x2bb: {  	s25 =	simm.s32 $0xE400;
	[tilespmem:v63+s17+$0x0] =	vst.idx.msk $0xffff, v62  }
0x2bc: {  	[hbm4b:s9+s3] =	stream.linear.scatter [tilespmem:s25], [sflag:$0x3], $0x80, $0x38;
	[tilespmem:$0x16C00] =	vst v63  }
0x2bd: {  	s29 =	sadd.s32 $0x10, s9;
	s26 =	simm.s32 $0xE488  }
0x2be: {  	[hbm4b:s29+s3] =	stream.linear.scatter [tilespmem:s26], [sflag:$0x3], $0x80, $0x38;
	[tilespmem:$0x16C00] =	vst v63  }
0x2bf: {  	s30 =	simm.s32 $0xE510;
	s31 =	sadd.s32 $0x20, s9  }
0x2c0: {  	[hbm4b:s31+s3] =	stream.linear.scatter [tilespmem:s30], [sflag:$0x3], $0x80, $0x38;
	[tilespmem:$0x16C00] =	vst v63  }
0x2c1: {  	s1 =	simm.s32 $0xE598;
	s18 =	sadd.s32 $0x30, s9  }
0x2c2: {  	[hbm4b:s18+s3] =	stream.linear.scatter [tilespmem:s1], [sflag:$0x3], $0x80, $0x38;
	[tilespmem:$0x16C00] =	vst v63  }
0x2c3: {  	s21 =	simm.s32 $0xE620;
	s25 =	sadd.s32 $0x40, s9  }
0x2c4: {  	[hbm4b:s25+s3] =	stream.linear.scatter [tilespmem:s21], [sflag:$0x3], $0x80, $0x38;
	[tilespmem:$0x16C00] =	vst v63  }
0x2c5: {  	s26 =	simm.s32 $0xE6A8;
	s29 =	sadd.s32 $0x50, s9  }
0x2c6: {  	[hbm4b:s29+s3] =	stream.linear.scatter [tilespmem:s26], [sflag:$0x3], $0x80, $0x38;
	[tilespmem:$0x16C00] =	vst v63  }
0x2c7: {  	s30 =	simm.s32 $0xE730;
	s31 =	sadd.s32 $0x60, s9  }
0x2c8: {  	[hbm4b:s31+s3] =	stream.linear.scatter [tilespmem:s30], [sflag:$0x3], $0x80, $0x38;
	[tilespmem:$0x16C00] =	vst v63  }
0x2c9: {  	s1 =	simm.s32 $0xE7B8;
	s18 =	sadd.s32 $0x70, s9  }
0x2ca: {  	[hbm4b:s18+s3] =	stream.linear.scatter [tilespmem:s1], [sflag:$0x3], $0x80, $0x38;
	[tilespmem:$0x16C00] =	vst v63  }
0x2cb: {  	s21 =	simm.s32 $0xE840;
	s25 =	sadd.s32 $0x80, s9  }
0x2cc: {  	[hbm4b:s25+s3] =	stream.linear.scatter [tilespmem:s21], [sflag:$0x3], $0x80, $0x38;
	[tilespmem:$0x16C00] =	vst v63  }
0x2cd: {  	s26 =	simm.s32 $0xE8C8;
	s29 =	sadd.s32 $0x90, s9  }
0x2ce: {  	[hbm4b:s29+s3] =	stream.linear.scatter [tilespmem:s26], [sflag:$0x3], $0x80, $0x38;
	[tilespmem:$0x16C00] =	vst v63  }
0x2cf: {  	s28 =	sadd.s32 $0xF0, s9;
	s30 =	simm.s32 $0xE950;
	s31 =	sadd.s32 $0xA0, s9  }
0x2d0: {  	[hbm4b:s31+s3] =	stream.linear.scatter [tilespmem:s30], [sflag:$0x3], $0x80, $0x38;
	[tilespmem:$0x16C00] =	vst v63  }
0x2d1: {  	s0 =	simm.s32 $0x4400;
	s1 =	simm.s32 $0xE9D8;
	s18 =	sadd.s32 $0xB0, s9  }
0x2d2: {  	[hbm4b:s18+s3] =	stream.linear.scatter [tilespmem:s1], [sflag:$0x3], $0x80, $0x38;
	[tilespmem:$0x16C00] =	vst v63  }
0x2d3: {  	s21 =	simm.s32 $0xEA60;
	s25 =	sadd.s32 $0xC0, s9;
	s26 =	simm.s32 $0xEAE8  }
0x2d4: {  	[hbm4b:s25+s3] =	stream.linear.scatter [tilespmem:s21], [sflag:$0x3], $0x80, $0x38;
	[tilespmem:$0x16C00] =	vst v63  }
0x2d5: {  	s29 =	sadd.s32 $0xD0, s9;
	s30 =	simm.s32 $0xEB70;
	s31 =	sadd.s32 $0xE0, s9  }
0x2d6: {  	[hbm4b:s29+s3] =	stream.linear.scatter [tilespmem:s26], [sflag:$0x3], $0x80, $0x38;
	[tilespmem:$0x16C00] =	vst v63  }
0x2d7: {  	s1 =	simm.s32 $0xEBF8;
	s25 =	simm.s32 $0x880;
	s26 =	sadd.s32 $0xC8000, s9  }
0x2d8: {  	[hbm4b:s31+s3] =	stream.linear.scatter [tilespmem:s30], [sflag:$0x3], $0x80, $0x38;
	[tilespmem:$0x16C00] =	vst v63  }
.LBB2_24:
0x2d9: {  	[hbm4b:s28+s3] =	stream.linear.scatter [tilespmem:s1], [sflag:$0x3], $0x80, $0x38;
	[tilespmem:$0x16C00] =	vst v63  }
0x2da: {  	s28 =	smov.u32 s25;
	s1 =	smov.u32 s0  }
0x2db: {  	s29 =	sadd.s32 $0x2200, s0;
	s25 =	sshra.s32 s1, $0x2;
	s1 =	sadd.s32 $0xE400, s28  }
0x2dc: {  	[hbm4b:s26+s3] =	stream.linear.scatter [tilespmem:s1], [sflag:$0x3], $0x80, $0x38;
	[tilespmem:$0x16C00] =	vst v63  }
0x2dd: {  	p0 =	sne.s32 s0, $0xEE00;
	s0 =	sadd.s32 $0xE488, s28;
	s1 =	sadd.s32 $0x10, s26  }
0x2de: {  	[hbm4b:s1+s3] =	stream.linear.scatter [tilespmem:s0], [sflag:$0x3], $0x80, $0x38;
	[tilespmem:$0x16C00] =	vst v63  }
0x2df: {  	s0 =	sadd.s32 $0xE510, s28;
	s1 =	sadd.s32 $0x20, s26  }
0x2e0: {  	[hbm4b:s1+s3] =	stream.linear.scatter [tilespmem:s0], [sflag:$0x3], $0x80, $0x38;
	[tilespmem:$0x16C00] =	vst v63  }
0x2e1: {  	s0 =	sadd.s32 $0xE598, s28;
	s1 =	sadd.s32 $0x30, s26  }
0x2e2: {  	[hbm4b:s1+s3] =	stream.linear.scatter [tilespmem:s0], [sflag:$0x3], $0x80, $0x38;
	[tilespmem:$0x16C00] =	vst v63  }
0x2e3: {  	s0 =	sadd.s32 $0xE620, s28;
	s1 =	sadd.s32 $0x40, s26  }
0x2e4: {  	[hbm4b:s1+s3] =	stream.linear.scatter [tilespmem:s0], [sflag:$0x3], $0x80, $0x38;
	[tilespmem:$0x16C00] =	vst v63  }
0x2e5: {  	s0 =	sadd.s32 $0xE6A8, s28;
	s1 =	sadd.s32 $0x50, s26  }
0x2e6: {  	[hbm4b:s1+s3] =	stream.linear.scatter [tilespmem:s0], [sflag:$0x3], $0x80, $0x38;
	[tilespmem:$0x16C00] =	vst v63  }
0x2e7: {  	s0 =	sadd.s32 $0xE730, s28;
	s1 =	sadd.s32 $0x60, s26  }
0x2e8: {  	[hbm4b:s1+s3] =	stream.linear.scatter [tilespmem:s0], [sflag:$0x3], $0x80, $0x38;
	[tilespmem:$0x16C00] =	vst v63  }
0x2e9: {  	s0 =	sadd.s32 $0xE7B8, s28;
	s1 =	sadd.s32 $0x70, s26  }
0x2ea: {  	[hbm4b:s1+s3] =	stream.linear.scatter [tilespmem:s0], [sflag:$0x3], $0x80, $0x38;
	[tilespmem:$0x16C00] =	vst v63  }
0x2eb: {  	s0 =	sadd.s32 $0xE840, s28;
	s1 =	sadd.s32 $0x80, s26  }
0x2ec: {  	[hbm4b:s1+s3] =	stream.linear.scatter [tilespmem:s0], [sflag:$0x3], $0x80, $0x38;
	[tilespmem:$0x16C00] =	vst v63  }
0x2ed: {  	s0 =	sadd.s32 $0xE8C8, s28;
	s1 =	sadd.s32 $0x90, s26  }
0x2ee: {  	[hbm4b:s1+s3] =	stream.linear.scatter [tilespmem:s0], [sflag:$0x3], $0x80, $0x38;
	[tilespmem:$0x16C00] =	vst v63  }
0x2ef: {  	s0 =	sadd.s32 $0xE950, s28;
	s1 =	sadd.s32 $0xA0, s26  }
0x2f0: {  	[hbm4b:s1+s3] =	stream.linear.scatter [tilespmem:s0], [sflag:$0x3], $0x80, $0x38;
	[tilespmem:$0x16C00] =	vst v63  }
0x2f1: {  	s0 =	sadd.s32 $0xE9D8, s28;
	s1 =	sadd.s32 $0xB0, s26  }
0x2f2: {  	[hbm4b:s1+s3] =	stream.linear.scatter [tilespmem:s0], [sflag:$0x3], $0x80, $0x38;
	[tilespmem:$0x16C00] =	vst v63  }
0x2f3: {  	s0 =	sadd.s32 $0xEA60, s28;
	s1 =	sadd.s32 $0xC0, s26  }
0x2f4: {  	[hbm4b:s1+s3] =	stream.linear.scatter [tilespmem:s0], [sflag:$0x3], $0x80, $0x38;
	[tilespmem:$0x16C00] =	vst v63  }
0x2f5: {  	s0 =	sadd.s32 $0xEAE8, s28;
	s1 =	sadd.s32 $0xD0, s26  }
0x2f6: {  	[hbm4b:s1+s3] =	stream.linear.scatter [tilespmem:s0], [sflag:$0x3], $0x80, $0x38;
	[tilespmem:$0x16C00] =	vst v63  }
.Ltmp11:
0x2f7: {  	_ = 	snop;
	(pc) =	sbr.rel @p0 .LBB2_24-.Ltmp11, $4  }
0x2f8: {  	s0 =	sadd.s32 $0xEB70, s28;
	s1 =	sadd.s32 $0xE0, s26  }
0x2f9: {  	[hbm4b:s1+s3] =	stream.linear.scatter [tilespmem:s0], [sflag:$0x3], $0x80, $0x38;
	[tilespmem:$0x16C00] =	vst v63  }
0x2fa: {  	s1 =	sadd.s32 $0xEBF8, s28  }
0x2fb: {  	s28 =	sadd.s32 $0xF0, s26;
	s26 =	sadd.s32 $0xC8000, s26;
	s0 =	smov.u32 s29  }
0x2fc: {  	[hbm4b:s28+s3] =	stream.linear.scatter [tilespmem:s1], [sflag:$0x3], $0x80, $0x38;
	[tilespmem:$0x16C00] =	vst v63  }
0x2fd: {  	s0 =	sadd.s32 $0xE400, s25  }
0x2fe: {  	[hbm4b:s26+s3] =	stream.linear.scatter [tilespmem:s0], [sflag:$0x3], $0x80, $0x38;
	[tilespmem:$0x16C00] =	vst v63  }
0x2ff: {  	s30 =	sadd.s32 $0xE488, s25;
	s31 =	sadd.s32 $0x10, s26  }
0x300: {  	[hbm4b:s31+s3] =	stream.linear.scatter [tilespmem:s30], [sflag:$0x3], $0x80, $0x38;
	[tilespmem:$0x16C00] =	vst v63  }
0x301: {  	s1 =	sadd.s32 $0xE510, s25;
	s18 =	sadd.s32 $0x20, s26  }
0x302: {  	[hbm4b:s18+s3] =	stream.linear.scatter [tilespmem:s1], [sflag:$0x3], $0x80, $0x38;
	[tilespmem:$0x16C00] =	vst v63  }
0x303: {  	s21 =	sadd.s32 $0xE598, s25;
	s29 =	sadd.s32 $0x30, s26  }
0x304: {  	[hbm4b:s29+s3] =	stream.linear.scatter [tilespmem:s21], [sflag:$0x3], $0x80, $0x38;
	[tilespmem:$0x16C00] =	vst v63  }
0x305: {  	s30 =	sadd.s32 $0xE620, s25;
	s31 =	sadd.s32 $0x40, s26  }
0x306: {  	[hbm4b:s31+s3] =	stream.linear.scatter [tilespmem:s30], [sflag:$0x3], $0x80, $0x38;
	[tilespmem:$0x16C00] =	vst v63  }
0x307: {  	s1 =	sadd.s32 $0xE6A8, s25;
	s18 =	sadd.s32 $0x50, s26  }
0x308: {  	[hbm4b:s18+s3] =	stream.linear.scatter [tilespmem:s1], [sflag:$0x3], $0x80, $0x38;
	[tilespmem:$0x16C00] =	vst v63  }
0x309: {  	s21 =	sadd.s32 $0xE730, s25;
	s29 =	sadd.s32 $0x60, s26  }
0x30a: {  	[hbm4b:s29+s3] =	stream.linear.scatter [tilespmem:s21], [sflag:$0x3], $0x80, $0x38;
	[tilespmem:$0x16C00] =	vst v63  }
0x30b: {  	s30 =	sadd.s32 $0xE7B8, s25;
	s31 =	sadd.s32 $0x70, s26  }
0x30c: {  	[hbm4b:s31+s3] =	stream.linear.scatter [tilespmem:s30], [sflag:$0x3], $0x80, $0x38;
	[tilespmem:$0x16C00] =	vst v63  }
0x30d: {  	s1 =	sadd.s32 $0xE840, s25;
	s18 =	sadd.s32 $0x80, s26  }
0x30e: {  	[hbm4b:s18+s3] =	stream.linear.scatter [tilespmem:s1], [sflag:$0x3], $0x80, $0x38;
	[tilespmem:$0x16C00] =	vst v63  }
0x30f: {  	s21 =	sadd.s32 $0xE8C8, s25;
	s29 =	sadd.s32 $0x90, s26  }
0x310: {  	[hbm4b:s29+s3] =	stream.linear.scatter [tilespmem:s21], [sflag:$0x3], $0x80, $0x38;
	[tilespmem:$0x16C00] =	vst v63  }
0x311: {  	s30 =	sadd.s32 $0xE950, s25;
	s31 =	sadd.s32 $0xA0, s26  }
0x312: {  	[hbm4b:s31+s3] =	stream.linear.scatter [tilespmem:s30], [sflag:$0x3], $0x80, $0x38;
	[tilespmem:$0x16C00] =	vst v63  }
0x313: {  	s1 =	sadd.s32 $0xE9D8, s25;
	s18 =	sadd.s32 $0xB0, s26  }
0x314: {  	[hbm4b:s18+s3] =	stream.linear.scatter [tilespmem:s1], [sflag:$0x3], $0x80, $0x38;
	[tilespmem:$0x16C00] =	vst v63  }
0x315: {  	s21 =	sadd.s32 $0xEA60, s25;
	s29 =	sadd.s32 $0xC0, s26  }
0x316: {  	[hbm4b:s29+s3] =	stream.linear.scatter [tilespmem:s21], [sflag:$0x3], $0x80, $0x38;
	[tilespmem:$0x16C00] =	vst v63  }
0x317: {  	s30 =	sadd.s32 $0xEAE8, s25;
	s31 =	sadd.s32 $0xD0, s26  }
0x318: {  	[hbm4b:s31+s3] =	stream.linear.scatter [tilespmem:s30], [sflag:$0x3], $0x80, $0x38;
	[tilespmem:$0x16C00] =	vst v63  }
0x319: {  	s18 =	sadd.s32 $0xEB70, s25;
	s21 =	sadd.s32 $0xE0, s26  }
0x31a: {  	[hbm4b:s21+s3] =	stream.linear.scatter [tilespmem:s18], [sflag:$0x3], $0x80, $0x38;
	[tilespmem:$0x16C00] =	vst v63  }
0x31b: {  	s25 =	sadd.s32 $0xEBF8, s25;
	s29 =	sadd.s32 $0xF0, s26;
	s18 =	simm.s32 $0x0  }
0x31c: {  	v4 =	vmov s18;
	[hbm4b:s29+s3] =	stream.linear.scatter [tilespmem:s25], [sflag:$0x3], $0x80, $0x38;
	[tilespmem:$0x16C00] =	vst v63  }
0x31d: {  	v4 =	vmul.u32 $0x440, v4;
	_ =	swait.ge [sflag:s19], $0x4000  }
0x31e: {  	s30 =	simm.s32 $0x0;
	[sflag:s19] =	ssyncset.done $0x0  }
0x31f: {  	v5 =	vmov s30;
	v4 =	vbroadcast v4, $0x0;
	[sflag:s19] =	ssyncadd.s32 $0xFFFFC000  }
0x320: {  	s31 =	simm.s32 $0x0;
	v6 =	vand.u32 $0x78, v5;
	_ =	swait.ge [sflag:s23], $0x4000  }
0x321: {  	v5 =	vand.u32 $0x7, v5;
	v4 =	vadd.s32 v4, v6;
	v6 =	vmov s31;
	[sflag:s23] =	ssyncset.done $0x0  }
0x322: {  	s28 =	simm.s32 $0xA420;
	v8 =	vor.u32 v5, v4;
	v4 =	vmul.u32 $0x440, v6;
	[sflag:s23] =	ssyncadd.s32 $0xFFFFC000  }
0x323: {  	s1 =	simm.s32 $0x1;
	v6 =	vadd.s32 v0, v8;
	v5 =	vld [tilespmem:s28+$0xFFFFFFE0]  }
0x324: {  	v7 =	vmov s1;
	v4 =	vbroadcast v4, $0x0  }
0x325: {  	v9 =	vand.u32 $0x78, v7  }
0x326: {  	v7 =	vand.u32 $0x7, v7;
	s18 =	simm.s32 $0x0;
	v4 =	vadd.s32 v4, v9  }
0x327: {  	s25 =	simm.s32 $0xA460;
	v9 =	vmov s18;
	v4 =	vor.u32 v7, v4  }
0x328: {  	v7 =	vmul.u32 $0x440, v9;
	v9 =	vadd.s32 v0, v4;
	[tilespmem:v6+s20+$0x0] =	vst.idx.msk $0xffff, v5;
	v6 =	vld [tilespmem:s25+$0xFFFFFFE0]  }
0x329: {  	s21 =	simm.s32 $0x2  }
0x32a: {  	v11 =	vadd.s32 v1, v8;
	v5 =	vmov s21;
	v7 =	vbroadcast v7, $0x0;
	v10 =	vld [tilespmem:s28+$0xFFFFFFF0]  }
0x32b: {  	s26 =	simm.s32 $0x0;
	v12 =	vand.u32 $0x78, v5  }
0x32c: {  	v5 =	vand.u32 $0x7, v5;
	v7 =	vadd.s32 v7, v12;
	v12 =	vmov s26  }
0x32d: {  	s26 =	simm.s32 $0xA4A0;
	v5 =	vor.u32 v5, v7;
	[tilespmem:v9+s20+$0x0] =	vst.idx.msk $0xffff, v6;
	v6 =	vmul.u32 $0x440, v12  }
0x32e: {  	s29 =	simm.s32 $0x3;
	v7 =	vld [tilespmem:s26+$0xFFFFFFE0];
	v9 =	vadd.s32 v0, v5  }
0x32f: {  	v12 =	vmov s29;
	[tilespmem:v11+s20+$0x0] =	vst.idx.msk $0xffff, v10;
	v10 =	vld [tilespmem:s25+$0xFFFFFFF0];
	v11 =	vadd.s32 v1, v4;
	v6 =	vbroadcast v6, $0x0  }
0x330: {  	v16 =	vadd.s32 v2, v8;
	v13 =	vand.u32 $0x78, v12;
	v15 =	vld [tilespmem:s28+$0x0]  }
0x331: {  	s30 =	simm.s32 $0x0;
	v12 =	vand.u32 $0x7, v12;
	v6 =	vadd.s32 v6, v13  }
0x332: {  	s1 =	simm.s32 $0xA4E0;
	v13 =	vmov s30;
	v6 =	vor.u32 v12, v6  }
0x333: {  	[tilespmem:v9+s20+$0x0] =	vst.idx.msk $0xffff, v7;
	v7 =	vmul.u32 $0x440, v13;
	v12 =	vld [tilespmem:s1+$0xFFFFFFE0];
	v14 =	vadd.s32 v0, v6  }
0x334: {  	s31 =	simm.s32 $0x4;
	v13 =	vadd.s32 v1, v5;
	[tilespmem:v11+s20+$0x0] =	vst.idx.msk $0xffff, v10;
	v11 =	vld [tilespmem:s26+$0xFFFFFFF0]  }
0x335: {  	v10 =	vadd.s32 v2, v4;
	[tilespmem:v16+s20+$0x0] =	vst.idx.msk $0xffff, v15;
	v15 =	vmov s31;
	v16 =	vbroadcast v7, $0x0;
	v9 =	vld [tilespmem:s25+$0x0]  }
0x336: {  	s0 =	simm.s32 $0x5;
	v8 =	vadd.s32 v3, v8;
	v17 =	vand.u32 $0x78, v15;
	v7 =	vld [tilespmem:s28+$0x10];
	s28 =	simm.s32 $0xA4E0  }
.LBB2_26:
0x337: {  	s18 =	sshrl.u32 s0, $0x7;
	v15 =	vand.u32 $0x7, v15;
	v16 =	vadd.s32 v16, v17;
	s21 =	smov.u32 s0;
	p0 =	sne.s32 s0, $0xFF  }
.Ltmp12:
0x338: {  	s1 =	sadd.s32 $0x40, s1;
	v17 =	vmov s18;
	v18 =	vor.u32 v15, v16;
	[tilespmem:v14+s20+$0x0] =	vst.idx.msk $0xffff, v12;
	(pc) =	sbr.rel @p0 .LBB2_26-.Ltmp12, $4  }
0x339: {  	v16 =	vmul.u32 $0x440, v17;
	v12 =	vld [tilespmem:s1+$0xFFFFFFE0];
	v14 =	vadd.s32 v0, v18;
	[tilespmem:v13+s20+$0x0] =	vst.idx.msk $0xffff, v11  }
0x33a: {  	s0 =	sadd.s32 $0x1, s0;
	v13 =	vadd.s32 v1, v6;
	v11 =	vld [tilespmem:s28+$0xFFFFFFF0];
	[tilespmem:v10+s20+$0x0] =	vst.idx.msk $0xffff, v9  }
0x33b: {  	v15 =	vmov s21;
	v10 =	vadd.s32 v2, v5;
	v16 =	vbroadcast v16, $0x0;
	v9 =	vld [tilespmem:s26+$0x0];
	[tilespmem:v8+s20+$0x0] =	vst.idx.msk $0xffff, v7  }
0x33c: {  	v17 =	vand.u32 $0x78, v15;
	v8 =	vadd.s32 v3, v4;
	v4 =	vmovc v5;
	v5 =	vmovc v6;
	v6 =	vmov v18;
	v7 =	vld [tilespmem:s25+$0x10];
	s25 =	smov.u32 s26;
	s26 =	smov.u32 s28;
	s28 =	smov.u32 s1  }
0x33d: {  	v15 =	vand.u32 $0x7, v15;
	v16 =	vadd.s32 v16, v17  }
0x33e: {  	s0 =	sadd.s32 $0x40, s1;
	v15 =	vor.u32 v15, v16  }
0x33f: {  	v52 =	vld [tilespmem:s0+$0xFFFFFFE0];
	v53 =	vadd.s32 v0, v15;
	_ =	sdelay $0x3  }
0x340: {  	[tilespmem:v14+s20+$0x0] =	vst.idx.msk $0xffff, v12  }
0x341: {  	v54 =	vadd.s32 v1, v6;
	v12 =	vld [tilespmem:s28+$0xFFFFFFF0];
	[tilespmem:v53+s20+$0x0] =	vst.idx.msk $0xffff, v52  }
0x342: {  	v55 =	vadd.s32 v1, v15;
	v16 =	vld [tilespmem:s0+$0xFFFFFFF0];
	_ =	sdelay $0x2  }
0x343: {  	[tilespmem:v13+s20+$0x0] =	vst.idx.msk $0xffff, v11  }
0x344: {  	v56 =	vadd.s32 v2, v5;
	v11 =	vld [tilespmem:s26+$0x0];
	[tilespmem:v54+s20+$0x0] =	vst.idx.msk $0xffff, v12  }
0x345: {  	v57 =	vadd.s32 v2, v6;
	v12 =	vld [tilespmem:s28+$0x0];
	[tilespmem:v55+s20+$0x0] =	vst.idx.msk $0xffff, v16  }
0x346: {  	v58 =	vadd.s32 v2, v15;
	v16 =	vld [tilespmem:s0+$0x0];
	_ =	sdelay $0x1  }
0x347: {  	[tilespmem:v10+s20+$0x0] =	vst.idx.msk $0xffff, v9  }
0x348: {  	v4 =	vadd.s32 v3, v4;
	v9 =	vld [tilespmem:s25+$0x10];
	[tilespmem:v56+s20+$0x0] =	vst.idx.msk $0xffff, v11  }
0x349: {  	v5 =	vadd.s32 v3, v5;
	v59 =	vld [tilespmem:s26+$0x10];
	[tilespmem:v57+s20+$0x0] =	vst.idx.msk $0xffff, v12  }
0x34a: {  	v61 =	vadd.s32 v3, v6;
	v60 =	vld [tilespmem:s28+$0x10];
	[tilespmem:v58+s20+$0x0] =	vst.idx.msk $0xffff, v16  }
0x34b: {  	v63 =	vadd.s32 v3, v15;
	v62 =	vld [tilespmem:s0+$0x10]  }
0x34c: {  	[tilespmem:v8+s20+$0x0] =	vst.idx.msk $0xffff, v7  }
0x34d: {  	[tilespmem:v4+s20+$0x0] =	vst.idx.msk $0xffff, v9  }
0x34e: {  	[tilespmem:v5+s20+$0x0] =	vst.idx.msk $0xffff, v59  }
0x34f: {  	[tilespmem:v61+s20+$0x0] =	vst.idx.msk $0xffff, v60  }
0x350: {  	s25 =	simm.s32 $0x12800;
	[tilespmem:v63+s20+$0x0] =	vst.idx.msk $0xffff, v62  }
0x351: {  	[hbm4b:s10+s3] =	stream.linear.scatter [tilespmem:s25], [sflag:$0x4], $0x80, $0x38;
	[tilespmem:$0x16C00] =	vst v63  }
0x352: {  	s29 =	sadd.s32 $0x10, s10;
	s26 =	simm.s32 $0x12888  }
0x353: {  	[hbm4b:s29+s3] =	stream.linear.scatter [tilespmem:s26], [sflag:$0x4], $0x80, $0x38;
	[tilespmem:$0x16C00] =	vst v63  }
0x354: {  	s30 =	simm.s32 $0x12910;
	s31 =	sadd.s32 $0x20, s10  }
0x355: {  	[hbm4b:s31+s3] =	stream.linear.scatter [tilespmem:s30], [sflag:$0x4], $0x80, $0x38;
	[tilespmem:$0x16C00] =	vst v63  }
0x356: {  	s1 =	simm.s32 $0x12998;
	s18 =	sadd.s32 $0x30, s10  }
0x357: {  	[hbm4b:s18+s3] =	stream.linear.scatter [tilespmem:s1], [sflag:$0x4], $0x80, $0x38;
	[tilespmem:$0x16C00] =	vst v63  }
0x358: {  	s21 =	simm.s32 $0x12A20;
	s25 =	sadd.s32 $0x40, s10  }
0x359: {  	[hbm4b:s25+s3] =	stream.linear.scatter [tilespmem:s21], [sflag:$0x4], $0x80, $0x38;
	[tilespmem:$0x16C00] =	vst v63  }
0x35a: {  	s26 =	simm.s32 $0x12AA8;
	s29 =	sadd.s32 $0x50, s10  }
0x35b: {  	[hbm4b:s29+s3] =	stream.linear.scatter [tilespmem:s26], [sflag:$0x4], $0x80, $0x38;
	[tilespmem:$0x16C00] =	vst v63  }
0x35c: {  	s30 =	simm.s32 $0x12B30;
	s31 =	sadd.s32 $0x60, s10  }
0x35d: {  	[hbm4b:s31+s3] =	stream.linear.scatter [tilespmem:s30], [sflag:$0x4], $0x80, $0x38;
	[tilespmem:$0x16C00] =	vst v63  }
0x35e: {  	s1 =	simm.s32 $0x12BB8;
	s18 =	sadd.s32 $0x70, s10  }
0x35f: {  	[hbm4b:s18+s3] =	stream.linear.scatter [tilespmem:s1], [sflag:$0x4], $0x80, $0x38;
	[tilespmem:$0x16C00] =	vst v63  }
0x360: {  	s21 =	simm.s32 $0x12C40;
	s25 =	sadd.s32 $0x80, s10  }
0x361: {  	[hbm4b:s25+s3] =	stream.linear.scatter [tilespmem:s21], [sflag:$0x4], $0x80, $0x38;
	[tilespmem:$0x16C00] =	vst v63  }
0x362: {  	s26 =	simm.s32 $0x12CC8;
	s29 =	sadd.s32 $0x90, s10  }
0x363: {  	[hbm4b:s29+s3] =	stream.linear.scatter [tilespmem:s26], [sflag:$0x4], $0x80, $0x38;
	[tilespmem:$0x16C00] =	vst v63  }
0x364: {  	s28 =	sadd.s32 $0xF0, s10;
	s30 =	simm.s32 $0x12D50;
	s31 =	sadd.s32 $0xA0, s10  }
0x365: {  	[hbm4b:s31+s3] =	stream.linear.scatter [tilespmem:s30], [sflag:$0x4], $0x80, $0x38;
	[tilespmem:$0x16C00] =	vst v63  }
0x366: {  	s0 =	simm.s32 $0x4400;
	s1 =	simm.s32 $0x12DD8;
	s18 =	sadd.s32 $0xB0, s10  }
0x367: {  	[hbm4b:s18+s3] =	stream.linear.scatter [tilespmem:s1], [sflag:$0x4], $0x80, $0x38;
	[tilespmem:$0x16C00] =	vst v63  }
0x368: {  	s21 =	simm.s32 $0x12E60;
	s25 =	sadd.s32 $0xC0, s10;
	s26 =	simm.s32 $0x12EE8  }
0x369: {  	[hbm4b:s25+s3] =	stream.linear.scatter [tilespmem:s21], [sflag:$0x4], $0x80, $0x38;
	[tilespmem:$0x16C00] =	vst v63  }
0x36a: {  	s29 =	sadd.s32 $0xD0, s10;
	s30 =	simm.s32 $0x12F70;
	s31 =	sadd.s32 $0xE0, s10  }
0x36b: {  	[hbm4b:s29+s3] =	stream.linear.scatter [tilespmem:s26], [sflag:$0x4], $0x80, $0x38;
	[tilespmem:$0x16C00] =	vst v63  }
0x36c: {  	s1 =	simm.s32 $0x12FF8;
	s25 =	simm.s32 $0x880;
	s26 =	sadd.s32 $0xC8000, s10  }
0x36d: {  	[hbm4b:s31+s3] =	stream.linear.scatter [tilespmem:s30], [sflag:$0x4], $0x80, $0x38;
	[tilespmem:$0x16C00] =	vst v63  }
.LBB2_28:
0x36e: {  	[hbm4b:s28+s3] =	stream.linear.scatter [tilespmem:s1], [sflag:$0x4], $0x80, $0x38;
	[tilespmem:$0x16C00] =	vst v63  }
0x36f: {  	s28 =	smov.u32 s25;
	s1 =	smov.u32 s0  }
0x370: {  	s29 =	sadd.s32 $0x2200, s0;
	s25 =	sshra.s32 s1, $0x2;
	s1 =	sadd.s32 $0x12800, s28  }
0x371: {  	[hbm4b:s26+s3] =	stream.linear.scatter [tilespmem:s1], [sflag:$0x4], $0x80, $0x38;
	[tilespmem:$0x16C00] =	vst v63  }
0x372: {  	p0 =	sne.s32 s0, $0xEE00;
	s0 =	sadd.s32 $0x12888, s28;
	s1 =	sadd.s32 $0x10, s26  }
0x373: {  	[hbm4b:s1+s3] =	stream.linear.scatter [tilespmem:s0], [sflag:$0x4], $0x80, $0x38;
	[tilespmem:$0x16C00] =	vst v63  }
0x374: {  	s0 =	sadd.s32 $0x12910, s28;
	s1 =	sadd.s32 $0x20, s26  }
0x375: {  	[hbm4b:s1+s3] =	stream.linear.scatter [tilespmem:s0], [sflag:$0x4], $0x80, $0x38;
	[tilespmem:$0x16C00] =	vst v63  }
0x376: {  	s0 =	sadd.s32 $0x12998, s28;
	s1 =	sadd.s32 $0x30, s26  }
0x377: {  	[hbm4b:s1+s3] =	stream.linear.scatter [tilespmem:s0], [sflag:$0x4], $0x80, $0x38;
	[tilespmem:$0x16C00] =	vst v63  }
0x378: {  	s0 =	sadd.s32 $0x12A20, s28;
	s1 =	sadd.s32 $0x40, s26  }
0x379: {  	[hbm4b:s1+s3] =	stream.linear.scatter [tilespmem:s0], [sflag:$0x4], $0x80, $0x38;
	[tilespmem:$0x16C00] =	vst v63  }
0x37a: {  	s0 =	sadd.s32 $0x12AA8, s28;
	s1 =	sadd.s32 $0x50, s26  }
0x37b: {  	[hbm4b:s1+s3] =	stream.linear.scatter [tilespmem:s0], [sflag:$0x4], $0x80, $0x38;
	[tilespmem:$0x16C00] =	vst v63  }
0x37c: {  	s0 =	sadd.s32 $0x12B30, s28;
	s1 =	sadd.s32 $0x60, s26  }
0x37d: {  	[hbm4b:s1+s3] =	stream.linear.scatter [tilespmem:s0], [sflag:$0x4], $0x80, $0x38;
	[tilespmem:$0x16C00] =	vst v63  }
0x37e: {  	s0 =	sadd.s32 $0x12BB8, s28;
	s1 =	sadd.s32 $0x70, s26  }
0x37f: {  	[hbm4b:s1+s3] =	stream.linear.scatter [tilespmem:s0], [sflag:$0x4], $0x80, $0x38;
	[tilespmem:$0x16C00] =	vst v63  }
0x380: {  	s0 =	sadd.s32 $0x12C40, s28;
	s1 =	sadd.s32 $0x80, s26  }
0x381: {  	[hbm4b:s1+s3] =	stream.linear.scatter [tilespmem:s0], [sflag:$0x4], $0x80, $0x38;
	[tilespmem:$0x16C00] =	vst v63  }
0x382: {  	s0 =	sadd.s32 $0x12CC8, s28;
	s1 =	sadd.s32 $0x90, s26  }
0x383: {  	[hbm4b:s1+s3] =	stream.linear.scatter [tilespmem:s0], [sflag:$0x4], $0x80, $0x38;
	[tilespmem:$0x16C00] =	vst v63  }
0x384: {  	s0 =	sadd.s32 $0x12D50, s28;
	s1 =	sadd.s32 $0xA0, s26  }
0x385: {  	[hbm4b:s1+s3] =	stream.linear.scatter [tilespmem:s0], [sflag:$0x4], $0x80, $0x38;
	[tilespmem:$0x16C00] =	vst v63  }
0x386: {  	s0 =	sadd.s32 $0x12DD8, s28;
	s1 =	sadd.s32 $0xB0, s26  }
0x387: {  	[hbm4b:s1+s3] =	stream.linear.scatter [tilespmem:s0], [sflag:$0x4], $0x80, $0x38;
	[tilespmem:$0x16C00] =	vst v63  }
0x388: {  	s0 =	sadd.s32 $0x12E60, s28;
	s1 =	sadd.s32 $0xC0, s26  }
0x389: {  	[hbm4b:s1+s3] =	stream.linear.scatter [tilespmem:s0], [sflag:$0x4], $0x80, $0x38;
	[tilespmem:$0x16C00] =	vst v63  }
0x38a: {  	s0 =	sadd.s32 $0x12EE8, s28;
	s1 =	sadd.s32 $0xD0, s26  }
0x38b: {  	[hbm4b:s1+s3] =	stream.linear.scatter [tilespmem:s0], [sflag:$0x4], $0x80, $0x38;
	[tilespmem:$0x16C00] =	vst v63  }
.Ltmp13:
0x38c: {  	_ = 	snop;
	(pc) =	sbr.rel @p0 .LBB2_28-.Ltmp13, $4  }
0x38d: {  	s0 =	sadd.s32 $0x12F70, s28;
	s1 =	sadd.s32 $0xE0, s26  }
0x38e: {  	[hbm4b:s1+s3] =	stream.linear.scatter [tilespmem:s0], [sflag:$0x4], $0x80, $0x38;
	[tilespmem:$0x16C00] =	vst v63  }
0x38f: {  	s1 =	sadd.s32 $0x12FF8, s28  }
0x390: {  	s28 =	sadd.s32 $0xF0, s26;
	s26 =	sadd.s32 $0xC8000, s26;
	s0 =	smov.u32 s29  }
0x391: {  	[hbm4b:s28+s3] =	stream.linear.scatter [tilespmem:s1], [sflag:$0x4], $0x80, $0x38;
	[tilespmem:$0x16C00] =	vst v63  }
0x392: {  	s0 =	sadd.s32 $0x12800, s25  }
0x393: {  	[hbm4b:s26+s3] =	stream.linear.scatter [tilespmem:s0], [sflag:$0x4], $0x80, $0x38;
	[tilespmem:$0x16C00] =	vst v63  }
0x394: {  	s18 =	sadd.s32 $0x12888, s25;
	s21 =	sadd.s32 $0x10, s26  }
0x395: {  	[hbm4b:s21+s3] =	stream.linear.scatter [tilespmem:s18], [sflag:$0x4], $0x80, $0x38;
	[tilespmem:$0x16C00] =	vst v63  }
0x396: {  	s28 =	sadd.s32 $0x12910, s25;
	s29 =	sadd.s32 $0x20, s26  }
0x397: {  	[hbm4b:s29+s3] =	stream.linear.scatter [tilespmem:s28], [sflag:$0x4], $0x80, $0x38;
	[tilespmem:$0x16C00] =	vst v63  }
0x398: {  	s30 =	sadd.s32 $0x12998, s25;
	s31 =	sadd.s32 $0x30, s26  }
0x399: {  	[hbm4b:s31+s3] =	stream.linear.scatter [tilespmem:s30], [sflag:$0x4], $0x80, $0x38;
	[tilespmem:$0x16C00] =	vst v63  }
0x39a: {  	s18 =	sadd.s32 $0x12A20, s25;
	s21 =	sadd.s32 $0x40, s26  }
0x39b: {  	[hbm4b:s21+s3] =	stream.linear.scatter [tilespmem:s18], [sflag:$0x4], $0x80, $0x38;
	[tilespmem:$0x16C00] =	vst v63  }
0x39c: {  	s28 =	sadd.s32 $0x12AA8, s25;
	s29 =	sadd.s32 $0x50, s26  }
0x39d: {  	[hbm4b:s29+s3] =	stream.linear.scatter [tilespmem:s28], [sflag:$0x4], $0x80, $0x38;
	[tilespmem:$0x16C00] =	vst v63  }
0x39e: {  	s30 =	sadd.s32 $0x12B30, s25;
	s31 =	sadd.s32 $0x60, s26  }
0x39f: {  	[hbm4b:s31+s3] =	stream.linear.scatter [tilespmem:s30], [sflag:$0x4], $0x80, $0x38;
	[tilespmem:$0x16C00] =	vst v63  }
0x3a0: {  	s18 =	sadd.s32 $0x12BB8, s25;
	s21 =	sadd.s32 $0x70, s26  }
0x3a1: {  	[hbm4b:s21+s3] =	stream.linear.scatter [tilespmem:s18], [sflag:$0x4], $0x80, $0x38;
	[tilespmem:$0x16C00] =	vst v63  }
0x3a2: {  	s28 =	sadd.s32 $0x12C40, s25;
	s29 =	sadd.s32 $0x80, s26  }
0x3a3: {  	[hbm4b:s29+s3] =	stream.linear.scatter [tilespmem:s28], [sflag:$0x4], $0x80, $0x38;
	[tilespmem:$0x16C00] =	vst v63  }
0x3a4: {  	s30 =	sadd.s32 $0x12CC8, s25;
	s31 =	sadd.s32 $0x90, s26  }
0x3a5: {  	[hbm4b:s31+s3] =	stream.linear.scatter [tilespmem:s30], [sflag:$0x4], $0x80, $0x38;
	[tilespmem:$0x16C00] =	vst v63  }
0x3a6: {  	s18 =	sadd.s32 $0x12D50, s25;
	s21 =	sadd.s32 $0xA0, s26  }
0x3a7: {  	[hbm4b:s21+s3] =	stream.linear.scatter [tilespmem:s18], [sflag:$0x4], $0x80, $0x38;
	[tilespmem:$0x16C00] =	vst v63  }
0x3a8: {  	s28 =	sadd.s32 $0x12DD8, s25;
	s29 =	sadd.s32 $0xB0, s26  }
0x3a9: {  	[hbm4b:s29+s3] =	stream.linear.scatter [tilespmem:s28], [sflag:$0x4], $0x80, $0x38;
	[tilespmem:$0x16C00] =	vst v63  }
0x3aa: {  	s30 =	sadd.s32 $0x12E60, s25;
	s31 =	sadd.s32 $0xC0, s26  }
0x3ab: {  	[hbm4b:s31+s3] =	stream.linear.scatter [tilespmem:s30], [sflag:$0x4], $0x80, $0x38;
	[tilespmem:$0x16C00] =	vst v63  }
0x3ac: {  	s18 =	sadd.s32 $0x12EE8, s25;
	s21 =	sadd.s32 $0xD0, s26  }
0x3ad: {  	[hbm4b:s21+s3] =	stream.linear.scatter [tilespmem:s18], [sflag:$0x4], $0x80, $0x38;
	[tilespmem:$0x16C00] =	vst v63  }
0x3ae: {  	s28 =	sadd.s32 $0x12F70, s25;
	s29 =	sadd.s32 $0xE0, s26  }
0x3af: {  	[hbm4b:s29+s3] =	stream.linear.scatter [tilespmem:s28], [sflag:$0x4], $0x80, $0x38;
	[tilespmem:$0x16C00] =	vst v63  }
0x3b0: {  	s24 =	sadd.s32 $0x1, s24;
	s30 =	sadd.s32 $0x12FF8, s25;
	s31 =	sadd.s32 $0xF0, s26  }
0x3b1: {  	[hbm4b:s31+s3] =	stream.linear.scatter [tilespmem:s30], [sflag:$0x4], $0x80, $0x38;
	[tilespmem:$0x16C00] =	vst v63  }
0x3b2: {  	p0 =	sne.s32 s24, s11;
	_ =	swait.ge [sflag:s22], $0x4000  }
.Ltmp14:
0x3b3: {  	[sflag:s22] =	ssyncset.done $0x0;
	(pc) =	sbr.rel @p0 .LBB2_1-.Ltmp14, $4  }
0x3b4: {  	[sflag:s22] =	ssyncadd.s32 $0xFFFFC000  }
0x3b5: {  	_ =	swait.ge [sflag:s23], $0x4000  }
0x3b6: {  	[sflag:s23] =	ssyncset.done $0x0  }
0x3b7: {  	[sflag:s23] =	ssyncadd.s32 $0xFFFFC000  }
0x3b8: {  	_ =	sfence.sel $0x180000  }
0x3b9: {  	[bflag:$0x0] =	sbarrier.arrive $0xFFFF  }
0x3ba: {  	_ =	strace $0x9000004A  }
0x3bb: {  	s0 =	stileid.u32;
	[bflag:$0x2] =	sbarrier.arrive $0xFFFF  }
0x3bc: {  	p0 =	sne.s32 s0, $0x0;
	s0 =	rddreg [dreg:$0x2]  }
0x3bd: {  	s0 =	sadd.s32 @!p0 $0x100000, s0  }
0x3be: {  	[sflag:s0] =	ssyncadd.tile.s32 @!p0 $0x1;
	_ =	shalt  }
.Lfunc_end2:
_tile_overlayer_lowered:
.L_overlay_start_2:
0x3bf: {  	(tag) =	ssettag $0x2  }
0x3c0: {  	s0 =	rddreg [dreg:$0x0];
	s2 =	stileid.u32  }
0x3c1: {  	s1 =	rddreg [dreg:$0x1];
	p0 =	sne.s32 s2, $0x0  }
0x3c2: {  	s3 =	rddreg [dreg:$0x2];
	[bflag:$0x3] =	sbarrier.arrive $0xFFFF;
	s2 =	simm.s32 @!p0 $0x1C05  }
0x3c3: {  	[timem:s3], [sflag:s2] =	dma.local @!p0 [hbm:s0], s1  }
0x3c4: {  	s0 =	simm.s32 @!p0 $0x5  }
0x3c5: {  	_ =	swait.ge @!p0 [sflag:s0], s1  }
0x3c6: {  	s1 =	ssub.s32 @!p0 $0x0, s1;
	[sflag:s0] =	ssyncset.done @!p0 $0x0  }
0x3c7: {  	[sflag:s0] =	ssyncadd.s32 @!p0 s1  }
0x3c8: {  	[bflag:$0x3] =	sbarrier.arrive $0xFFFF  }
0x3c9: {  	_ =	shalt  }

// kernel: sparse-core-data-format-call.cloned.1.call-start
scs
called_computation_lowered:
.L_overlay_start_0:
0x0: {  	s2 =	sld [smem:$0x3FD9]  }
0x1: {  	s3 =	sld [smem:$0x3FFE];
	_ =	sdelay $0x1  }
0x2: {  	s1 =	srdreg.scid  }
0x3: {  	s0 =	sand.u32 $0x1, s1  }
0x4: {  	s18 =	sshll.u32 s0, $0xA;
	s2 =	sadd.s32 s3, s2  }
0x5: {  	s2 =	sadd.s32 s2, s18  }
0x6: {  	[smem:$0x3FC6] =	sst s2  }
0x7: {  	_ = 	snop  }
0x8: {  	s2 =	sld [smem:$0x3FC8];
	(tm) =	ssettm $0x1  }
0x9: {  	s19 =	sld [smem:$0x3FFB];
	_ =	sdelay $0x3  }
0xa: {  	_ =	strace s19  }
0xb: {  	s3 =	sld [smem:$0x3FFC];
	_ =	sdelay $0x3  }
0xc: {  	_ =	strace s3  }
0xd: {  	s3 =	sld [smem:$0x3FFD];
	_ =	sdelay $0x3  }
0xe: {  	_ =	strace s3  }
0xf: {  	_ =	strace $0x8FFFFFFF  }
0x10: {  	s20 =	sld [smem:$0x3FDB];
	_ =	sdelay $0x1  }
0x11: {  	s4 =	simm.s32 $_scs_section_size  }
0x12: {  	s5 =	simm.s32 $_size__tile_overlayer_lowered;
	s6 =	simm.s32 $_tile_overlayer_lowered  }
0x13: {  	s23 =	simm.s32 $0x1BFF;
	s22 =	sshll.u32 s6, $0x1;
	s3 =	sadd.s32 s4, s20  }
0x14: {  	s7 =	simm.s32 $0x0;
	s21 =	sshll.u32 s5, $0x1;
	s5 =	sadd.s32 s22, s3  }
0x15: {  	[timem:s7], [sflag:s23] =	dma.local [hbm:s5], s21  }
0x16: {  	_ =	swait.ge [sflag:s23], s21  }
0x17: {  	s4 =	ssub.s32 $0x0, s21;
	[sflag:s23] =	ssyncset.done $0x0  }
0x18: {  	[sflag:s23] =	ssyncadd.s32 s4;
	_ =	sdelay $0x1  }
0x19: {  	s24 =	simm.s32 $0x1B8B  }
0x1a: {  	_ =	swait.ge [sflag:s24], $0x1  }
0x1b: {  	[sflag:s24] =	ssyncset.done $0x0  }
0x1c: {  	s26 =	simm.s32 $0x1B8E;
	s25 =	sld [smem:$0x3FFE];
	[sflag:s24] =	ssyncadd.s32 $0xFFFFFFFF  }
0x1d: {  	s27 =	simm.s32 $execute0_lowered;
	[smem:$0x3FD2] =	sst s26  }
0x1e: {  	s5 =	sshll.u32 s27, $0x1;
	_ =	strace $0x80000046;
	[dreg:$0x1] =	wrdreg $0xFFFFFFFF  }
0x1f: {  	s28 =	simm.s32 $_size_execute0_lowered;
	s3 =	sadd.s32 s3, s5;
	[dreg:$0x0] =	wrdreg $0x0  }
0x20: {  	s5 =	sshll.u32 s28, $0x1;
	[dreg:$0x2] =	wrdreg s3  }
0x21: {  	[dreg:$0x3] =	wrdreg s5  }
0x22: {  	[dreg:$0x4] =	wrdreg $0xC0  }
0x23: {  	_ =	task [dreg:s7], $0x5FFFF  }
0x24: {  	[dreg:$0x1] =	wrdreg $0xFFFFFFFF  }
0x25: {  	[dreg:$0x0] =	wrdreg $0x60  }
0x26: {  	[dreg:$0x2] =	wrdreg s2  }
0x27: {  	[dreg:$0x3] =	wrdreg s25  }
0x28: {  	[dreg:$0x4] =	wrdreg $0x9  }
0x29: {  	_ =	task.clear_ibuf [dreg:s7], $0x5FFFF;
	_ =	strace $0x90000046  }
0x2a: {  	s29 =	simm.s32 $0x9;
	_ =	strace $0x80000048  }
0x2b: {  	_ =	swait.ge [sflag:s29], $0x1  }
0x2c: {  	[sflag:s29] =	ssyncadd.s32 $0xFFFFFFFF  }
0x2d: {  	_ =	strace $0x90000048  }
0x2e: {  	_ =	sfence  }
0x2f: {  	s30 =	sld [smem:$0x0];
	_ =	sdelay $0x2  }
0x30: {  	s31 =	sshll.u32 s1, $0xD;
	s1 =	sshrl.u32 s1, $0x2  }
0x31: {  	s3 =	sand.u32 $0x4000, s31;
	s1 =	sadd.s32 s1, s30  }
0x32: {  	s0 =	sor.u32 s3, s0;
	s1 =	sshll.u32 s1, $0x11  }
0x33: {  	s0 =	sor.u32 s1, s0  }
0x34: {  	s0 =	sadd.s32 $0x8F2B, s0  }
0x35: {  	[sflag:s0] =	ssyncadd.remote.s32 $0x1  }
0x36: {  	_ =	sfence.sel $0xFFFF  }
0x37: {  	[dreg:$0x0] =	wrdreg $0xFFFFFFFF;
	(pc) =	sbr.abs _section_cstart, $3  }
0x38: {  	[dreg:$0x1] =	wrdreg $0xFFFFFFFF  }
0x39: {  	_ =	task.clear_ibuf [dreg:s7], $0x2FFFF;
	_ =	strace $0x9FFFFFFF  }
0x3a: {  	(tm) =	ssettm $0x7FFFFFFF  }
0x3b: {  	_ =	shalt  }
tec
execute0_lowered:
.L_overlay_start_1:
0x0: {  	(tag) =	ssettag $0x1  }
0x1: {  	s0 =	srdreg.scid;
	s2 =	rddreg [dreg:$0x0]  }
0x2: {  	s5 =	rddreg [dreg:$0x1];
	s1 =	stileid.u32  }
0x3: {  	s4 =	simm.s32 $0x1;
	s6 =	simm.s32 $0x2;
	s15 =	simm.s32 $0x0  }
0x4: {  	p0 =	por $0x0, $0x0;
	s8 =	simm.s32 $0x80;
	s0 =	sshll.u32 s0, $0x4  }
0x5: {  	s14 =	simm.s32 $0x0;
	s9 =	simm.s32 $0x0;
	s3 =	sand.u32 $0x10, s0  }
.Ltmp0:
0x6: {  	s10 =	simm.s32 $0x0;
	s3 =	sor.u32 s1, s3;
	(pc) =	sbr.rel .LBB1_1-.Ltmp0, $4  }
0x7: {  	s0 =	rddreg [dreg:$0x2];
	_ =	strace $0x80000047;
	s3 =	sshll.u32 s3, $0x7  }
0x8: {  	s12 =	simm.s32 $0x0;
	[sflag:s4] =	ssyncpa.u1 $0x0;
	s7 =	ssub.s32 $0xF4200, s3  }
0x9: {  	s13 =	simm.s32 $0x0;
	[sflag:s6] =	ssyncpa.u1 $0x0;
	s6 =	sshrl.u32 s7, $0xC  }
0xa: {  	s5 =	sadd.s32 $0xA00, s5;
	s11 =	smov.u32 s3;
	s7 =	sadd.s32 $0x2, s6  }
.LBB1_5:
0xb: {  	p1 =	slt.u32 s13, $0x2  }
0xc: {  	s17 =	smov.u32 s15;
	p2 =	sgt.s32 @!p1 s15, $0xF41C0;
	s16 =	sshra.s32 @!p1 s15, $0x1F  }
0xd: {  	p3 =	sgt.s32 @!p1 s14, $0x40;
	s18 =	sshra.s32 @!p1 s14, $0x1F;
	p2 =	por !p2, p1  }
0xe: {  	s15 =	sand.u32 @!p1 s16, s15;
	p3 =	por !p3, p1;
	s16 =	smov.u32 s14  }
0xf: {  	s14 =	sand.u32 @!p1 s18, s14;
	s17 =	simm.s32 @p2 $0xF41C0;
	s16 =	simm.s32 @p3 $0x40  }
0x10: {  	s15 =	ssub.s32 @!p1 s17, s15;
	s14 =	ssub.s32 @!p1 s16, s14  }
0x11: {  	s18 =	smov.u32 s12;
	s16 =	sadd.s32 @!p1 $0xFFF0BE40, s15;
	s17 =	sadd.s32 @!p1 $0xFFFFFFC0, s14  }
0x12: {  	s15 =	ssub.s32 @!p1 $0xF4240, s15;
	p2 =	sgt.s32 @!p1 s16, $0x7F;
	p3 =	sgt.s32 @!p1 s17, $0x3F  }
0x13: {  	s14 =	ssub.s32 @!p1 $0x80, s14;
	p2 =	por !p2, p1;
	p3 =	por !p3, p1  }
0x14: {  	s16 =	sadd.s32 $0x1000, s11;
	s15 =	simm.s32 @!p2 $0x0;
	s14 =	simm.s32 @!p3 $0x0  }
0x15: {  	p2 =	sgt.s32 s16, $0xF423F;
	s14 =	smul.u32 @!p1 s14, s15;
	s15 =	sadd.s32 $0x40, s12  }
0x16: {  	s18 =	smov.u32 @p2 s15  }
0x17: {  	s16 =	smov.u32 @p2 s3;
	p2 =	sgt.s32 s18, $0x3F  }
0x18: {  	s18 =	simm.s32 @p2 $0x0;
	p2 =	sne.s32 s13, s7  }
.Ltmp1:
0x19: {  	p0 =	por !p0, !p0;
	s17 =	simm.s32 @!p1 $0x2;
	(pc) =	sbr.rel @!p2 .LBB1_6-.Ltmp1, $4  }
0x1a: {  	s15 =	smov.u32 s9;
	s9 =	smov.u32 s11;
	s14 =	sand.u32 @!p1 $0x3FFFFFFF, s14  }
0x1b: {  	s11 =	smov.u32 s16;
	_ =	swait.ge @!p1 [sflag:s17], s14;
	s19 =	ssub.s32 @!p1 $0x0, s14  }
0x1c: {  	s14 =	smov.u32 s10;
	s13 =	sadd.s32 $0x1, s13;
	[sflag:s17] =	ssyncset.done @!p1 $0x0  }
0x1d: {  	s10 =	smov.u32 s12;
	s12 =	smov.u32 s18;
	[sflag:s17] =	ssyncadd.s32 @!p1 s19  }
.LBB1_1:
0x1e: {  	p1 =	sgt.u32 s13, s6  }
0x1f: {  	s16 =	sshrl.u32 @!p1 s12, $0x3  }
0x20: {  	s17 =	sshll.u32 @!p1 s11, $0x3;
	s16 =	smul.u32 @!p1 $0x7A1400, s16  }
0x21: {  	s18 =	sshll.u32 @!p1 s12, $0x7;
	s17 =	sand.u32 @!p1 $0xFFFFFC00, s17  }
0x22: {  	s16 =	sadd.s32 @!p1 s16, s17;
	s17 =	sand.u32 @!p1 $0x380, s18  }
0x23: {  	s18 =	sand.u32 @!p1 $0x7F, s11;
	s16 =	sor.u32 @!p1 s17, s16  }
0x24: {  	s17 =	sor.u32 @!p1 s18, s16  }
0x25: {  	s18 =	smulhi.u32 @!p1 $0x218D6287, s17;
	_ =	sdelay $0x1  }
0x26: {  	s16 =	smulhi.u32 @!p1 $0x218D6287, s16;
	s18 =	sshrl.u32 @!p1 s18, $0x11  }
0x27: {  	s18 =	smul.u32 @!p1 $0xF4280, s18  }
0x28: {  	s19 =	sxor.u32 @!p1 $0xFFFFFFFF, s13;
	s16 =	sshrl.u32 @!p1 s16, $0x11  }
0x29: {  	s19 =	sshll.u32 @!p1 s19, $0xD;
	s16 =	sand.u32 @!p1 $0x3F, s16;
	s17 =	ssub.s32 @!p1 s17, s18  }
0x2a: {  	s16 =	smul.u32 @!p1 $0x1E850, s16;
	s18 =	sshrl.u32 @!p1 s17, $0x3;
	s17 =	sand.u32 @!p1 $0x7, s17  }
0x2b: {  	s19 =	sand.u32 @!p1 $0x2000, s19;
	s18 =	sadd.s32 @!p1 s2, s18;
	s17 =	sshll.u32 @!p1 s17, $0x12  }
0x2c: {  	s16 =	sadd.s32 @!p1 s16, s18;
	s17 =	sor.u32 @!p1 $0x400, s17;
	s18 =	simm.s32 @!p1 $0x7A1400  }
0x2d: {  	[tilespmem:s19], [sflag:$0x1] =	stream.strided.gather @!p1 [hbm4b:s16+s17], $0x2000, s18, s17, $0x38;
	[tilespmem:$0x8100] =	vst v63  }
0x2e: {  	p1 =	seq.s32 s13, $0x0  }
0x2f: {  	p2 =	sge.u32 @!p1 s13, s7  }
0x30: {  	p1 =	por p1, p2  }
.Ltmp2:
0x31: {  	_ = 	snop;
	(pc) =	sbr.rel @p1 .LBB1_5-.Ltmp2, $1  }
0x32: {  	_ =	sdelay $0x3  }
0x33: {  	s16 =	simm.s32 $0x1  }
0x34: {  	_ =	swait.ge [sflag:s4], $0x2000;
	s16 =	simm.s32 @!p0 $0x0  }
0x35: {  	[sflag:s4] =	ssyncset.done $0x0;
	s17 =	sshll.u32 s16, $0xD  }
0x36: {  	[sflag:s4] =	ssyncadd.s32 $0xFFFFE000;
	s17 =	sor.u32 $0x40, s17  }
0x37: {  	s16 =	smul.u32 $0x8200, s16;
	v0 =	vld [tilespmem:s17+$0x30]  }
0x38: {  	v1 =	vld [tilespmem:s17+$0xFFFFFFD0]  }
0x39: {  	s16 =	sshrl.u32 s16, $0x2;
	v5 =	vld [tilespmem:s17+$0xFFFFFFE0]  }
0x3a: {  	v6 =	vld [tilespmem:s17+$0xFFFFFFF0];
	s19 =	sor.u32 $0x4000, s16  }
0x3b: {  	s31 =	sand.u32 $0x1, s13;
	v4 =	vld [tilespmem:s17+$0x0];
	s18 =	sadd.s32 $0x0, s19  }
0x3c: {  	v3 =	vld [tilespmem:s17+$0x10];
	s16 =	smul.u32 $0x8200, s31;
	[tilespmem:s18+$0x1C70 ss:$0x41] =	vst.msk $0xffff, v0  }
0x3d: {  	v2 =	vld [tilespmem:s17+$0x20];
	[tilespmem:s18+$0x410 ss:$0x41] =	vst.msk $0xffff, v1  }
0x3e: {  	s16 =	sshrl.u32 s16, $0x2;
	v1 =	vld [tilespmem:s17+$0xFFFFFFC0];
	[tilespmem:s18+$0x820 ss:$0x41] =	vst.msk $0xffff, v5;
	s17 =	sadd.s32 $0x80, s17  }
0x3f: {  	s20 =	simm.s32 $0x4;
	s21 =	simm.s32 $0x8;
	s16 =	sor.u32 $0x4000, s16;
	[tilespmem:s18+$0xC30 ss:$0x41] =	vst.msk $0xffff, v6;
	v0 =	vld [tilespmem:s17+$0x30]  }
.LBB1_3:
0x40: {  	p1 =	sne.s32 s21, $0xFC;
	v5 =	vld [tilespmem:s17+$0xFFFFFFD0];
	[tilespmem:s18+$0x1040 ss:$0x41] =	vst.msk $0xffff, v4  }
0x41: {  	v6 =	vld [tilespmem:s17+$0xFFFFFFE0];
	[tilespmem:s18+$0x1450 ss:$0x41] =	vst.msk $0xffff, v3  }
0x42: {  	s22 =	sshra.s32 s20, $0x2;
	s20 =	smov.u32 s21;
	v7 =	vld [tilespmem:s17+$0xFFFFFFF0];
	[tilespmem:s18+$0x1860 ss:$0x41] =	vst.msk $0xffff, v2  }
.Ltmp3:
0x43: {  	v4 =	vld [tilespmem:s17+$0x0];
	[tilespmem:s18+$0x0 ss:$0x41] =	vst.msk $0xffff, v1;
	s18 =	sadd.s32 s22, s19;
	(pc) =	sbr.rel @p1 .LBB1_3-.Ltmp3, $4  }
0x44: {  	v3 =	vld [tilespmem:s17+$0x10];
	[tilespmem:s18+$0x1C70 ss:$0x41] =	vst.msk $0xffff, v0  }
0x45: {  	[tilespmem:s18+$0x410 ss:$0x41] =	vst.msk $0xffff, v5;
	v2 =	vld [tilespmem:s17+$0x20]  }
0x46: {  	v1 =	vld [tilespmem:s17+$0xFFFFFFC0];
	[tilespmem:s18+$0x820 ss:$0x41] =	vst.msk $0xffff, v6;
	s17 =	sadd.s32 $0x80, s17  }
0x47: {  	s21 =	sadd.s32 $0x4, s21;
	v0 =	vld [tilespmem:s17+$0x30];
	[tilespmem:s18+$0xC30 ss:$0x41] =	vst.msk $0xffff, v7  }
0x48: {  	s21 =	sshll.u32 s9, $0x7;
	s22 =	sshll.u32 s10, $0x3;
	s20 =	sshra.s32 s20, $0x2  }
0x49: {  	p1 =	sgt.s32 s9, $0xF41C0;
	s30 =	sshra.s32 s9, $0x1F;
	s25 =	sshra.s32 s10, $0x1F  }
0x4a: {  	v5 =	vld [tilespmem:s17+$0xFFFFFFD0];
	s28 =	sshrl.u32 s10, $0x3;
	s23 =	sand.u32 $0xFFFFFC00, s21;
	s22 =	sand.u32 $0xFFFFFC00, s22  }
0x4b: {  	[tilespmem:s18+$0x1040 ss:$0x41] =	vst.msk $0xffff, v4;
	v58 =	vld [tilespmem:s17+$0xFFFFFFE0];
	s21 =	sand.u32 $0x380, s21;
	s19 =	sadd.s32 s20, s19;
	s22 =	sadd.s32 s22, s23  }
0x4c: {  	v59 =	vld [tilespmem:s17+$0xFFFFFFF0];
	[tilespmem:s18+$0x1450 ss:$0x41] =	vst.msk $0xffff, v3;
	s29 =	sor.u32 s21, s22;
	s21 =	smov.u32 s9;
	s22 =	sand.u32 s30, s9  }
0x4d: {  	v60 =	vld [tilespmem:s17+$0x0];
	[tilespmem:s18+$0x1860 ss:$0x41] =	vst.msk $0xffff, v2;
	s30 =	sand.u32 $0x7, s10;
	s20 =	sshrl.u32 s29, $0x7;
	s21 =	simm.s32 @!p1 $0xF41C0  }
0x4e: {  	v61 =	vld [tilespmem:s17+$0x10];
	[tilespmem:s18+$0x0 ss:$0x41] =	vst.msk $0xffff, v1;
	p1 =	sgt.s32 s10, $0x40;
	s24 =	ssub.s32 s21, s22;
	s21 =	smov.u32 s10  }
0x4f: {  	v62 =	vld [tilespmem:s17+$0x20];
	[tilespmem:s19+$0x1C70 ss:$0x41] =	vst.msk $0xffff, v0;
	s31 =	smulhi.u32 $0x218DEF5, s20;
	s22 =	sand.u32 s25, s10;
	s21 =	simm.s32 @!p1 $0x40  }
0x50: {  	v63 =	vld [tilespmem:s17+$0xFFFFFFC0];
	[tilespmem:s19+$0x410 ss:$0x41] =	vst.msk $0xffff, v5;
	s26 =	sadd.s32 $0xFFF0BE40, s24;
	s17 =	ssub.s32 $0xF4240, s24;
	s21 =	ssub.s32 s21, s22  }
0x51: {  	[tilespmem:s19+$0x820 ss:$0x41] =	vst.msk $0xffff, v58;
	s23 =	sshrl.u32 s31, $0xD;
	p1 =	sgt.s32 s26, $0x7F;
	s27 =	sadd.s32 $0xFFFFFFC0, s21  }
0x52: {  	[tilespmem:s19+$0xC30 ss:$0x41] =	vst.msk $0xffff, v59;
	s23 =	smul.u32 $0xF4240, s23;
	s18 =	ssub.s32 $0x80, s21;
	p2 =	sgt.s32 s27, $0x3F  }
.Ltmp4:
0x53: {  	[tilespmem:s19+$0x1040 ss:$0x41] =	vst.msk $0xffff, v60;
	s17 =	simm.s32 @p1 $0x0;
	s18 =	simm.s32 @p2 $0x0;
	(pc) =	sbr.rel .LBB1_5-.Ltmp4, $4  }
0x54: {  	s29 =	sand.u32 $0xF, s28;
	[tilespmem:s19+$0x1450 ss:$0x41] =	vst.msk $0xffff, v61;
	s20 =	ssub.s32 s20, s23;
	s17 =	smul.u32 s18, s17  }
0x55: {  	[tilespmem:s19+$0x1860 ss:$0x41] =	vst.msk $0xffff, v62;
	s21 =	sshll.u32 s30, $0x12;
	s20 =	sshll.u32 s20, $0x4;
	s18 =	sadd.s32 s5, s29  }
0x56: {  	[tilespmem:s19+$0x0 ss:$0x41] =	vst.msk $0xffff, v63;
	s31 =	sor.u32 $0x40, s21;
	s18 =	sadd.s32 s20, s18;
	s17 =	sand.u32 $0x3FFFFFFF, s17  }
0x57: {  	[hbm4b:s18+s31] =	stream.strided.scatter [tilespmem:s16], [sflag:$0x2], s17, s8, s31, $0x18;
	[tilespmem:$0x8100] =	vst v63  }
.LBB1_6:
0x58: {  	_ =	sfence.sel $0x180000  }
0x59: {  	s2 =	simm.s32 $0x1;
	[bflag:$0x0] =	sbarrier.arrive $0xFFFF  }
0x5a: {  	s31 =	simm.s32 $0x2;
	[sflag:s2] =	ssyncpa.u1 $0x1  }
0x5b: {  	[sflag:s31] =	ssyncpa.u1 $0x1  }
0x5c: {  	p0 =	sne.s32 s1, $0x0;
	_ =	strace $0x90000047  }
0x5d: {  	s0 =	sadd.s32 @!p0 $0x100000, s0;
	[bflag:$0x2] =	sbarrier.arrive $0xFFFF  }
0x5e: {  	[sflag:s0] =	ssyncadd.tile.s32 @!p0 $0x1;
	_ =	shalt  }
.Lfunc_end1:
_tile_overlayer_lowered:
.L_overlay_start_2:
0x5f: {  	(tag) =	ssettag $0x2  }
0x60: {  	s0 =	rddreg [dreg:$0x0];
	s2 =	stileid.u32  }
0x61: {  	s1 =	rddreg [dreg:$0x1];
	p0 =	sne.s32 s2, $0x0  }
0x62: {  	s3 =	rddreg [dreg:$0x2];
	[bflag:$0x3] =	sbarrier.arrive $0xFFFF;
	s2 =	simm.s32 @!p0 $0x1C01  }
0x63: {  	[timem:s3], [sflag:s2] =	dma.local @!p0 [hbm:s0], s1  }
0x64: {  	s0 =	simm.s32 @!p0 $0x1  }
0x65: {  	_ =	swait.ge @!p0 [sflag:s0], s1  }
0x66: {  	s1 =	ssub.s32 @!p0 $0x0, s1;
	[sflag:s0] =	ssyncset.done @!p0 $0x0  }
0x67: {  	[sflag:s0] =	ssyncadd.s32 @!p0 s1  }
0x68: {  	[bflag:$0x3] =	sbarrier.arrive $0xFFFF  }
0x69: {  	_ =	shalt  }

</sc_bundles>
